<compile_context>
chip_gen: v7x
topology: tpu7x:2x2x1
jax: 0.10.2.dev20260603
libtpu: 0.0.44.dev20260713+nightly
codegen_flags: <defaults>
</compile_context>

<pallas_src>
import functools
import math

import jax
import jax.numpy as jnp
import numpy as np
from jax import lax
from jax.experimental import pallas as pl
from jax.experimental.pallas import tpu as pltpu
from jax.experimental.pallas import tpu_sc as plsc

_B = 4096
_S = 200
_D = 128
_PAD_IDX = 0

_NC = 2
_NS = 16
_NW = _NC * _NS
_ROWS_PER_W = _B // _NW
_ELEMS_PER_W = _ROWS_PER_W * _S
_C = 2
_GROUPS = _ROWS_PER_W // _C
_NBUF = 8
_LANES = 16
_GROUP_ELEMS = _C * _S
_VECS_PER_SCAN_BLOCK = 5
_SCAN_BLOCK = _VECS_PER_SCAN_BLOCK * _LANES
_BLOCKS_PER_GROUP = _GROUP_ELEMS // _SCAN_BLOCK
_U32_MAX = 4294967295


def _sinusoid_table() -> np.ndarray:
    half = _D // 2
    scale = math.log(10000.0) / (half - 1)
    freqs = np.exp(np.arange(half, dtype=np.float32) * np.float32(-scale))
    ang = np.arange(_S, dtype=np.float32)[:, None] * freqs[None, :]
    return np.concatenate([np.sin(ang), np.cos(ang)], axis=1).astype(np.float32)


_TABLE = _sinusoid_table()


@functools.partial(
    pl.kernel,
    mesh=plsc.VectorSubcoreMesh(core_axis_name="c", subcore_axis_name="s"),
    out_type=jax.ShapeDtypeStruct((_B * _S, _D), jnp.float32),
    scratch_types=[
        pltpu.VMEM((_C * _S, _D), jnp.float32),
        pltpu.VMEM((_ELEMS_PER_W,), jnp.int32),
        pltpu.SemaphoreType.DMA((_NBUF,)),
        pltpu.SemaphoreType.DMA,
    ],
)
def _pos_emb_sc(x_hbm, table_hbm, out_hbm, staging, x_v, sems, sem_x):
    wid = lax.axis_index("s") * _NC + lax.axis_index("c")
    base = wid * _ELEMS_PER_W

    x_load = pltpu.async_copy(x_hbm.at[pl.ds(base, _ELEMS_PER_W)], x_v, sem_x)
    stage_loads = [
        pltpu.async_copy(table_hbm, staging.at[pl.ds(c * _S, _S)], sems.at[c])
        for c in range(_C)
    ]
    for ld in stage_loads:
        ld.wait()

    def _issue(g, slot):
        pltpu.async_copy(
            staging,
            out_hbm.at[pl.ds(base + g * _GROUP_ELEMS, _GROUP_ELEMS)],
            sems.at[slot],
        )

    def _wait(slot):
        pltpu.make_async_copy(
            staging, out_hbm.at[pl.ds(base, _GROUP_ELEMS)], sems.at[slot]
        ).wait()

    def _scan_group(g):
        gl = g * _GROUP_ELEMS

        def _blk(b, _):
            l0 = pl.multiple_of(gl + b * _SCAN_BLOCK, _LANES)

            def _mn(i, acc):
                off = pl.multiple_of(l0 + i * _LANES, _LANES)
                v = plsc.bitcast(x_v[pl.ds(off, _LANES)], jnp.uint32)
                return jnp.minimum(acc, v)

            acc = lax.fori_loop(
                0, _VECS_PER_SCAN_BLOCK, _mn,
                jnp.full((_LANES,), _U32_MAX, jnp.uint32),
            )
            m = acc[0]
            for i in range(1, _LANES):
                m = jnp.minimum(m, acc[i])

            @pl.when(m == jnp.uint32(_PAD_IDX))
            def _():
                def _vec(i, _):
                    off = pl.multiple_of(l0 + i * _LANES, _LANES)
                    vals = x_v[pl.ds(off, _LANES)]
                    for lane in range(_LANES):

                        @pl.when(vals[lane] == _PAD_IDX)
                        def _():
                            pltpu.sync_copy(
                                staging.at[0], out_hbm.at[base + off + lane]
                            )

                    return 0

                lax.fori_loop(0, _VECS_PER_SCAN_BLOCK, _vec, 0)

            return 0

        lax.fori_loop(0, _BLOCKS_PER_GROUP, _blk, 0)

    for s in range(_NBUF):
        _issue(s, s)
    x_load.wait()

    def _main(g, _):
        slot = lax.rem(g, _NBUF)
        _wait(slot)
        _scan_group(g - _NBUF)
        _issue(g, slot)
        return 0

    lax.fori_loop(_NBUF, _GROUPS, _main, 0)

    def _tail(g, _):
        _wait(lax.rem(g, _NBUF))
        _scan_group(g)
        return 0

    lax.fori_loop(_GROUPS - _NBUF, _GROUPS, _tail, 0)


def kernel(x):
    x = x.astype(jnp.int32).reshape(_B * _S)
    out = _pos_emb_sc(x, jnp.asarray(_TABLE))
    return out.reshape(_B, _S, _D)

# --- scband reference (transcript-rebuilt; emitter-appended) ---
"""Pipeline reference for scband-constant-positional-embedding-68547678044303 (READ-ONLY COPY).

The authoritative reference and input builder live on the scoring server;
editing this copy changes nothing except your own understanding.
"""

import math
import jax, jax.numpy as jnp
import numpy as np

EMBEDDING_DIM = 128
PADDING_IDX = 0


def get_embedding(seq_len, embedding_dim):
    half_dim = embedding_dim // 2
    scale = math.log(10000) / (half_dim - 1)
    freqs = jnp.exp(jnp.arange(half_dim, dtype=jnp.float32) * -scale)
    ang = jnp.arange(seq_len, dtype=jnp.float32)[:, None] * freqs[None, :]
    emb = jnp.concatenate([jnp.sin(ang), jnp.cos(ang)], axis=1).reshape(seq_len, -1)
    if embedding_dim % 2:
        emb = jnp.concatenate([emb, jnp.zeros((seq_len, 1), dtype=jnp.float32)], axis=1)
    return emb


def setup_inputs(seed: int = 0) -> dict:
    key = jax.random.key(seed)
    x = jax.random.randint(key, (4096, 200), 0, 1000, dtype=jnp.int64)
    return {"x": x}


def reference(x):
    batch_size, seq_len = x.shape
    pos_emb = get_embedding(seq_len, EMBEDDING_DIM)
    content_mask = (x != PADDING_IDX).astype(jnp.int32)
    positions = content_mask * jnp.arange(seq_len, dtype=jnp.int32)[None, :]
    out = jnp.take(pos_emb, positions.reshape(-1), axis=0)
    return out.reshape(batch_size, seq_len, -1)

if __name__ == "__main__":
    import jax
    _d = setup_inputs()
    print(jax.jit(kernel)(*tuple(_d.values())))

</pallas_src>

<mosaic_0001>
#map = affine_map<(d0, d1) -> (0)>
#map1 = affine_map<(d0, d1) -> (0, 0)>
module attributes {stable_mosaic.version = 14 : i64} {
  func.func @_pos_emb_sc(%arg0: i32, %arg1: i32, %arg2: memref<819200xi32, #tpu.memory_space<hbm>>, %arg3: memref<200x128xf32, #tpu.memory_space<hbm>>, %arg4: memref<819200x128xf32, #tpu.memory_space<hbm>>, %arg5: memref<400x128xf32, #tpu.memory_space<vmem>>, %arg6: memref<25600xi32, #tpu.memory_space<vmem>>, %arg7: memref<8x!tpu.dma_semaphore, #tpu.memory_space<semaphore_mem>>, %arg8: memref<!tpu.dma_semaphore, #tpu.memory_space<semaphore_mem>>) attributes {dimension_semantics = [#tpu.dimension_semantics<core_parallel>, #tpu.dimension_semantics<subcore_parallel>], iteration_bounds = array<i64: 2, 16>, scalar_prefetch = 0 : i64, scratch_operands = 4 : i64, tpu.core_type = #tpu.core_type<sc_vector_subcore>, window_params = [{transform_indices = #map}, {transform_indices = #map1}, {transform_indices = #map1}]} {
    %mul3A = arith.constant 2 : i32
    %mul3A_0 = arith.muli %arg1, %mul3A : i32
    %add3A = arith.addi %mul3A_0, %arg0 : i32
    %mul3A_1 = arith.constant 25600 : i32
    %mul3A_2 = arith.muli %add3A, %mul3A_1 : i32
    %dma_start3A = tpu.memref_slice %arg2[%mul3A_2] : memref<819200xi32, #tpu.memory_space<hbm>> -> memref<25600xi32, #tpu.memory_space<hbm>>
    %dma_start3A_3 = tpu.memref_slice %arg2[%mul3A_2] : memref<819200xi32, #tpu.memory_space<hbm>> -> memref<25600xi32, #tpu.memory_space<hbm>>
    tpu.enqueue_dma source(%dma_start3A_3 : memref<25600xi32, #tpu.memory_space<hbm>>) target(%arg6 : memref<25600xi32, #tpu.memory_space<vmem>>) target_semaphore(%arg8 : memref<!tpu.dma_semaphore, #tpu.memory_space<semaphore_mem>>)
    %dma_start3A_4 = arith.constant 0 : i32
    %dma_start3A_5 = arith.constant 0 : i32
    %dma_start3A_6 = arith.constant 0 : i32
    %dma_start3A_7 = tpu.memref_slice %arg5[%dma_start3A_5, %dma_start3A_6] : memref<400x128xf32, #tpu.memory_space<vmem>> -> memref<200x128xf32, #tpu.memory_space<vmem>>
    %dma_start3A_8 = tpu.memref_slice %arg7[%dma_start3A_4] : memref<8x!tpu.dma_semaphore, #tpu.memory_space<semaphore_mem>> -> memref<1x!tpu.dma_semaphore, #tpu.memory_space<semaphore_mem>>
    %dma_start3A_9 = tpu.memref_squeeze %dma_start3A_8 : memref<1x!tpu.dma_semaphore, #tpu.memory_space<semaphore_mem>> -> memref<!tpu.dma_semaphore, #tpu.memory_space<semaphore_mem>>
    %dma_start3A_10 = arith.constant 0 : i32
    %dma_start3A_11 = arith.constant 0 : i32
    %dma_start3A_12 = tpu.memref_slice %arg5[%dma_start3A_10, %dma_start3A_11] : memref<400x128xf32, #tpu.memory_space<vmem>> -> memref<200x128xf32, #tpu.memory_space<vmem>>
    tpu.enqueue_dma source(%arg3 : memref<200x128xf32, #tpu.memory_space<hbm>>) target(%dma_start3A_12 : memref<200x128xf32, #tpu.memory_space<vmem>>) target_semaphore(%dma_start3A_9 : memref<!tpu.dma_semaphore, #tpu.memory_space<semaphore_mem>>)
    %dma_start3A_13 = arith.constant 1 : i32
    %dma_start3A_14 = arith.constant 200 : i32
    %dma_start3A_15 = arith.constant 0 : i32
    %dma_start3A_16 = tpu.memref_slice %arg5[%dma_start3A_14, %dma_start3A_15] : memref<400x128xf32, #tpu.memory_space<vmem>> -> memref<200x128xf32, #tpu.memory_space<vmem>>
    %dma_start3A_17 = tpu.memref_slice %arg7[%dma_start3A_13] : memref<8x!tpu.dma_semaphore, #tpu.memory_space<semaphore_mem>> -> memref<1x!tpu.dma_semaphore, #tpu.memory_space<semaphore_mem>>
    %dma_start3A_18 = tpu.memref_squeeze %dma_start3A_17 : memref<1x!tpu.dma_semaphore, #tpu.memory_space<semaphore_mem>> -> memref<!tpu.dma_semaphore, #tpu.memory_space<semaphore_mem>>
    %dma_start3A_19 = arith.constant 200 : i32
    %dma_start3A_20 = arith.constant 0 : i32
    %dma_start3A_21 = tpu.memref_slice %arg5[%dma_start3A_19, %dma_start3A_20] : memref<400x128xf32, #tpu.memory_space<vmem>> -> memref<200x128xf32, #tpu.memory_space<vmem>>
    tpu.enqueue_dma source(%arg3 : memref<200x128xf32, #tpu.memory_space<hbm>>) target(%dma_start3A_21 : memref<200x128xf32, #tpu.memory_space<vmem>>) target_semaphore(%dma_start3A_18 : memref<!tpu.dma_semaphore, #tpu.memory_space<semaphore_mem>>)
    %dma_wait3A = arith.constant 0 : i32
    %dma_wait3A_22 = arith.constant 0 : i32
    %dma_wait3A_23 = arith.constant 0 : i32
    %dma_wait3A_24 = tpu.memref_slice %arg5[%dma_wait3A_22, %dma_wait3A_23] : memref<400x128xf32, #tpu.memory_space<vmem>> -> memref<200x128xf32, #tpu.memory_space<vmem>>
    %dma_wait3A_25 = tpu.memref_slice %arg7[%dma_wait3A] : memref<8x!tpu.dma_semaphore, #tpu.memory_space<semaphore_mem>> -> memref<1x!tpu.dma_semaphore, #tpu.memory_space<semaphore_mem>>
    %dma_wait3A_26 = tpu.memref_squeeze %dma_wait3A_25 : memref<1x!tpu.dma_semaphore, #tpu.memory_space<semaphore_mem>> -> memref<!tpu.dma_semaphore, #tpu.memory_space<semaphore_mem>>
    %dma_wait3A_27 = arith.constant 0 : i32
    %dma_wait3A_28 = arith.constant 0 : i32
    %dma_wait3A_29 = tpu.memref_slice %arg5[%dma_wait3A_27, %dma_wait3A_28] : memref<400x128xf32, #tpu.memory_space<vmem>> -> memref<200x128xf32, #tpu.memory_space<vmem>>
    tpu.wait_dma2 semaphore(%dma_wait3A_26 : memref<!tpu.dma_semaphore, #tpu.memory_space<semaphore_mem>>) src(%arg3 : memref<200x128xf32, #tpu.memory_space<hbm>>) dst(%dma_wait3A_29 : memref<200x128xf32, #tpu.memory_space<vmem>>)
    %dma_wait3A_30 = arith.constant 1 : i32
    %dma_wait3A_31 = arith.constant 200 : i32
    %dma_wait3A_32 = arith.constant 0 : i32
    %dma_wait3A_33 = tpu.memref_slice %arg5[%dma_wait3A_31, %dma_wait3A_32] : memref<400x128xf32, #tpu.memory_space<vmem>> -> memref<200x128xf32, #tpu.memory_space<vmem>>
    %dma_wait3A_34 = tpu.memref_slice %arg7[%dma_wait3A_30] : memref<8x!tpu.dma_semaphore, #tpu.memory_space<semaphore_mem>> -> memref<1x!tpu.dma_semaphore, #tpu.memory_space<semaphore_mem>>
    %dma_wait3A_35 = tpu.memref_squeeze %dma_wait3A_34 : memref<1x!tpu.dma_semaphore, #tpu.memory_space<semaphore_mem>> -> memref<!tpu.dma_semaphore, #tpu.memory_space<semaphore_mem>>
    %dma_wait3A_36 = arith.constant 200 : i32
    %dma_wait3A_37 = arith.constant 0 : i32
    %dma_wait3A_38 = tpu.memref_slice %arg5[%dma_wait3A_36, %dma_wait3A_37] : memref<400x128xf32, #tpu.memory_space<vmem>> -> memref<200x128xf32, #tpu.memory_space<vmem>>
    tpu.wait_dma2 semaphore(%dma_wait3A_35 : memref<!tpu.dma_semaphore, #tpu.memory_space<semaphore_mem>>) src(%arg3 : memref<200x128xf32, #tpu.memory_space<hbm>>) dst(%dma_wait3A_38 : memref<200x128xf32, #tpu.memory_space<vmem>>)
    %add3A_39 = arith.constant 0 : i32
    %add3A_40 = arith.addi %mul3A_2, %add3A_39 : i32
    %dma_start3A_41 = arith.constant 0 : i32
    %dma_start3A_42 = arith.constant 0 : i32
    %dma_start3A_43 = tpu.memref_slice %arg4[%add3A_40, %dma_start3A_42] : memref<819200x128xf32, #tpu.memory_space<hbm>> -> memref<400x128xf32, #tpu.memory_space<hbm>>
    %dma_start3A_44 = tpu.memref_slice %arg7[%dma_start3A_41] : memref<8x!tpu.dma_semaphore, #tpu.memory_space<semaphore_mem>> -> memref<1x!tpu.dma_semaphore, #tpu.memory_space<semaphore_mem>>
    %dma_start3A_45 = tpu.memref_squeeze %dma_start3A_44 : memref<1x!tpu.dma_semaphore, #tpu.memory_space<semaphore_mem>> -> memref<!tpu.dma_semaphore, #tpu.memory_space<semaphore_mem>>
    %dma_start3A_46 = arith.constant 0 : i32
    %dma_start3A_47 = tpu.memref_slice %arg4[%add3A_40, %dma_start3A_46] : memref<819200x128xf32, #tpu.memory_space<hbm>> -> memref<400x128xf32, #tpu.memory_space<hbm>>
    tpu.enqueue_dma source(%arg5 : memref<400x128xf32, #tpu.memory_space<vmem>>) target(%dma_start3A_47 : memref<400x128xf32, #tpu.memory_space<hbm>>) target_semaphore(%dma_start3A_45 : memref<!tpu.dma_semaphore, #tpu.memory_space<semaphore_mem>>)
    %add3A_48 = arith.constant 400 : i32
    %add3A_49 = arith.addi %mul3A_2, %add3A_48 : i32
    %dma_start3A_50 = arith.constant 1 : i32
    %dma_start3A_51 = arith.constant 0 : i32
    %dma_start3A_52 = tpu.memref_slice %arg4[%add3A_49, %dma_start3A_51] : memref<819200x128xf32, #tpu.memory_space<hbm>> -> memref<400x128xf32, #tpu.memory_space<hbm>>
    %dma_start3A_53 = tpu.memref_slice %arg7[%dma_start3A_50] : memref<8x!tpu.dma_semaphore, #tpu.memory_space<semaphore_mem>> -> memref<1x!tpu.dma_semaphore, #tpu.memory_space<semaphore_mem>>
    %dma_start3A_54 = tpu.memref_squeeze %dma_start3A_53 : memref<1x!tpu.dma_semaphore, #tpu.memory_space<semaphore_mem>> -> memref<!tpu.dma_semaphore, #tpu.memory_space<semaphore_mem>>
    %dma_start3A_55 = arith.constant 0 : i32
    %dma_start3A_56 = tpu.memref_slice %arg4[%add3A_49, %dma_start3A_55] : memref<819200x128xf32, #tpu.memory_space<hbm>> -> memref<400x128xf32, #tpu.memory_space<hbm>>
    tpu.enqueue_dma source(%arg5 : memref<400x128xf32, #tpu.memory_space<vmem>>) target(%dma_start3A_56 : memref<400x128xf32, #tpu.memory_space<hbm>>) target_semaphore(%dma_start3A_54 : memref<!tpu.dma_semaphore, #tpu.memory_space<semaphore_mem>>)
    %add3A_57 = arith.constant 800 : i32
    %add3A_58 = arith.addi %mul3A_2, %add3A_57 : i32
    %dma_start3A_59 = arith.constant 2 : i32
    %dma_start3A_60 = arith.constant 0 : i32
    %dma_start3A_61 = tpu.memref_slice %arg4[%add3A_58, %dma_start3A_60] : memref<819200x128xf32, #tpu.memory_space<hbm>> -> memref<400x128xf32, #tpu.memory_space<hbm>>
    %dma_start3A_62 = tpu.memref_slice %arg7[%dma_start3A_59] : memref<8x!tpu.dma_semaphore, #tpu.memory_space<semaphore_mem>> -> memref<1x!tpu.dma_semaphore, #tpu.memory_space<semaphore_mem>>
    %dma_start3A_63 = tpu.memref_squeeze %dma_start3A_62 : memref<1x!tpu.dma_semaphore, #tpu.memory_space<semaphore_mem>> -> memref<!tpu.dma_semaphore, #tpu.memory_space<semaphore_mem>>
    %dma_start3A_64 = arith.constant 0 : i32
    %dma_start3A_65 = tpu.memref_slice %arg4[%add3A_58, %dma_start3A_64] : memref<819200x128xf32, #tpu.memory_space<hbm>> -> memref<400x128xf32, #tpu.memory_space<hbm>>
    tpu.enqueue_dma source(%arg5 : memref<400x128xf32, #tpu.memory_space<vmem>>) target(%dma_start3A_65 : memref<400x128xf32, #tpu.memory_space<hbm>>) target_semaphore(%dma_start3A_63 : memref<!tpu.dma_semaphore, #tpu.memory_space<semaphore_mem>>)
    %add3A_66 = arith.constant 1200 : i32
    %add3A_67 = arith.addi %mul3A_2, %add3A_66 : i32
    %dma_start3A_68 = arith.constant 3 : i32
    %dma_start3A_69 = arith.constant 0 : i32
    %dma_start3A_70 = tpu.memref_slice %arg4[%add3A_67, %dma_start3A_69] : memref<819200x128xf32, #tpu.memory_space<hbm>> -> memref<400x128xf32, #tpu.memory_space<hbm>>
    %dma_start3A_71 = tpu.memref_slice %arg7[%dma_start3A_68] : memref<8x!tpu.dma_semaphore, #tpu.memory_space<semaphore_mem>> -> memref<1x!tpu.dma_semaphore, #tpu.memory_space<semaphore_mem>>
    %dma_start3A_72 = tpu.memref_squeeze %dma_start3A_71 : memref<1x!tpu.dma_semaphore, #tpu.memory_space<semaphore_mem>> -> memref<!tpu.dma_semaphore, #tpu.memory_space<semaphore_mem>>
    %dma_start3A_73 = arith.constant 0 : i32
    %dma_start3A_74 = tpu.memref_slice %arg4[%add3A_67, %dma_start3A_73] : memref<819200x128xf32, #tpu.memory_space<hbm>> -> memref<400x128xf32, #tpu.memory_space<hbm>>
    tpu.enqueue_dma source(%arg5 : memref<400x128xf32, #tpu.memory_space<vmem>>) target(%dma_start3A_74 : memref<400x128xf32, #tpu.memory_space<hbm>>) target_semaphore(%dma_start3A_72 : memref<!tpu.dma_semaphore, #tpu.memory_space<semaphore_mem>>)
    %add3A_75 = arith.constant 1600 : i32
    %add3A_76 = arith.addi %mul3A_2, %add3A_75 : i32
    %dma_start3A_77 = arith.constant 4 : i32
    %dma_start3A_78 = arith.constant 0 : i32
    %dma_start3A_79 = tpu.memref_slice %arg4[%add3A_76, %dma_start3A_78] : memref<819200x128xf32, #tpu.memory_space<hbm>> -> memref<400x128xf32, #tpu.memory_space<hbm>>
    %dma_start3A_80 = tpu.memref_slice %arg7[%dma_start3A_77] : memref<8x!tpu.dma_semaphore, #tpu.memory_space<semaphore_mem>> -> memref<1x!tpu.dma_semaphore, #tpu.memory_space<semaphore_mem>>
    %dma_start3A_81 = tpu.memref_squeeze %dma_start3A_80 : memref<1x!tpu.dma_semaphore, #tpu.memory_space<semaphore_mem>> -> memref<!tpu.dma_semaphore, #tpu.memory_space<semaphore_mem>>
    %dma_start3A_82 = arith.constant 0 : i32
    %dma_start3A_83 = tpu.memref_slice %arg4[%add3A_76, %dma_start3A_82] : memref<819200x128xf32, #tpu.memory_space<hbm>> -> memref<400x128xf32, #tpu.memory_space<hbm>>
    tpu.enqueue_dma source(%arg5 : memref<400x128xf32, #tpu.memory_space<vmem>>) target(%dma_start3A_83 : memref<400x128xf32, #tpu.memory_space<hbm>>) target_semaphore(%dma_start3A_81 : memref<!tpu.dma_semaphore, #tpu.memory_space<semaphore_mem>>)
    %add3A_84 = arith.constant 2000 : i32
    %add3A_85 = arith.addi %mul3A_2, %add3A_84 : i32
    %dma_start3A_86 = arith.constant 5 : i32
    %dma_start3A_87 = arith.constant 0 : i32
    %dma_start3A_88 = tpu.memref_slice %arg4[%add3A_85, %dma_start3A_87] : memref<819200x128xf32, #tpu.memory_space<hbm>> -> memref<400x128xf32, #tpu.memory_space<hbm>>
    %dma_start3A_89 = tpu.memref_slice %arg7[%dma_start3A_86] : memref<8x!tpu.dma_semaphore, #tpu.memory_space<semaphore_mem>> -> memref<1x!tpu.dma_semaphore, #tpu.memory_space<semaphore_mem>>
    %dma_start3A_90 = tpu.memref_squeeze %dma_start3A_89 : memref<1x!tpu.dma_semaphore, #tpu.memory_space<semaphore_mem>> -> memref<!tpu.dma_semaphore, #tpu.memory_space<semaphore_mem>>
    %dma_start3A_91 = arith.constant 0 : i32
    %dma_start3A_92 = tpu.memref_slice %arg4[%add3A_85, %dma_start3A_91] : memref<819200x128xf32, #tpu.memory_space<hbm>> -> memref<400x128xf32, #tpu.memory_space<hbm>>
    tpu.enqueue_dma source(%arg5 : memref<400x128xf32, #tpu.memory_space<vmem>>) target(%dma_start3A_92 : memref<400x128xf32, #tpu.memory_space<hbm>>) target_semaphore(%dma_start3A_90 : memref<!tpu.dma_semaphore, #tpu.memory_space<semaphore_mem>>)
    %add3A_93 = arith.constant 2400 : i32
    %add3A_94 = arith.addi %mul3A_2, %add3A_93 : i32
    %dma_start3A_95 = arith.constant 6 : i32
    %dma_start3A_96 = arith.constant 0 : i32
    %dma_start3A_97 = tpu.memref_slice %arg4[%add3A_94, %dma_start3A_96] : memref<819200x128xf32, #tpu.memory_space<hbm>> -> memref<400x128xf32, #tpu.memory_space<hbm>>
    %dma_start3A_98 = tpu.memref_slice %arg7[%dma_start3A_95] : memref<8x!tpu.dma_semaphore, #tpu.memory_space<semaphore_mem>> -> memref<1x!tpu.dma_semaphore, #tpu.memory_space<semaphore_mem>>
    %dma_start3A_99 = tpu.memref_squeeze %dma_start3A_98 : memref<1x!tpu.dma_semaphore, #tpu.memory_space<semaphore_mem>> -> memref<!tpu.dma_semaphore, #tpu.memory_space<semaphore_mem>>
    %dma_start3A_100 = arith.constant 0 : i32
    %dma_start3A_101 = tpu.memref_slice %arg4[%add3A_94, %dma_start3A_100] : memref<819200x128xf32, #tpu.memory_space<hbm>> -> memref<400x128xf32, #tpu.memory_space<hbm>>
    tpu.enqueue_dma source(%arg5 : memref<400x128xf32, #tpu.memory_space<vmem>>) target(%dma_start3A_101 : memref<400x128xf32, #tpu.memory_space<hbm>>) target_semaphore(%dma_start3A_99 : memref<!tpu.dma_semaphore, #tpu.memory_space<semaphore_mem>>)
    %add3A_102 = arith.constant 2800 : i32
    %add3A_103 = arith.addi %mul3A_2, %add3A_102 : i32
    %dma_start3A_104 = arith.constant 7 : i32
    %dma_start3A_105 = arith.constant 0 : i32
    %dma_start3A_106 = tpu.memref_slice %arg4[%add3A_103, %dma_start3A_105] : memref<819200x128xf32, #tpu.memory_space<hbm>> -> memref<400x128xf32, #tpu.memory_space<hbm>>
    %dma_start3A_107 = tpu.memref_slice %arg7[%dma_start3A_104] : memref<8x!tpu.dma_semaphore, #tpu.memory_space<semaphore_mem>> -> memref<1x!tpu.dma_semaphore, #tpu.memory_space<semaphore_mem>>
    %dma_start3A_108 = tpu.memref_squeeze %dma_start3A_107 : memref<1x!tpu.dma_semaphore, #tpu.memory_space<semaphore_mem>> -> memref<!tpu.dma_semaphore, #tpu.memory_space<semaphore_mem>>
    %dma_start3A_109 = arith.constant 0 : i32
    %dma_start3A_110 = tpu.memref_slice %arg4[%add3A_103, %dma_start3A_109] : memref<819200x128xf32, #tpu.memory_space<hbm>> -> memref<400x128xf32, #tpu.memory_space<hbm>>
    tpu.enqueue_dma source(%arg5 : memref<400x128xf32, #tpu.memory_space<vmem>>) target(%dma_start3A_110 : memref<400x128xf32, #tpu.memory_space<hbm>>) target_semaphore(%dma_start3A_108 : memref<!tpu.dma_semaphore, #tpu.memory_space<semaphore_mem>>)
    %dma_wait3A_111 = tpu.memref_slice %arg2[%mul3A_2] : memref<819200xi32, #tpu.memory_space<hbm>> -> memref<25600xi32, #tpu.memory_space<hbm>>
    %dma_wait3A_112 = tpu.memref_slice %arg2[%mul3A_2] : memref<819200xi32, #tpu.memory_space<hbm>> -> memref<25600xi32, #tpu.memory_space<hbm>>
    tpu.wait_dma2 semaphore(%arg8 : memref<!tpu.dma_semaphore, #tpu.memory_space<semaphore_mem>>) src(%dma_wait3A_112 : memref<25600xi32, #tpu.memory_space<hbm>>) dst(%arg6 : memref<25600xi32, #tpu.memory_space<vmem>>)
    %scan3A = arith.constant 0 : i32
    %scan3A_113 = arith.constant 8 : i32
    %scan3A_114 = arith.constant 56 : i32
    %scan3A_115 = arith.addi %scan3A_113, %scan3A_114 : i32
    %scan3A_116 = arith.constant 1 : i32
    %scan3A_117 = scf.for %scan3A_126 = %scan3A_113 to %scan3A_115 step %scan3A_116 iter_args(%scan3A_127 = %scan3A) -> (i32)  : i32 {
      %rem3A = arith.constant 8 : i32
      %rem3A_128 = arith.remsi %scan3A_126, %rem3A : i32
      %dma_wait3A_129 = arith.constant 0 : i32
      %dma_wait3A_130 = tpu.memref_slice %arg4[%mul3A_2, %dma_wait3A_129] : memref<819200x128xf32, #tpu.memory_space<hbm>> -> memref<400x128xf32, #tpu.memory_space<hbm>>
      %dma_wait3A_131 = tpu.memref_slice %arg7[%rem3A_128] : memref<8x!tpu.dma_semaphore, #tpu.memory_space<semaphore_mem>> -> memref<1x!tpu.dma_semaphore, #tpu.memory_space<semaphore_mem>>
      %dma_wait3A_132 = tpu.memref_squeeze %dma_wait3A_131 : memref<1x!tpu.dma_semaphore, #tpu.memory_space<semaphore_mem>> -> memref<!tpu.dma_semaphore, #tpu.memory_space<semaphore_mem>>
      %dma_wait3A_133 = arith.constant 0 : i32
      %dma_wait3A_134 = tpu.memref_slice %arg4[%mul3A_2, %dma_wait3A_133] : memref<819200x128xf32, #tpu.memory_space<hbm>> -> memref<400x128xf32, #tpu.memory_space<hbm>>
      tpu.wait_dma2 semaphore(%dma_wait3A_132 : memref<!tpu.dma_semaphore, #tpu.memory_space<semaphore_mem>>) src(%arg5 : memref<400x128xf32, #tpu.memory_space<vmem>>) dst(%dma_wait3A_134 : memref<400x128xf32, #tpu.memory_space<hbm>>)
      %sub3A = arith.constant 8 : i32
      %sub3A_135 = arith.subi %scan3A_126, %sub3A : i32
      %mul3A_136 = arith.constant 400 : i32
      %mul3A_137 = arith.muli %sub3A_135, %mul3A_136 : i32
      %scan3A_138 = arith.constant 0 : i32
      %scan3A_139 = arith.constant 0 : i32
      %scan3A_140 = arith.constant 5 : i32
      %scan3A_141 = arith.addi %scan3A_139, %scan3A_140 : i32
      %scan3A_142 = arith.constant 1 : i32
      %scan3A_143 = scf.for %scan3A_155 = %scan3A_139 to %scan3A_141 step %scan3A_142 iter_args(%scan3A_156 = %scan3A_138) -> (i32)  : i32 {
        %mul3A_157 = arith.constant 80 : i32
        %mul3A_158 = arith.muli %scan3A_155, %mul3A_157 : i32
        %add3A_159 = arith.addi %mul3A_137, %mul3A_158 : i32
        %multiple_of3A = tpu.assume_multiple %add3A_159, 16 : i32
        %broadcast_in_dim3A = arith.constant -1 : i32
        %broadcast_in_dim3A_160 = vector.broadcast %broadcast_in_dim3A : i32 to vector<16xi32>
        %scan3A_161 = arith.constant 0 : i32
        %scan3A_162 = arith.constant 5 : i32
        %scan3A_163 = arith.addi %scan3A_161, %scan3A_162 : i32
        %scan3A_164 = arith.constant 1 : i32
        %scan3A_165 = scf.for %scan3A_214 = %scan3A_161 to %scan3A_163 step %scan3A_164 iter_args(%scan3A_215 = %broadcast_in_dim3A_160) -> (vector<16xi32>)  : i32 {
          %mul3A_216 = arith.constant 16 : i32
          %mul3A_217 = arith.muli %scan3A_214, %mul3A_216 : i32
          %add3A_218 = arith.addi %multiple_of3A, %mul3A_217 : i32
          %multiple_of3A_219 = tpu.assume_multiple %add3A_218, 16 : i32
          %get3A = arith.index_cast %multiple_of3A_219 : i32 to index
          %get3A_220 = tpu.vector_load %arg6[%get3A] {strides = array<i32>} : memref<25600xi32, #tpu.memory_space<vmem>>, vector<16xi32>,
          %get3A_221 = vector.shape_cast %get3A_220 : vector<16xi32> to vector<16xi32>
          %bitcast3A = vector.bitcast %get3A_221 : vector<16xi32> to vector<16xi32>
          %min3A_222 = arith.minui %scan3A_215, %bitcast3A : vector<16xi32>
          scf.yield %min3A_222 : vector<16xi32>
        }
        %scan3A_166 = arith.constant 5 : i32
        %slice3A = vector.extract_strided_slice %scan3A_165 {offsets = [0], sizes = [1], strides = [1]} : vector<16xi32> to vector<1xi32>
        %squeeze3A = vector.extract %slice3A[0] : i32 from vector<1xi32>
        %slice3A_167 = vector.extract_strided_slice %scan3A_165 {offsets = [1], sizes = [1], strides = [1]} : vector<16xi32> to vector<1xi32>
        %squeeze3A_168 = vector.extract %slice3A_167[0] : i32 from vector<1xi32>
        %min3A = arith.minui %squeeze3A, %squeeze3A_168 : i32
        %slice3A_169 = vector.extract_strided_slice %scan3A_165 {offsets = [2], sizes = [1], strides = [1]} : vector<16xi32> to vector<1xi32>
        %squeeze3A_170 = vector.extract %slice3A_169[0] : i32 from vector<1xi32>
        %min3A_171 = arith.minui %min3A, %squeeze3A_170 : i32
        %slice3A_172 = vector.extract_strided_slice %scan3A_165 {offsets = [3], sizes = [1], strides = [1]} : vector<16xi32> to vector<1xi32>
        %squeeze3A_173 = vector.extract %slice3A_172[0] : i32 from vector<1xi32>
        %min3A_174 = arith.minui %min3A_171, %squeeze3A_173 : i32
        %slice3A_175 = vector.extract_strided_slice %scan3A_165 {offsets = [4], sizes = [1], strides = [1]} : vector<16xi32> to vector<1xi32>
        %squeeze3A_176 = vector.extract %slice3A_175[0] : i32 from vector<1xi32>
        %min3A_177 = arith.minui %min3A_174, %squeeze3A_176 : i32
        %slice3A_178 = vector.extract_strided_slice %scan3A_165 {offsets = [5], sizes = [1], strides = [1]} : vector<16xi32> to vector<1xi32>
        %squeeze3A_179 = vector.extract %slice3A_178[0] : i32 from vector<1xi32>
        %min3A_180 = arith.minui %min3A_177, %squeeze3A_179 : i32
        %slice3A_181 = vector.extract_strided_slice %scan3A_165 {offsets = [6], sizes = [1], strides = [1]} : vector<16xi32> to vector<1xi32>
        %squeeze3A_182 = vector.extract %slice3A_181[0] : i32 from vector<1xi32>
        %min3A_183 = arith.minui %min3A_180, %squeeze3A_182 : i32
        %slice3A_184 = vector.extract_strided_slice %scan3A_165 {offsets = [7], sizes = [1], strides = [1]} : vector<16xi32> to vector<1xi32>
        %squeeze3A_185 = vector.extract %slice3A_184[0] : i32 from vector<1xi32>
        %min3A_186 = arith.minui %min3A_183, %squeeze3A_185 : i32
        %slice3A_187 = vector.extract_strided_slice %scan3A_165 {offsets = [8], sizes = [1], strides = [1]} : vector<16xi32> to vector<1xi32>
        %squeeze3A_188 = vector.extract %slice3A_187[0] : i32 from vector<1xi32>
        %min3A_189 = arith.minui %min3A_186, %squeeze3A_188 : i32
        %slice3A_190 = vector.extract_strided_slice %scan3A_165 {offsets = [9], sizes = [1], strides = [1]} : vector<16xi32> to vector<1xi32>
        %squeeze3A_191 = vector.extract %slice3A_190[0] : i32 from vector<1xi32>
        %min3A_192 = arith.minui %min3A_189, %squeeze3A_191 : i32
        %slice3A_193 = vector.extract_strided_slice %scan3A_165 {offsets = [10], sizes = [1], strides = [1]} : vector<16xi32> to vector<1xi32>
        %squeeze3A_194 = vector.extract %slice3A_193[0] : i32 from vector<1xi32>
        %min3A_195 = arith.minui %min3A_192, %squeeze3A_194 : i32
        %slice3A_196 = vector.extract_strided_slice %scan3A_165 {offsets = [11], sizes = [1], strides = [1]} : vector<16xi32> to vector<1xi32>
        %squeeze3A_197 = vector.extract %slice3A_196[0] : i32 from vector<1xi32>
        %min3A_198 = arith.minui %min3A_195, %squeeze3A_197 : i32
        %slice3A_199 = vector.extract_strided_slice %scan3A_165 {offsets = [12], sizes = [1], strides = [1]} : vector<16xi32> to vector<1xi32>
        %squeeze3A_200 = vector.extract %slice3A_199[0] : i32 from vector<1xi32>
        %min3A_201 = arith.minui %min3A_198, %squeeze3A_200 : i32
        %slice3A_202 = vector.extract_strided_slice %scan3A_165 {offsets = [13], sizes = [1], strides = [1]} : vector<16xi32> to vector<1xi32>
        %squeeze3A_203 = vector.extract %slice3A_202[0] : i32 from vector<1xi32>
        %min3A_204 = arith.minui %min3A_201, %squeeze3A_203 : i32
        %slice3A_205 = vector.extract_strided_slice %scan3A_165 {offsets = [14], sizes = [1], strides = [1]} : vector<16xi32> to vector<1xi32>
        %squeeze3A_206 = vector.extract %slice3A_205[0] : i32 from vector<1xi32>
        %min3A_207 = arith.minui %min3A_204, %squeeze3A_206 : i32
        %slice3A_208 = vector.extract_strided_slice %scan3A_165 {offsets = [15], sizes = [1], strides = [1]} : vector<16xi32> to vector<1xi32>
        %squeeze3A_209 = vector.extract %slice3A_208[0] : i32 from vector<1xi32>
        %min3A_210 = arith.minui %min3A_207, %squeeze3A_209 : i32
        %eq3A = arith.constant 0 : i32
        %eq3A_211 = arith.cmpi eq, %min3A_210, %eq3A : i32
        %convert_element_type3A = arith.extui %eq3A_211 : i1 to i32
        %cond3A = arith.constant 0 : i32
        %cond3A_212 = arith.cmpi ne, %convert_element_type3A, %cond3A : i32
        scf.if %cond3A_212 {
          %scan3A_214 = arith.constant 0 : i32
          %scan3A_215 = arith.constant 0 : i32
          %scan3A_216 = arith.constant 5 : i32
          %scan3A_217 = arith.addi %scan3A_215, %scan3A_216 : i32
          %scan3A_218 = arith.constant 1 : i32
          %scan3A_219 = scf.for %scan3A_221 = %scan3A_215 to %scan3A_217 step %scan3A_218 iter_args(%scan3A_222 = %scan3A_214) -> (i32)  : i32 {
            %mul3A_223 = arith.constant 16 : i32
            %mul3A_224 = arith.muli %scan3A_221, %mul3A_223 : i32
            %add3A_225 = arith.addi %multiple_of3A, %mul3A_224 : i32
            %multiple_of3A_226 = tpu.assume_multiple %add3A_225, 16 : i32
            %get3A = arith.index_cast %multiple_of3A_226 : i32 to index
            %get3A_227 = tpu.vector_load %arg6[%get3A] {strides = array<i32>} : memref<25600xi32, #tpu.memory_space<vmem>>, vector<16xi32>,
            %get3A_228 = vector.shape_cast %get3A_227 : vector<16xi32> to vector<16xi32>
            %slice3A_229 = vector.extract_strided_slice %get3A_228 {offsets = [0], sizes = [1], strides = [1]} : vector<16xi32> to vector<1xi32>
            %squeeze3A_230 = vector.extract %slice3A_229[0] : i32 from vector<1xi32>
            %eq3A_231 = arith.constant 0 : i32
            %eq3A_232 = arith.cmpi eq, %squeeze3A_230, %eq3A_231 : i32
            %convert_element_type3A_233 = arith.extui %eq3A_232 : i1 to i32
            %cond3A_234 = arith.constant 0 : i32
            %cond3A_235 = arith.cmpi ne, %convert_element_type3A_233, %cond3A_234 : i32
            scf.if %cond3A_235 {
              %add3A_342 = arith.addi %mul3A_2, %multiple_of3A_226 : i32
              %add3A_343 = arith.constant 0 : i32
              %add3A_344 = arith.addi %add3A_342, %add3A_343 : i32
              %run_scoped3A = arith.constant 0 : i32
              "tpu.region"() ({
                %run_scoped3A_345 = tpu.sem_alloc : memref<!tpu.dma_semaphore, #tpu.memory_space<semaphore_mem>>
                %dma_start3A_346 = arith.constant 0 : i32
                %dma_start3A_347 = tpu.memref_slice %arg5[%run_scoped3A, %dma_start3A_346] : memref<400x128xf32, #tpu.memory_space<vmem>> -> memref<1x128xf32, #tpu.memory_space<vmem>>
                %dma_start3A_348 = tpu.memref_squeeze %dma_start3A_347 : memref<1x128xf32, #tpu.memory_space<vmem>> -> memref<128xf32, #tpu.memory_space<vmem>>
                %dma_start3A_349 = arith.constant 0 : i32
                %dma_start3A_350 = tpu.memref_slice %arg4[%add3A_344, %dma_start3A_349] : memref<819200x128xf32, #tpu.memory_space<hbm>> -> memref<1x128xf32, #tpu.memory_space<hbm>>
                %dma_start3A_351 = tpu.memref_squeeze %dma_start3A_350 : memref<1x128xf32, #tpu.memory_space<hbm>> -> memref<128xf32, #tpu.memory_space<hbm>>
                %dma_start3A_352 = arith.constant 0 : i32
                %dma_start3A_353 = tpu.memref_slice %arg4[%add3A_344, %dma_start3A_352] : memref<819200x128xf32, #tpu.memory_space<hbm>> -> memref<1x128xf32, #tpu.memory_space<hbm>>
                %dma_start3A_354 = tpu.memref_squeeze %dma_start3A_353 : memref<1x128xf32, #tpu.memory_space<hbm>> -> memref<128xf32, #tpu.memory_space<hbm>>
                %dma_start3A_355 = arith.constant 0 : i32
                %dma_start3A_356 = tpu.memref_slice %arg5[%run_scoped3A, %dma_start3A_355] : memref<400x128xf32, #tpu.memory_space<vmem>> -> memref<1x128xf32, #tpu.memory_space<vmem>>
                %dma_start3A_357 = tpu.memref_squeeze %dma_start3A_356 : memref<1x128xf32, #tpu.memory_space<vmem>> -> memref<128xf32, #tpu.memory_space<vmem>>
                tpu.enqueue_dma source(%dma_start3A_357 : memref<128xf32, #tpu.memory_space<vmem>>) target(%dma_start3A_354 : memref<128xf32, #tpu.memory_space<hbm>>) target_semaphore(%run_scoped3A_345 : memref<!tpu.dma_semaphore, #tpu.memory_space<semaphore_mem>>)
                %dma_wait3A_358 = arith.constant 0 : i32
                %dma_wait3A_359 = tpu.memref_slice %arg5[%run_scoped3A, %dma_wait3A_358] : memref<400x128xf32, #tpu.memory_space<vmem>> -> memref<1x128xf32, #tpu.memory_space<vmem>>
                %dma_wait3A_360 = tpu.memref_squeeze %dma_wait3A_359 : memref<1x128xf32, #tpu.memory_space<vmem>> -> memref<128xf32, #tpu.memory_space<vmem>>
                %dma_wait3A_361 = arith.constant 0 : i32
                %dma_wait3A_362 = tpu.memref_slice %arg4[%add3A_344, %dma_wait3A_361] : memref<819200x128xf32, #tpu.memory_space<hbm>> -> memref<1x128xf32, #tpu.memory_space<hbm>>
                %dma_wait3A_363 = tpu.memref_squeeze %dma_wait3A_362 : memref<1x128xf32, #tpu.memory_space<hbm>> -> memref<128xf32, #tpu.memory_space<hbm>>
                %dma_wait3A_364 = arith.constant 0 : i32
                %dma_wait3A_365 = tpu.memref_slice %arg4[%add3A_344, %dma_wait3A_364] : memref<819200x128xf32, #tpu.memory_space<hbm>> -> memref<1x128xf32, #tpu.memory_space<hbm>>
                %dma_wait3A_366 = tpu.memref_squeeze %dma_wait3A_365 : memref<1x128xf32, #tpu.memory_space<hbm>> -> memref<128xf32, #tpu.memory_space<hbm>>
                %dma_wait3A_367 = arith.constant 0 : i32
                %dma_wait3A_368 = tpu.memref_slice %arg5[%run_scoped3A, %dma_wait3A_367] : memref<400x128xf32, #tpu.memory_space<vmem>> -> memref<1x128xf32, #tpu.memory_space<vmem>>
                %dma_wait3A_369 = tpu.memref_squeeze %dma_wait3A_368 : memref<1x128xf32, #tpu.memory_space<vmem>> -> memref<128xf32, #tpu.memory_space<vmem>>
                tpu.wait_dma2 semaphore(%run_scoped3A_345 : memref<!tpu.dma_semaphore, #tpu.memory_space<semaphore_mem>>) src(%dma_wait3A_369 : memref<128xf32, #tpu.memory_space<vmem>>) dst(%dma_wait3A_366 : memref<128xf32, #tpu.memory_space<hbm>>)
                tpu.yield
              }) : () -> ()
            } else {
            }
            %slice3A_236 = vector.extract_strided_slice %get3A_228 {offsets = [1], sizes = [1], strides = [1]} : vector<16xi32> to vector<1xi32>
            %squeeze3A_237 = vector.extract %slice3A_236[0] : i32 from vector<1xi32>
            %eq3A_238 = arith.constant 0 : i32
            %eq3A_239 = arith.cmpi eq, %squeeze3A_237, %eq3A_238 : i32
            %convert_element_type3A_240 = arith.extui %eq3A_239 : i1 to i32
            %cond3A_241 = arith.constant 0 : i32
            %cond3A_242 = arith.cmpi ne, %convert_element_type3A_240, %cond3A_241 : i32
            scf.if %cond3A_242 {
              %add3A_342 = arith.addi %mul3A_2, %multiple_of3A_226 : i32
              %add3A_343 = arith.constant 1 : i32
              %add3A_344 = arith.addi %add3A_342, %add3A_343 : i32
              %run_scoped3A = arith.constant 0 : i32
              "tpu.region"() ({
                %run_scoped3A_345 = tpu.sem_alloc : memref<!tpu.dma_semaphore, #tpu.memory_space<semaphore_mem>>
                %dma_start3A_346 = arith.constant 0 : i32
                %dma_start3A_347 = tpu.memref_slice %arg5[%run_scoped3A, %dma_start3A_346] : memref<400x128xf32, #tpu.memory_space<vmem>> -> memref<1x128xf32, #tpu.memory_space<vmem>>
                %dma_start3A_348 = tpu.memref_squeeze %dma_start3A_347 : memref<1x128xf32, #tpu.memory_space<vmem>> -> memref<128xf32, #tpu.memory_space<vmem>>
                %dma_start3A_349 = arith.constant 0 : i32
                %dma_start3A_350 = tpu.memref_slice %arg4[%add3A_344, %dma_start3A_349] : memref<819200x128xf32, #tpu.memory_space<hbm>> -> memref<1x128xf32, #tpu.memory_space<hbm>>
                %dma_start3A_351 = tpu.memref_squeeze %dma_start3A_350 : memref<1x128xf32, #tpu.memory_space<hbm>> -> memref<128xf32, #tpu.memory_space<hbm>>
                %dma_start3A_352 = arith.constant 0 : i32
                %dma_start3A_353 = tpu.memref_slice %arg4[%add3A_344, %dma_start3A_352] : memref<819200x128xf32, #tpu.memory_space<hbm>> -> memref<1x128xf32, #tpu.memory_space<hbm>>
                %dma_start3A_354 = tpu.memref_squeeze %dma_start3A_353 : memref<1x128xf32, #tpu.memory_space<hbm>> -> memref<128xf32, #tpu.memory_space<hbm>>
                %dma_start3A_355 = arith.constant 0 : i32
                %dma_start3A_356 = tpu.memref_slice %arg5[%run_scoped3A, %dma_start3A_355] : memref<400x128xf32, #tpu.memory_space<vmem>> -> memref<1x128xf32, #tpu.memory_space<vmem>>
                %dma_start3A_357 = tpu.memref_squeeze %dma_start3A_356 : memref<1x128xf32, #tpu.memory_space<vmem>> -> memref<128xf32, #tpu.memory_space<vmem>>
                tpu.enqueue_dma source(%dma_start3A_357 : memref<128xf32, #tpu.memory_space<vmem>>) target(%dma_start3A_354 : memref<128xf32, #tpu.memory_space<hbm>>) target_semaphore(%run_scoped3A_345 : memref<!tpu.dma_semaphore, #tpu.memory_space<semaphore_mem>>)
                %dma_wait3A_358 = arith.constant 0 : i32
                %dma_wait3A_359 = tpu.memref_slice %arg5[%run_scoped3A, %dma_wait3A_358] : memref<400x128xf32, #tpu.memory_space<vmem>> -> memref<1x128xf32, #tpu.memory_space<vmem>>
                %dma_wait3A_360 = tpu.memref_squeeze %dma_wait3A_359 : memref<1x128xf32, #tpu.memory_space<vmem>> -> memref<128xf32, #tpu.memory_space<vmem>>
                %dma_wait3A_361 = arith.constant 0 : i32
                %dma_wait3A_362 = tpu.memref_slice %arg4[%add3A_344, %dma_wait3A_361] : memref<819200x128xf32, #tpu.memory_space<hbm>> -> memref<1x128xf32, #tpu.memory_space<hbm>>
                %dma_wait3A_363 = tpu.memref_squeeze %dma_wait3A_362 : memref<1x128xf32, #tpu.memory_space<hbm>> -> memref<128xf32, #tpu.memory_space<hbm>>
                %dma_wait3A_364 = arith.constant 0 : i32
                %dma_wait3A_365 = tpu.memref_slice %arg4[%add3A_344, %dma_wait3A_364] : memref<819200x128xf32, #tpu.memory_space<hbm>> -> memref<1x128xf32, #tpu.memory_space<hbm>>
                %dma_wait3A_366 = tpu.memref_squeeze %dma_wait3A_365 : memref<1x128xf32, #tpu.memory_space<hbm>> -> memref<128xf32, #tpu.memory_space<hbm>>
                %dma_wait3A_367 = arith.constant 0 : i32
                %dma_wait3A_368 = tpu.memref_slice %arg5[%run_scoped3A, %dma_wait3A_367] : memref<400x128xf32, #tpu.memory_space<vmem>> -> memref<1x128xf32, #tpu.memory_space<vmem>>
                %dma_wait3A_369 = tpu.memref_squeeze %dma_wait3A_368 : memref<1x128xf32, #tpu.memory_space<vmem>> -> memref<128xf32, #tpu.memory_space<vmem>>
                tpu.wait_dma2 semaphore(%run_scoped3A_345 : memref<!tpu.dma_semaphore, #tpu.memory_space<semaphore_mem>>) src(%dma_wait3A_369 : memref<128xf32, #tpu.memory_space<vmem>>) dst(%dma_wait3A_366 : memref<128xf32, #tpu.memory_space<hbm>>)
                tpu.yield
              }) : () -> ()
            } else {
            }
            %slice3A_243 = vector.extract_strided_slice %get3A_228 {offsets = [2], sizes = [1], strides = [1]} : vector<16xi32> to vector<1xi32>
            %squeeze3A_244 = vector.extract %slice3A_243[0] : i32 from vector<1xi32>
            %eq3A_245 = arith.constant 0 : i32
            %eq3A_246 = arith.cmpi eq, %squeeze3A_244, %eq3A_245 : i32
            %convert_element_type3A_247 = arith.extui %eq3A_246 : i1 to i32
            %cond3A_248 = arith.constant 0 : i32
            %cond3A_249 = arith.cmpi ne, %convert_element_type3A_247, %cond3A_248 : i32
            scf.if %cond3A_249 {
              %add3A_342 = arith.addi %mul3A_2, %multiple_of3A_226 : i32
              %add3A_343 = arith.constant 2 : i32
              %add3A_344 = arith.addi %add3A_342, %add3A_343 : i32
              %run_scoped3A = arith.constant 0 : i32
              "tpu.region"() ({
                %run_scoped3A_345 = tpu.sem_alloc : memref<!tpu.dma_semaphore, #tpu.memory_space<semaphore_mem>>
                %dma_start3A_346 = arith.constant 0 : i32
                %dma_start3A_347 = tpu.memref_slice %arg5[%run_scoped3A, %dma_start3A_346] : memref<400x128xf32, #tpu.memory_space<vmem>> -> memref<1x128xf32, #tpu.memory_space<vmem>>
                %dma_start3A_348 = tpu.memref_squeeze %dma_start3A_347 : memref<1x128xf32, #tpu.memory_space<vmem>> -> memref<128xf32, #tpu.memory_space<vmem>>
                %dma_start3A_349 = arith.constant 0 : i32
                %dma_start3A_350 = tpu.memref_slice %arg4[%add3A_344, %dma_start3A_349] : memref<819200x128xf32, #tpu.memory_space<hbm>> -> memref<1x128xf32, #tpu.memory_space<hbm>>
                %dma_start3A_351 = tpu.memref_squeeze %dma_start3A_350 : memref<1x128xf32, #tpu.memory_space<hbm>> -> memref<128xf32, #tpu.memory_space<hbm>>
                %dma_start3A_352 = arith.constant 0 : i32
                %dma_start3A_353 = tpu.memref_slice %arg4[%add3A_344, %dma_start3A_352] : memref<819200x128xf32, #tpu.memory_space<hbm>> -> memref<1x128xf32, #tpu.memory_space<hbm>>
                %dma_start3A_354 = tpu.memref_squeeze %dma_start3A_353 : memref<1x128xf32, #tpu.memory_space<hbm>> -> memref<128xf32, #tpu.memory_space<hbm>>
                %dma_start3A_355 = arith.constant 0 : i32
                %dma_start3A_356 = tpu.memref_slice %arg5[%run_scoped3A, %dma_start3A_355] : memref<400x128xf32, #tpu.memory_space<vmem>> -> memref<1x128xf32, #tpu.memory_space<vmem>>
                %dma_start3A_357 = tpu.memref_squeeze %dma_start3A_356 : memref<1x128xf32, #tpu.memory_space<vmem>> -> memref<128xf32, #tpu.memory_space<vmem>>
                tpu.enqueue_dma source(%dma_start3A_357 : memref<128xf32, #tpu.memory_space<vmem>>) target(%dma_start3A_354 : memref<128xf32, #tpu.memory_space<hbm>>) target_semaphore(%run_scoped3A_345 : memref<!tpu.dma_semaphore, #tpu.memory_space<semaphore_mem>>)
                %dma_wait3A_358 = arith.constant 0 : i32
                %dma_wait3A_359 = tpu.memref_slice %arg5[%run_scoped3A, %dma_wait3A_358] : memref<400x128xf32, #tpu.memory_space<vmem>> -> memref<1x128xf32, #tpu.memory_space<vmem>>
                %dma_wait3A_360 = tpu.memref_squeeze %dma_wait3A_359 : memref<1x128xf32, #tpu.memory_space<vmem>> -> memref<128xf32, #tpu.memory_space<vmem>>
                %dma_wait3A_361 = arith.constant 0 : i32
                %dma_wait3A_362 = tpu.memref_slice %arg4[%add3A_344, %dma_wait3A_361] : memref<819200x128xf32, #tpu.memory_space<hbm>> -> memref<1x128xf32, #tpu.memory_space<hbm>>
                %dma_wait3A_363 = tpu.memref_squeeze %dma_wait3A_362 : memref<1x128xf32, #tpu.memory_space<hbm>> -> memref<128xf32, #tpu.memory_space<hbm>>
                %dma_wait3A_364 = arith.constant 0 : i32
                %dma_wait3A_365 = tpu.memref_slice %arg4[%add3A_344, %dma_wait3A_364] : memref<819200x128xf32, #tpu.memory_space<hbm>> -> memref<1x128xf32, #tpu.memory_space<hbm>>
                %dma_wait3A_366 = tpu.memref_squeeze %dma_wait3A_365 : memref<1x128xf32, #tpu.memory_space<hbm>> -> memref<128xf32, #tpu.memory_space<hbm>>
                %dma_wait3A_367 = arith.constant 0 : i32
                %dma_wait3A_368 = tpu.memref_slice %arg5[%run_scoped3A, %dma_wait3A_367] : memref<400x128xf32, #tpu.memory_space<vmem>> -> memref<1x128xf32, #tpu.memory_space<vmem>>
                %dma_wait3A_369 = tpu.memref_squeeze %dma_wait3A_368 : memref<1x128xf32, #tpu.memory_space<vmem>> -> memref<128xf32, #tpu.memory_space<vmem>>
                tpu.wait_dma2 semaphore(%run_scoped3A_345 : memref<!tpu.dma_semaphore, #tpu.memory_space<semaphore_mem>>) src(%dma_wait3A_369 : memref<128xf32, #tpu.memory_space<vmem>>) dst(%dma_wait3A_366 : memref<128xf32, #tpu.memory_space<hbm>>)
                tpu.yield
              }) : () -> ()
            } else {
            }
            %slice3A_250 = vector.extract_strided_slice %get3A_228 {offsets = [3], sizes = [1], strides = [1]} : vector<16xi32> to vector<1xi32>
            %squeeze3A_251 = vector.extract %slice3A_250[0] : i32 from vector<1xi32>
            %eq3A_252 = arith.constant 0 : i32
            %eq3A_253 = arith.cmpi eq, %squeeze3A_251, %eq3A_252 : i32
            %convert_element_type3A_254 = arith.extui %eq3A_253 : i1 to i32
            %cond3A_255 = arith.constant 0 : i32
            %cond3A_256 = arith.cmpi ne, %convert_element_type3A_254, %cond3A_255 : i32
            scf.if %cond3A_256 {
              %add3A_342 = arith.addi %mul3A_2, %multiple_of3A_226 : i32
              %add3A_343 = arith.constant 3 : i32
              %add3A_344 = arith.addi %add3A_342, %add3A_343 : i32
              %run_scoped3A = arith.constant 0 : i32
              "tpu.region"() ({
                %run_scoped3A_345 = tpu.sem_alloc : memref<!tpu.dma_semaphore, #tpu.memory_space<semaphore_mem>>
                %dma_start3A_346 = arith.constant 0 : i32
                %dma_start3A_347 = tpu.memref_slice %arg5[%run_scoped3A, %dma_start3A_346] : memref<400x128xf32, #tpu.memory_space<vmem>> -> memref<1x128xf32, #tpu.memory_space<vmem>>
                %dma_start3A_348 = tpu.memref_squeeze %dma_start3A_347 : memref<1x128xf32, #tpu.memory_space<vmem>> -> memref<128xf32, #tpu.memory_space<vmem>>
                %dma_start3A_349 = arith.constant 0 : i32
                %dma_start3A_350 = tpu.memref_slice %arg4[%add3A_344, %dma_start3A_349] : memref<819200x128xf32, #tpu.memory_space<hbm>> -> memref<1x128xf32, #tpu.memory_space<hbm>>
                %dma_start3A_351 = tpu.memref_squeeze %dma_start3A_350 : memref<1x128xf32, #tpu.memory_space<hbm>> -> memref<128xf32, #tpu.memory_space<hbm>>
                %dma_start3A_352 = arith.constant 0 : i32
                %dma_start3A_353 = tpu.memref_slice %arg4[%add3A_344, %dma_start3A_352] : memref<819200x128xf32, #tpu.memory_space<hbm>> -> memref<1x128xf32, #tpu.memory_space<hbm>>
                %dma_start3A_354 = tpu.memref_squeeze %dma_start3A_353 : memref<1x128xf32, #tpu.memory_space<hbm>> -> memref<128xf32, #tpu.memory_space<hbm>>
                %dma_start3A_355 = arith.constant 0 : i32
                %dma_start3A_356 = tpu.memref_slice %arg5[%run_scoped3A, %dma_start3A_355] : memref<400x128xf32, #tpu.memory_space<vmem>> -> memref<1x128xf32, #tpu.memory_space<vmem>>
                %dma_start3A_357 = tpu.memref_squeeze %dma_start3A_356 : memref<1x128xf32, #tpu.memory_space<vmem>> -> memref<128xf32, #tpu.memory_space<vmem>>
                tpu.enqueue_dma source(%dma_start3A_357 : memref<128xf32, #tpu.memory_space<vmem>>) target(%dma_start3A_354 : memref<128xf32, #tpu.memory_space<hbm>>) target_semaphore(%run_scoped3A_345 : memref<!tpu.dma_semaphore, #tpu.memory_space<semaphore_mem>>)
                %dma_wait3A_358 = arith.constant 0 : i32
                %dma_wait3A_359 = tpu.memref_slice %arg5[%run_scoped3A, %dma_wait3A_358] : memref<400x128xf32, #tpu.memory_space<vmem>> -> memref<1x128xf32, #tpu.memory_space<vmem>>
                %dma_wait3A_360 = tpu.memref_squeeze %dma_wait3A_359 : memref<1x128xf32, #tpu.memory_space<vmem>> -> memref<128xf32, #tpu.memory_space<vmem>>
                %dma_wait3A_361 = arith.constant 0 : i32
                %dma_wait3A_362 = tpu.memref_slice %arg4[%add3A_344, %dma_wait3A_361] : memref<819200x128xf32, #tpu.memory_space<hbm>> -> memref<1x128xf32, #tpu.memory_space<hbm>>
                %dma_wait3A_363 = tpu.memref_squeeze %dma_wait3A_362 : memref<1x128xf32, #tpu.memory_space<hbm>> -> memref<128xf32, #tpu.memory_space<hbm>>
                %dma_wait3A_364 = arith.constant 0 : i32
                %dma_wait3A_365 = tpu.memref_slice %arg4[%add3A_344, %dma_wait3A_364] : memref<819200x128xf32, #tpu.memory_space<hbm>> -> memref<1x128xf32, #tpu.memory_space<hbm>>
                %dma_wait3A_366 = tpu.memref_squeeze %dma_wait3A_365 : memref<1x128xf32, #tpu.memory_space<hbm>> -> memref<128xf32, #tpu.memory_space<hbm>>
                %dma_wait3A_367 = arith.constant 0 : i32
                %dma_wait3A_368 = tpu.memref_slice %arg5[%run_scoped3A, %dma_wait3A_367] : memref<400x128xf32, #tpu.memory_space<vmem>> -> memref<1x128xf32, #tpu.memory_space<vmem>>
                %dma_wait3A_369 = tpu.memref_squeeze %dma_wait3A_368 : memref<1x128xf32, #tpu.memory_space<vmem>> -> memref<128xf32, #tpu.memory_space<vmem>>
                tpu.wait_dma2 semaphore(%run_scoped3A_345 : memref<!tpu.dma_semaphore, #tpu.memory_space<semaphore_mem>>) src(%dma_wait3A_369 : memref<128xf32, #tpu.memory_space<vmem>>) dst(%dma_wait3A_366 : memref<128xf32, #tpu.memory_space<hbm>>)
                tpu.yield
              }) : () -> ()
            } else {
            }
            %slice3A_257 = vector.extract_strided_slice %get3A_228 {offsets = [4], sizes = [1], strides = [1]} : vector<16xi32> to vector<1xi32>
            %squeeze3A_258 = vector.extract %slice3A_257[0] : i32 from vector<1xi32>
            %eq3A_259 = arith.constant 0 : i32
            %eq3A_260 = arith.cmpi eq, %squeeze3A_258, %eq3A_259 : i32
            %convert_element_type3A_261 = arith.extui %eq3A_260 : i1 to i32
            %cond3A_262 = arith.constant 0 : i32
            %cond3A_263 = arith.cmpi ne, %convert_element_type3A_261, %cond3A_262 : i32
            scf.if %cond3A_263 {
              %add3A_342 = arith.addi %mul3A_2, %multiple_of3A_226 : i32
              %add3A_343 = arith.constant 4 : i32
              %add3A_344 = arith.addi %add3A_342, %add3A_343 : i32
              %run_scoped3A = arith.constant 0 : i32
              "tpu.region"() ({
                %run_scoped3A_345 = tpu.sem_alloc : memref<!tpu.dma_semaphore, #tpu.memory_space<semaphore_mem>>
                %dma_start3A_346 = arith.constant 0 : i32
                %dma_start3A_347 = tpu.memref_slice %arg5[%run_scoped3A, %dma_start3A_346] : memref<400x128xf32, #tpu.memory_space<vmem>> -> memref<1x128xf32, #tpu.memory_space<vmem>>
                %dma_start3A_348 = tpu.memref_squeeze %dma_start3A_347 : memref<1x128xf32, #tpu.memory_space<vmem>> -> memref<128xf32, #tpu.memory_space<vmem>>
                %dma_start3A_349 = arith.constant 0 : i32
                %dma_start3A_350 = tpu.memref_slice %arg4[%add3A_344, %dma_start3A_349] : memref<819200x128xf32, #tpu.memory_space<hbm>> -> memref<1x128xf32, #tpu.memory_space<hbm>>
                %dma_start3A_351 = tpu.memref_squeeze %dma_start3A_350 : memref<1x128xf32, #tpu.memory_space<hbm>> -> memref<128xf32, #tpu.memory_space<hbm>>
                %dma_start3A_352 = arith.constant 0 : i32
                %dma_start3A_353 = tpu.memref_slice %arg4[%add3A_344, %dma_start3A_352] : memref<819200x128xf32, #tpu.memory_space<hbm>> -> memref<1x128xf32, #tpu.memory_space<hbm>>
                %dma_start3A_354 = tpu.memref_squeeze %dma_start3A_353 : memref<1x128xf32, #tpu.memory_space<hbm>> -> memref<128xf32, #tpu.memory_space<hbm>>
                %dma_start3A_355 = arith.constant 0 : i32
                %dma_start3A_356 = tpu.memref_slice %arg5[%run_scoped3A, %dma_start3A_355] : memref<400x128xf32, #tpu.memory_space<vmem>> -> memref<1x128xf32, #tpu.memory_space<vmem>>
                %dma_start3A_357 = tpu.memref_squeeze %dma_start3A_356 : memref<1x128xf32, #tpu.memory_space<vmem>> -> memref<128xf32, #tpu.memory_space<vmem>>
                tpu.enqueue_dma source(%dma_start3A_357 : memref<128xf32, #tpu.memory_space<vmem>>) target(%dma_start3A_354 : memref<128xf32, #tpu.memory_space<hbm>>) target_semaphore(%run_scoped3A_345 : memref<!tpu.dma_semaphore, #tpu.memory_space<semaphore_mem>>)
                %dma_wait3A_358 = arith.constant 0 : i32
                %dma_wait3A_359 = tpu.memref_slice %arg5[%run_scoped3A, %dma_wait3A_358] : memref<400x128xf32, #tpu.memory_space<vmem>> -> memref<1x128xf32, #tpu.memory_space<vmem>>
                %dma_wait3A_360 = tpu.memref_squeeze %dma_wait3A_359 : memref<1x128xf32, #tpu.memory_space<vmem>> -> memref<128xf32, #tpu.memory_space<vmem>>
                %dma_wait3A_361 = arith.constant 0 : i32
                %dma_wait3A_362 = tpu.memref_slice %arg4[%add3A_344, %dma_wait3A_361] : memref<819200x128xf32, #tpu.memory_space<hbm>> -> memref<1x128xf32, #tpu.memory_space<hbm>>
                %dma_wait3A_363 = tpu.memref_squeeze %dma_wait3A_362 : memref<1x128xf32, #tpu.memory_space<hbm>> -> memref<128xf32, #tpu.memory_space<hbm>>
                %dma_wait3A_364 = arith.constant 0 : i32
                %dma_wait3A_365 = tpu.memref_slice %arg4[%add3A_344, %dma_wait3A_364] : memref<819200x128xf32, #tpu.memory_space<hbm>> -> memref<1x128xf32, #tpu.memory_space<hbm>>
                %dma_wait3A_366 = tpu.memref_squeeze %dma_wait3A_365 : memref<1x128xf32, #tpu.memory_space<hbm>> -> memref<128xf32, #tpu.memory_space<hbm>>
                %dma_wait3A_367 = arith.constant 0 : i32
                %dma_wait3A_368 = tpu.memref_slice %arg5[%run_scoped3A, %dma_wait3A_367] : memref<400x128xf32, #tpu.memory_space<vmem>> -> memref<1x128xf32, #tpu.memory_space<vmem>>
                %dma_wait3A_369 = tpu.memref_squeeze %dma_wait3A_368 : memref<1x128xf32, #tpu.memory_space<vmem>> -> memref<128xf32, #tpu.memory_space<vmem>>
                tpu.wait_dma2 semaphore(%run_scoped3A_345 : memref<!tpu.dma_semaphore, #tpu.memory_space<semaphore_mem>>) src(%dma_wait3A_369 : memref<128xf32, #tpu.memory_space<vmem>>) dst(%dma_wait3A_366 : memref<128xf32, #tpu.memory_space<hbm>>)
                tpu.yield
              }) : () -> ()
            } else {
            }
            %slice3A_264 = vector.extract_strided_slice %get3A_228 {offsets = [5], sizes = [1], strides = [1]} : vector<16xi32> to vector<1xi32>
            %squeeze3A_265 = vector.extract %slice3A_264[0] : i32 from vector<1xi32>
            %eq3A_266 = arith.constant 0 : i32
            %eq3A_267 = arith.cmpi eq, %squeeze3A_265, %eq3A_266 : i32
            %convert_element_type3A_268 = arith.extui %eq3A_267 : i1 to i32
            %cond3A_269 = arith.constant 0 : i32
            %cond3A_270 = arith.cmpi ne, %convert_element_type3A_268, %cond3A_269 : i32
            scf.if %cond3A_270 {
              %add3A_342 = arith.addi %mul3A_2, %multiple_of3A_226 : i32
              %add3A_343 = arith.constant 5 : i32
              %add3A_344 = arith.addi %add3A_342, %add3A_343 : i32
              %run_scoped3A = arith.constant 0 : i32
              "tpu.region"() ({
                %run_scoped3A_345 = tpu.sem_alloc : memref<!tpu.dma_semaphore, #tpu.memory_space<semaphore_mem>>
                %dma_start3A_346 = arith.constant 0 : i32
                %dma_start3A_347 = tpu.memref_slice %arg5[%run_scoped3A, %dma_start3A_346] : memref<400x128xf32, #tpu.memory_space<vmem>> -> memref<1x128xf32, #tpu.memory_space<vmem>>
                %dma_start3A_348 = tpu.memref_squeeze %dma_start3A_347 : memref<1x128xf32, #tpu.memory_space<vmem>> -> memref<128xf32, #tpu.memory_space<vmem>>
                %dma_start3A_349 = arith.constant 0 : i32
                %dma_start3A_350 = tpu.memref_slice %arg4[%add3A_344, %dma_start3A_349] : memref<819200x128xf32, #tpu.memory_space<hbm>> -> memref<1x128xf32, #tpu.memory_space<hbm>>
                %dma_start3A_351 = tpu.memref_squeeze %dma_start3A_350 : memref<1x128xf32, #tpu.memory_space<hbm>> -> memref<128xf32, #tpu.memory_space<hbm>>
                %dma_start3A_352 = arith.constant 0 : i32
                %dma_start3A_353 = tpu.memref_slice %arg4[%add3A_344, %dma_start3A_352] : memref<819200x128xf32, #tpu.memory_space<hbm>> -> memref<1x128xf32, #tpu.memory_space<hbm>>
                %dma_start3A_354 = tpu.memref_squeeze %dma_start3A_353 : memref<1x128xf32, #tpu.memory_space<hbm>> -> memref<128xf32, #tpu.memory_space<hbm>>
                %dma_start3A_355 = arith.constant 0 : i32
                %dma_start3A_356 = tpu.memref_slice %arg5[%run_scoped3A, %dma_start3A_355] : memref<400x128xf32, #tpu.memory_space<vmem>> -> memref<1x128xf32, #tpu.memory_space<vmem>>
                %dma_start3A_357 = tpu.memref_squeeze %dma_start3A_356 : memref<1x128xf32, #tpu.memory_space<vmem>> -> memref<128xf32, #tpu.memory_space<vmem>>
                tpu.enqueue_dma source(%dma_start3A_357 : memref<128xf32, #tpu.memory_space<vmem>>) target(%dma_start3A_354 : memref<128xf32, #tpu.memory_space<hbm>>) target_semaphore(%run_scoped3A_345 : memref<!tpu.dma_semaphore, #tpu.memory_space<semaphore_mem>>)
                %dma_wait3A_358 = arith.constant 0 : i32
                %dma_wait3A_359 = tpu.memref_slice %arg5[%run_scoped3A, %dma_wait3A_358] : memref<400x128xf32, #tpu.memory_space<vmem>> -> memref<1x128xf32, #tpu.memory_space<vmem>>
                %dma_wait3A_360 = tpu.memref_squeeze %dma_wait3A_359 : memref<1x128xf32, #tpu.memory_space<vmem>> -> memref<128xf32, #tpu.memory_space<vmem>>
                %dma_wait3A_361 = arith.constant 0 : i32
                %dma_wait3A_362 = tpu.memref_slice %arg4[%add3A_344, %dma_wait3A_361] : memref<819200x128xf32, #tpu.memory_space<hbm>> -> memref<1x128xf32, #tpu.memory_space<hbm>>
                %dma_wait3A_363 = tpu.memref_squeeze %dma_wait3A_362 : memref<1x128xf32, #tpu.memory_space<hbm>> -> memref<128xf32, #tpu.memory_space<hbm>>
                %dma_wait3A_364 = arith.constant 0 : i32
                %dma_wait3A_365 = tpu.memref_slice %arg4[%add3A_344, %dma_wait3A_364] : memref<819200x128xf32, #tpu.memory_space<hbm>> -> memref<1x128xf32, #tpu.memory_space<hbm>>
                %dma_wait3A_366 = tpu.memref_squeeze %dma_wait3A_365 : memref<1x128xf32, #tpu.memory_space<hbm>> -> memref<128xf32, #tpu.memory_space<hbm>>
                %dma_wait3A_367 = arith.constant 0 : i32
                %dma_wait3A_368 = tpu.memref_slice %arg5[%run_scoped3A, %dma_wait3A_367] : memref<400x128xf32, #tpu.memory_space<vmem>> -> memref<1x128xf32, #tpu.memory_space<vmem>>
                %dma_wait3A_369 = tpu.memref_squeeze %dma_wait3A_368 : memref<1x128xf32, #tpu.memory_space<vmem>> -> memref<128xf32, #tpu.memory_space<vmem>>
                tpu.wait_dma2 semaphore(%run_scoped3A_345 : memref<!tpu.dma_semaphore, #tpu.memory_space<semaphore_mem>>) src(%dma_wait3A_369 : memref<128xf32, #tpu.memory_space<vmem>>) dst(%dma_wait3A_366 : memref<128xf32, #tpu.memory_space<hbm>>)
                tpu.yield
              }) : () -> ()
            } else {
            }
            %slice3A_271 = vector.extract_strided_slice %get3A_228 {offsets = [6], sizes = [1], strides = [1]} : vector<16xi32> to vector<1xi32>
            %squeeze3A_272 = vector.extract %slice3A_271[0] : i32 from vector<1xi32>
            %eq3A_273 = arith.constant 0 : i32
            %eq3A_274 = arith.cmpi eq, %squeeze3A_272, %eq3A_273 : i32
            %convert_element_type3A_275 = arith.extui %eq3A_274 : i1 to i32
            %cond3A_276 = arith.constant 0 : i32
            %cond3A_277 = arith.cmpi ne, %convert_element_type3A_275, %cond3A_276 : i32
            scf.if %cond3A_277 {
              %add3A_342 = arith.addi %mul3A_2, %multiple_of3A_226 : i32
              %add3A_343 = arith.constant 6 : i32
              %add3A_344 = arith.addi %add3A_342, %add3A_343 : i32
              %run_scoped3A = arith.constant 0 : i32
              "tpu.region"() ({
                %run_scoped3A_345 = tpu.sem_alloc : memref<!tpu.dma_semaphore, #tpu.memory_space<semaphore_mem>>
                %dma_start3A_346 = arith.constant 0 : i32
                %dma_start3A_347 = tpu.memref_slice %arg5[%run_scoped3A, %dma_start3A_346] : memref<400x128xf32, #tpu.memory_space<vmem>> -> memref<1x128xf32, #tpu.memory_space<vmem>>
                %dma_start3A_348 = tpu.memref_squeeze %dma_start3A_347 : memref<1x128xf32, #tpu.memory_space<vmem>> -> memref<128xf32, #tpu.memory_space<vmem>>
                %dma_start3A_349 = arith.constant 0 : i32
                %dma_start3A_350 = tpu.memref_slice %arg4[%add3A_344, %dma_start3A_349] : memref<819200x128xf32, #tpu.memory_space<hbm>> -> memref<1x128xf32, #tpu.memory_space<hbm>>
                %dma_start3A_351 = tpu.memref_squeeze %dma_start3A_350 : memref<1x128xf32, #tpu.memory_space<hbm>> -> memref<128xf32, #tpu.memory_space<hbm>>
                %dma_start3A_352 = arith.constant 0 : i32
                %dma_start3A_353 = tpu.memref_slice %arg4[%add3A_344, %dma_start3A_352] : memref<819200x128xf32, #tpu.memory_space<hbm>> -> memref<1x128xf32, #tpu.memory_space<hbm>>
                %dma_start3A_354 = tpu.memref_squeeze %dma_start3A_353 : memref<1x128xf32, #tpu.memory_space<hbm>> -> memref<128xf32, #tpu.memory_space<hbm>>
                %dma_start3A_355 = arith.constant 0 : i32
                %dma_start3A_356 = tpu.memref_slice %arg5[%run_scoped3A, %dma_start3A_355] : memref<400x128xf32, #tpu.memory_space<vmem>> -> memref<1x128xf32, #tpu.memory_space<vmem>>
                %dma_start3A_357 = tpu.memref_squeeze %dma_start3A_356 : memref<1x128xf32, #tpu.memory_space<vmem>> -> memref<128xf32, #tpu.memory_space<vmem>>
                tpu.enqueue_dma source(%dma_start3A_357 : memref<128xf32, #tpu.memory_space<vmem>>) target(%dma_start3A_354 : memref<128xf32, #tpu.memory_space<hbm>>) target_semaphore(%run_scoped3A_345 : memref<!tpu.dma_semaphore, #tpu.memory_space<semaphore_mem>>)
                %dma_wait3A_358 = arith.constant 0 : i32
                %dma_wait3A_359 = tpu.memref_slice %arg5[%run_scoped3A, %dma_wait3A_358] : memref<400x128xf32, #tpu.memory_space<vmem>> -> memref<1x128xf32, #tpu.memory_space<vmem>>
                %dma_wait3A_360 = tpu.memref_squeeze %dma_wait3A_359 : memref<1x128xf32, #tpu.memory_space<vmem>> -> memref<128xf32, #tpu.memory_space<vmem>>
                %dma_wait3A_361 = arith.constant 0 : i32
                %dma_wait3A_362 = tpu.memref_slice %arg4[%add3A_344, %dma_wait3A_361] : memref<819200x128xf32, #tpu.memory_space<hbm>> -> memref<1x128xf32, #tpu.memory_space<hbm>>
                %dma_wait3A_363 = tpu.memref_squeeze %dma_wait3A_362 : memref<1x128xf32, #tpu.memory_space<hbm>> -> memref<128xf32, #tpu.memory_space<hbm>>
                %dma_wait3A_364 = arith.constant 0 : i32
                %dma_wait3A_365 = tpu.memref_slice %arg4[%add3A_344, %dma_wait3A_364] : memref<819200x128xf32, #tpu.memory_space<hbm>> -> memref<1x128xf32, #tpu.memory_space<hbm>>
                %dma_wait3A_366 = tpu.memref_squeeze %dma_wait3A_365 : memref<1x128xf32, #tpu.memory_space<hbm>> -> memref<128xf32, #tpu.memory_space<hbm>>
                %dma_wait3A_367 = arith.constant 0 : i32
                %dma_wait3A_368 = tpu.memref_slice %arg5[%run_scoped3A, %dma_wait3A_367] : memref<400x128xf32, #tpu.memory_space<vmem>> -> memref<1x128xf32, #tpu.memory_space<vmem>>
                %dma_wait3A_369 = tpu.memref_squeeze %dma_wait3A_368 : memref<1x128xf32, #tpu.memory_space<vmem>> -> memref<128xf32, #tpu.memory_space<vmem>>
                tpu.wait_dma2 semaphore(%run_scoped3A_345 : memref<!tpu.dma_semaphore, #tpu.memory_space<semaphore_mem>>) src(%dma_wait3A_369 : memref<128xf32, #tpu.memory_space<vmem>>) dst(%dma_wait3A_366 : memref<128xf32, #tpu.memory_space<hbm>>)
                tpu.yield
              }) : () -> ()
            } else {
            }
            %slice3A_278 = vector.extract_strided_slice %get3A_228 {offsets = [7], sizes = [1], strides = [1]} : vector<16xi32> to vector<1xi32>
            %squeeze3A_279 = vector.extract %slice3A_278[0] : i32 from vector<1xi32>
            %eq3A_280 = arith.constant 0 : i32
            %eq3A_281 = arith.cmpi eq, %squeeze3A_279, %eq3A_280 : i32
            %convert_element_type3A_282 = arith.extui %eq3A_281 : i1 to i32
            %cond3A_283 = arith.constant 0 : i32
            %cond3A_284 = arith.cmpi ne, %convert_element_type3A_282, %cond3A_283 : i32
            scf.if %cond3A_284 {
              %add3A_342 = arith.addi %mul3A_2, %multiple_of3A_226 : i32
              %add3A_343 = arith.constant 7 : i32
              %add3A_344 = arith.addi %add3A_342, %add3A_343 : i32
              %run_scoped3A = arith.constant 0 : i32
              "tpu.region"() ({
                %run_scoped3A_345 = tpu.sem_alloc : memref<!tpu.dma_semaphore, #tpu.memory_space<semaphore_mem>>
                %dma_start3A_346 = arith.constant 0 : i32
                %dma_start3A_347 = tpu.memref_slice %arg5[%run_scoped3A, %dma_start3A_346] : memref<400x128xf32, #tpu.memory_space<vmem>> -> memref<1x128xf32, #tpu.memory_space<vmem>>
                %dma_start3A_348 = tpu.memref_squeeze %dma_start3A_347 : memref<1x128xf32, #tpu.memory_space<vmem>> -> memref<128xf32, #tpu.memory_space<vmem>>
                %dma_start3A_349 = arith.constant 0 : i32
                %dma_start3A_350 = tpu.memref_slice %arg4[%add3A_344, %dma_start3A_349] : memref<819200x128xf32, #tpu.memory_space<hbm>> -> memref<1x128xf32, #tpu.memory_space<hbm>>
                %dma_start3A_351 = tpu.memref_squeeze %dma_start3A_350 : memref<1x128xf32, #tpu.memory_space<hbm>> -> memref<128xf32, #tpu.memory_space<hbm>>
                %dma_start3A_352 = arith.constant 0 : i32
                %dma_start3A_353 = tpu.memref_slice %arg4[%add3A_344, %dma_start3A_352] : memref<819200x128xf32, #tpu.memory_space<hbm>> -> memref<1x128xf32, #tpu.memory_space<hbm>>
                %dma_start3A_354 = tpu.memref_squeeze %dma_start3A_353 : memref<1x128xf32, #tpu.memory_space<hbm>> -> memref<128xf32, #tpu.memory_space<hbm>>
                %dma_start3A_355 = arith.constant 0 : i32
                %dma_start3A_356 = tpu.memref_slice %arg5[%run_scoped3A, %dma_start3A_355] : memref<400x128xf32, #tpu.memory_space<vmem>> -> memref<1x128xf32, #tpu.memory_space<vmem>>
                %dma_start3A_357 = tpu.memref_squeeze %dma_start3A_356 : memref<1x128xf32, #tpu.memory_space<vmem>> -> memref<128xf32, #tpu.memory_space<vmem>>
                tpu.enqueue_dma source(%dma_start3A_357 : memref<128xf32, #tpu.memory_space<vmem>>) target(%dma_start3A_354 : memref<128xf32, #tpu.memory_space<hbm>>) target_semaphore(%run_scoped3A_345 : memref<!tpu.dma_semaphore, #tpu.memory_space<semaphore_mem>>)
                %dma_wait3A_358 = arith.constant 0 : i32
                %dma_wait3A_359 = tpu.memref_slice %arg5[%run_scoped3A, %dma_wait3A_358] : memref<400x128xf32, #tpu.memory_space<vmem>> -> memref<1x128xf32, #tpu.memory_space<vmem>>
                %dma_wait3A_360 = tpu.memref_squeeze %dma_wait3A_359 : memref<1x128xf32, #tpu.memory_space<vmem>> -> memref<128xf32, #tpu.memory_space<vmem>>
                %dma_wait3A_361 = arith.constant 0 : i32
                %dma_wait3A_362 = tpu.memref_slice %arg4[%add3A_344, %dma_wait3A_361] : memref<819200x128xf32, #tpu.memory_space<hbm>> -> memref<1x128xf32, #tpu.memory_space<hbm>>
                %dma_wait3A_363 = tpu.memref_squeeze %dma_wait3A_362 : memref<1x128xf32, #tpu.memory_space<hbm>> -> memref<128xf32, #tpu.memory_space<hbm>>
                %dma_wait3A_364 = arith.constant 0 : i32
                %dma_wait3A_365 = tpu.memref_slice %arg4[%add3A_344, %dma_wait3A_364] : memref<819200x128xf32, #tpu.memory_space<hbm>> -> memref<1x128xf32, #tpu.memory_space<hbm>>
                %dma_wait3A_366 = tpu.memref_squeeze %dma_wait3A_365 : memref<1x128xf32, #tpu.memory_space<hbm>> -> memref<128xf32, #tpu.memory_space<hbm>>
                %dma_wait3A_367 = arith.constant 0 : i32
                %dma_wait3A_368 = tpu.memref_slice %arg5[%run_scoped3A, %dma_wait3A_367] : memref<400x128xf32, #tpu.memory_space<vmem>> -> memref<1x128xf32, #tpu.memory_space<vmem>>
                %dma_wait3A_369 = tpu.memref_squeeze %dma_wait3A_368 : memref<1x128xf32, #tpu.memory_space<vmem>> -> memref<128xf32, #tpu.memory_space<vmem>>
                tpu.wait_dma2 semaphore(%run_scoped3A_345 : memref<!tpu.dma_semaphore, #tpu.memory_space<semaphore_mem>>) src(%dma_wait3A_369 : memref<128xf32, #tpu.memory_space<vmem>>) dst(%dma_wait3A_366 : memref<128xf32, #tpu.memory_space<hbm>>)
                tpu.yield
              }) : () -> ()
            } else {
            }
            %slice3A_285 = vector.extract_strided_slice %get3A_228 {offsets = [8], sizes = [1], strides = [1]} : vector<16xi32> to vector<1xi32>
            %squeeze3A_286 = vector.extract %slice3A_285[0] : i32 from vector<1xi32>
            %eq3A_287 = arith.constant 0 : i32
            %eq3A_288 = arith.cmpi eq, %squeeze3A_286, %eq3A_287 : i32
            %convert_element_type3A_289 = arith.extui %eq3A_288 : i1 to i32
            %cond3A_290 = arith.constant 0 : i32
            %cond3A_291 = arith.cmpi ne, %convert_element_type3A_289, %cond3A_290 : i32
            scf.if %cond3A_291 {
              %add3A_342 = arith.addi %mul3A_2, %multiple_of3A_226 : i32
              %add3A_343 = arith.constant 8 : i32
              %add3A_344 = arith.addi %add3A_342, %add3A_343 : i32
              %run_scoped3A = arith.constant 0 : i32
              "tpu.region"() ({
                %run_scoped3A_345 = tpu.sem_alloc : memref<!tpu.dma_semaphore, #tpu.memory_space<semaphore_mem>>
                %dma_start3A_346 = arith.constant 0 : i32
                %dma_start3A_347 = tpu.memref_slice %arg5[%run_scoped3A, %dma_start3A_346] : memref<400x128xf32, #tpu.memory_space<vmem>> -> memref<1x128xf32, #tpu.memory_space<vmem>>
                %dma_start3A_348 = tpu.memref_squeeze %dma_start3A_347 : memref<1x128xf32, #tpu.memory_space<vmem>> -> memref<128xf32, #tpu.memory_space<vmem>>
                %dma_start3A_349 = arith.constant 0 : i32
                %dma_start3A_350 = tpu.memref_slice %arg4[%add3A_344, %dma_start3A_349] : memref<819200x128xf32, #tpu.memory_space<hbm>> -> memref<1x128xf32, #tpu.memory_space<hbm>>
                %dma_start3A_351 = tpu.memref_squeeze %dma_start3A_350 : memref<1x128xf32, #tpu.memory_space<hbm>> -> memref<128xf32, #tpu.memory_space<hbm>>
                %dma_start3A_352 = arith.constant 0 : i32
                %dma_start3A_353 = tpu.memref_slice %arg4[%add3A_344, %dma_start3A_352] : memref<819200x128xf32, #tpu.memory_space<hbm>> -> memref<1x128xf32, #tpu.memory_space<hbm>>
                %dma_start3A_354 = tpu.memref_squeeze %dma_start3A_353 : memref<1x128xf32, #tpu.memory_space<hbm>> -> memref<128xf32, #tpu.memory_space<hbm>>
                %dma_start3A_355 = arith.constant 0 : i32
                %dma_start3A_356 = tpu.memref_slice %arg5[%run_scoped3A, %dma_start3A_355] : memref<400x128xf32, #tpu.memory_space<vmem>> -> memref<1x128xf32, #tpu.memory_space<vmem>>
                %dma_start3A_357 = tpu.memref_squeeze %dma_start3A_356 : memref<1x128xf32, #tpu.memory_space<vmem>> -> memref<128xf32, #tpu.memory_space<vmem>>
                tpu.enqueue_dma source(%dma_start3A_357 : memref<128xf32, #tpu.memory_space<vmem>>) target(%dma_start3A_354 : memref<128xf32, #tpu.memory_space<hbm>>) target_semaphore(%run_scoped3A_345 : memref<!tpu.dma_semaphore, #tpu.memory_space<semaphore_mem>>)
                %dma_wait3A_358 = arith.constant 0 : i32
                %dma_wait3A_359 = tpu.memref_slice %arg5[%run_scoped3A, %dma_wait3A_358] : memref<400x128xf32, #tpu.memory_space<vmem>> -> memref<1x128xf32, #tpu.memory_space<vmem>>
                %dma_wait3A_360 = tpu.memref_squeeze %dma_wait3A_359 : memref<1x128xf32, #tpu.memory_space<vmem>> -> memref<128xf32, #tpu.memory_space<vmem>>
                %dma_wait3A_361 = arith.constant 0 : i32
                %dma_wait3A_362 = tpu.memref_slice %arg4[%add3A_344, %dma_wait3A_361] : memref<819200x128xf32, #tpu.memory_space<hbm>> -> memref<1x128xf32, #tpu.memory_space<hbm>>
                %dma_wait3A_363 = tpu.memref_squeeze %dma_wait3A_362 : memref<1x128xf32, #tpu.memory_space<hbm>> -> memref<128xf32, #tpu.memory_space<hbm>>
                %dma_wait3A_364 = arith.constant 0 : i32
                %dma_wait3A_365 = tpu.memref_slice %arg4[%add3A_344, %dma_wait3A_364] : memref<819200x128xf32, #tpu.memory_space<hbm>> -> memref<1x128xf32, #tpu.memory_space<hbm>>
                %dma_wait3A_366 = tpu.memref_squeeze %dma_wait3A_365 : memref<1x128xf32, #tpu.memory_space<hbm>> -> memref<128xf32, #tpu.memory_space<hbm>>
                %dma_wait3A_367 = arith.constant 0 : i32
                %dma_wait3A_368 = tpu.memref_slice %arg5[%run_scoped3A, %dma_wait3A_367] : memref<400x128xf32, #tpu.memory_space<vmem>> -> memref<1x128xf32, #tpu.memory_space<vmem>>
                %dma_wait3A_369 = tpu.memref_squeeze %dma_wait3A_368 : memref<1x128xf32, #tpu.memory_space<vmem>> -> memref<128xf32, #tpu.memory_space<vmem>>
                tpu.wait_dma2 semaphore(%run_scoped3A_345 : memref<!tpu.dma_semaphore, #tpu.memory_space<semaphore_mem>>) src(%dma_wait3A_369 : memref<128xf32, #tpu.memory_space<vmem>>) dst(%dma_wait3A_366 : memref<128xf32, #tpu.memory_space<hbm>>)
                tpu.yield
              }) : () -> ()
            } else {
            }
            %slice3A_292 = vector.extract_strided_slice %get3A_228 {offsets = [9], sizes = [1], strides = [1]} : vector<16xi32> to vector<1xi32>
            %squeeze3A_293 = vector.extract %slice3A_292[0] : i32 from vector<1xi32>
            %eq3A_294 = arith.constant 0 : i32
            %eq3A_295 = arith.cmpi eq, %squeeze3A_293, %eq3A_294 : i32
            %convert_element_type3A_296 = arith.extui %eq3A_295 : i1 to i32
            %cond3A_297 = arith.constant 0 : i32
            %cond3A_298 = arith.cmpi ne, %convert_element_type3A_296, %cond3A_297 : i32
            scf.if %cond3A_298 {
              %add3A_342 = arith.addi %mul3A_2, %multiple_of3A_226 : i32
              %add3A_343 = arith.constant 9 : i32
              %add3A_344 = arith.addi %add3A_342, %add3A_343 : i32
              %run_scoped3A = arith.constant 0 : i32
              "tpu.region"() ({
                %run_scoped3A_345 = tpu.sem_alloc : memref<!tpu.dma_semaphore, #tpu.memory_space<semaphore_mem>>
                %dma_start3A_346 = arith.constant 0 : i32
                %dma_start3A_347 = tpu.memref_slice %arg5[%run_scoped3A, %dma_start3A_346] : memref<400x128xf32, #tpu.memory_space<vmem>> -> memref<1x128xf32, #tpu.memory_space<vmem>>
                %dma_start3A_348 = tpu.memref_squeeze %dma_start3A_347 : memref<1x128xf32, #tpu.memory_space<vmem>> -> memref<128xf32, #tpu.memory_space<vmem>>
                %dma_start3A_349 = arith.constant 0 : i32
                %dma_start3A_350 = tpu.memref_slice %arg4[%add3A_344, %dma_start3A_349] : memref<819200x128xf32, #tpu.memory_space<hbm>> -> memref<1x128xf32, #tpu.memory_space<hbm>>
                %dma_start3A_351 = tpu.memref_squeeze %dma_start3A_350 : memref<1x128xf32, #tpu.memory_space<hbm>> -> memref<128xf32, #tpu.memory_space<hbm>>
                %dma_start3A_352 = arith.constant 0 : i32
                %dma_start3A_353 = tpu.memref_slice %arg4[%add3A_344, %dma_start3A_352] : memref<819200x128xf32, #tpu.memory_space<hbm>> -> memref<1x128xf32, #tpu.memory_space<hbm>>
                %dma_start3A_354 = tpu.memref_squeeze %dma_start3A_353 : memref<1x128xf32, #tpu.memory_space<hbm>> -> memref<128xf32, #tpu.memory_space<hbm>>
                %dma_start3A_355 = arith.constant 0 : i32
                %dma_start3A_356 = tpu.memref_slice %arg5[%run_scoped3A, %dma_start3A_355] : memref<400x128xf32, #tpu.memory_space<vmem>> -> memref<1x128xf32, #tpu.memory_space<vmem>>
                %dma_start3A_357 = tpu.memref_squeeze %dma_start3A_356 : memref<1x128xf32, #tpu.memory_space<vmem>> -> memref<128xf32, #tpu.memory_space<vmem>>
                tpu.enqueue_dma source(%dma_start3A_357 : memref<128xf32, #tpu.memory_space<vmem>>) target(%dma_start3A_354 : memref<128xf32, #tpu.memory_space<hbm>>) target_semaphore(%run_scoped3A_345 : memref<!tpu.dma_semaphore, #tpu.memory_space<semaphore_mem>>)
                %dma_wait3A_358 = arith.constant 0 : i32
                %dma_wait3A_359 = tpu.memref_slice %arg5[%run_scoped3A, %dma_wait3A_358] : memref<400x128xf32, #tpu.memory_space<vmem>> -> memref<1x128xf32, #tpu.memory_space<vmem>>
                %dma_wait3A_360 = tpu.memref_squeeze %dma_wait3A_359 : memref<1x128xf32, #tpu.memory_space<vmem>> -> memref<128xf32, #tpu.memory_space<vmem>>
                %dma_wait3A_361 = arith.constant 0 : i32
                %dma_wait3A_362 = tpu.memref_slice %arg4[%add3A_344, %dma_wait3A_361] : memref<819200x128xf32, #tpu.memory_space<hbm>> -> memref<1x128xf32, #tpu.memory_space<hbm>>
                %dma_wait3A_363 = tpu.memref_squeeze %dma_wait3A_362 : memref<1x128xf32, #tpu.memory_space<hbm>> -> memref<128xf32, #tpu.memory_space<hbm>>
                %dma_wait3A_364 = arith.constant 0 : i32
                %dma_wait3A_365 = tpu.memref_slice %arg4[%add3A_344, %dma_wait3A_364] : memref<819200x128xf32, #tpu.memory_space<hbm>> -> memref<1x128xf32, #tpu.memory_space<hbm>>
                %dma_wait3A_366 = tpu.memref_squeeze %dma_wait3A_365 : memref<1x128xf32, #tpu.memory_space<hbm>> -> memref<128xf32, #tpu.memory_space<hbm>>
                %dma_wait3A_367 = arith.constant 0 : i32
                %dma_wait3A_368 = tpu.memref_slice %arg5[%run_scoped3A, %dma_wait3A_367] : memref<400x128xf32, #tpu.memory_space<vmem>> -> memref<1x128xf32, #tpu.memory_space<vmem>>
                %dma_wait3A_369 = tpu.memref_squeeze %dma_wait3A_368 : memref<1x128xf32, #tpu.memory_space<vmem>> -> memref<128xf32, #tpu.memory_space<vmem>>
                tpu.wait_dma2 semaphore(%run_scoped3A_345 : memref<!tpu.dma_semaphore, #tpu.memory_space<semaphore_mem>>) src(%dma_wait3A_369 : memref<128xf32, #tpu.memory_space<vmem>>) dst(%dma_wait3A_366 : memref<128xf32, #tpu.memory_space<hbm>>)
                tpu.yield
              }) : () -> ()
            } else {
            }
            %slice3A_299 = vector.extract_strided_slice %get3A_228 {offsets = [10], sizes = [1], strides = [1]} : vector<16xi32> to vector<1xi32>
            %squeeze3A_300 = vector.extract %slice3A_299[0] : i32 from vector<1xi32>
            %eq3A_301 = arith.constant 0 : i32
            %eq3A_302 = arith.cmpi eq, %squeeze3A_300, %eq3A_301 : i32
            %convert_element_type3A_303 = arith.extui %eq3A_302 : i1 to i32
            %cond3A_304 = arith.constant 0 : i32
            %cond3A_305 = arith.cmpi ne, %convert_element_type3A_303, %cond3A_304 : i32
            scf.if %cond3A_305 {
              %add3A_342 = arith.addi %mul3A_2, %multiple_of3A_226 : i32
              %add3A_343 = arith.constant 10 : i32
              %add3A_344 = arith.addi %add3A_342, %add3A_343 : i32
              %run_scoped3A = arith.constant 0 : i32
              "tpu.region"() ({
                %run_scoped3A_345 = tpu.sem_alloc : memref<!tpu.dma_semaphore, #tpu.memory_space<semaphore_mem>>
                %dma_start3A_346 = arith.constant 0 : i32
                %dma_start3A_347 = tpu.memref_slice %arg5[%run_scoped3A, %dma_start3A_346] : memref<400x128xf32, #tpu.memory_space<vmem>> -> memref<1x128xf32, #tpu.memory_space<vmem>>
                %dma_start3A_348 = tpu.memref_squeeze %dma_start3A_347 : memref<1x128xf32, #tpu.memory_space<vmem>> -> memref<128xf32, #tpu.memory_space<vmem>>
                %dma_start3A_349 = arith.constant 0 : i32
                %dma_start3A_350 = tpu.memref_slice %arg4[%add3A_344, %dma_start3A_349] : memref<819200x128xf32, #tpu.memory_space<hbm>> -> memref<1x128xf32, #tpu.memory_space<hbm>>
                %dma_start3A_351 = tpu.memref_squeeze %dma_start3A_350 : memref<1x128xf32, #tpu.memory_space<hbm>> -> memref<128xf32, #tpu.memory_space<hbm>>
                %dma_start3A_352 = arith.constant 0 : i32
                %dma_start3A_353 = tpu.memref_slice %arg4[%add3A_344, %dma_start3A_352] : memref<819200x128xf32, #tpu.memory_space<hbm>> -> memref<1x128xf32, #tpu.memory_space<hbm>>
                %dma_start3A_354 = tpu.memref_squeeze %dma_start3A_353 : memref<1x128xf32, #tpu.memory_space<hbm>> -> memref<128xf32, #tpu.memory_space<hbm>>
                %dma_start3A_355 = arith.constant 0 : i32
                %dma_start3A_356 = tpu.memref_slice %arg5[%run_scoped3A, %dma_start3A_355] : memref<400x128xf32, #tpu.memory_space<vmem>> -> memref<1x128xf32, #tpu.memory_space<vmem>>
                %dma_start3A_357 = tpu.memref_squeeze %dma_start3A_356 : memref<1x128xf32, #tpu.memory_space<vmem>> -> memref<128xf32, #tpu.memory_space<vmem>>
                tpu.enqueue_dma source(%dma_start3A_357 : memref<128xf32, #tpu.memory_space<vmem>>) target(%dma_start3A_354 : memref<128xf32, #tpu.memory_space<hbm>>) target_semaphore(%run_scoped3A_345 : memref<!tpu.dma_semaphore, #tpu.memory_space<semaphore_mem>>)
                %dma_wait3A_358 = arith.constant 0 : i32
                %dma_wait3A_359 = tpu.memref_slice %arg5[%run_scoped3A, %dma_wait3A_358] : memref<400x128xf32, #tpu.memory_space<vmem>> -> memref<1x128xf32, #tpu.memory_space<vmem>>
                %dma_wait3A_360 = tpu.memref_squeeze %dma_wait3A_359 : memref<1x128xf32, #tpu.memory_space<vmem>> -> memref<128xf32, #tpu.memory_space<vmem>>
                %dma_wait3A_361 = arith.constant 0 : i32
                %dma_wait3A_362 = tpu.memref_slice %arg4[%add3A_344, %dma_wait3A_361] : memref<819200x128xf32, #tpu.memory_space<hbm>> -> memref<1x128xf32, #tpu.memory_space<hbm>>
                %dma_wait3A_363 = tpu.memref_squeeze %dma_wait3A_362 : memref<1x128xf32, #tpu.memory_space<hbm>> -> memref<128xf32, #tpu.memory_space<hbm>>
                %dma_wait3A_364 = arith.constant 0 : i32
                %dma_wait3A_365 = tpu.memref_slice %arg4[%add3A_344, %dma_wait3A_364] : memref<819200x128xf32, #tpu.memory_space<hbm>> -> memref<1x128xf32, #tpu.memory_space<hbm>>
                %dma_wait3A_366 = tpu.memref_squeeze %dma_wait3A_365 : memref<1x128xf32, #tpu.memory_space<hbm>> -> memref<128xf32, #tpu.memory_space<hbm>>
                %dma_wait3A_367 = arith.constant 0 : i32
                %dma_wait3A_368 = tpu.memref_slice %arg5[%run_scoped3A, %dma_wait3A_367] : memref<400x128xf32, #tpu.memory_space<vmem>> -> memref<1x128xf32, #tpu.memory_space<vmem>>
                %dma_wait3A_369 = tpu.memref_squeeze %dma_wait3A_368 : memref<1x128xf32, #tpu.memory_space<vmem>> -> memref<128xf32, #tpu.memory_space<vmem>>
                tpu.wait_dma2 semaphore(%run_scoped3A_345 : memref<!tpu.dma_semaphore, #tpu.memory_space<semaphore_mem>>) src(%dma_wait3A_369 : memref<128xf32, #tpu.memory_space<vmem>>) dst(%dma_wait3A_366 : memref<128xf32, #tpu.memory_space<hbm>>)
                tpu.yield
              }) : () -> ()
            } else {
            }
            %slice3A_306 = vector.extract_strided_slice %get3A_228 {offsets = [11], sizes = [1], strides = [1]} : vector<16xi32> to vector<1xi32>
            %squeeze3A_307 = vector.extract %slice3A_306[0] : i32 from vector<1xi32>
            %eq3A_308 = arith.constant 0 : i32
            %eq3A_309 = arith.cmpi eq, %squeeze3A_307, %eq3A_308 : i32
            %convert_element_type3A_310 = arith.extui %eq3A_309 : i1 to i32
            %cond3A_311 = arith.constant 0 : i32
            %cond3A_312 = arith.cmpi ne, %convert_element_type3A_310, %cond3A_311 : i32
            scf.if %cond3A_312 {
              %add3A_342 = arith.addi %mul3A_2, %multiple_of3A_226 : i32
              %add3A_343 = arith.constant 11 : i32
              %add3A_344 = arith.addi %add3A_342, %add3A_343 : i32
              %run_scoped3A = arith.constant 0 : i32
              "tpu.region"() ({
                %run_scoped3A_345 = tpu.sem_alloc : memref<!tpu.dma_semaphore, #tpu.memory_space<semaphore_mem>>
                %dma_start3A_346 = arith.constant 0 : i32
                %dma_start3A_347 = tpu.memref_slice %arg5[%run_scoped3A, %dma_start3A_346] : memref<400x128xf32, #tpu.memory_space<vmem>> -> memref<1x128xf32, #tpu.memory_space<vmem>>
                %dma_start3A_348 = tpu.memref_squeeze %dma_start3A_347 : memref<1x128xf32, #tpu.memory_space<vmem>> -> memref<128xf32, #tpu.memory_space<vmem>>
                %dma_start3A_349 = arith.constant 0 : i32
                %dma_start3A_350 = tpu.memref_slice %arg4[%add3A_344, %dma_start3A_349] : memref<819200x128xf32, #tpu.memory_space<hbm>> -> memref<1x128xf32, #tpu.memory_space<hbm>>
                %dma_start3A_351 = tpu.memref_squeeze %dma_start3A_350 : memref<1x128xf32, #tpu.memory_space<hbm>> -> memref<128xf32, #tpu.memory_space<hbm>>
                %dma_start3A_352 = arith.constant 0 : i32
                %dma_start3A_353 = tpu.memref_slice %arg4[%add3A_344, %dma_start3A_352] : memref<819200x128xf32, #tpu.memory_space<hbm>> -> memref<1x128xf32, #tpu.memory_space<hbm>>
                %dma_start3A_354 = tpu.memref_squeeze %dma_start3A_353 : memref<1x128xf32, #tpu.memory_space<hbm>> -> memref<128xf32, #tpu.memory_space<hbm>>
                %dma_start3A_355 = arith.constant 0 : i32
                %dma_start3A_356 = tpu.memref_slice %arg5[%run_scoped3A, %dma_start3A_355] : memref<400x128xf32, #tpu.memory_space<vmem>> -> memref<1x128xf32, #tpu.memory_space<vmem>>
                %dma_start3A_357 = tpu.memref_squeeze %dma_start3A_356 : memref<1x128xf32, #tpu.memory_space<vmem>> -> memref<128xf32, #tpu.memory_space<vmem>>
                tpu.enqueue_dma source(%dma_start3A_357 : memref<128xf32, #tpu.memory_space<vmem>>) target(%dma_start3A_354 : memref<128xf32, #tpu.memory_space<hbm>>) target_semaphore(%run_scoped3A_345 : memref<!tpu.dma_semaphore, #tpu.memory_space<semaphore_mem>>)
                %dma_wait3A_358 = arith.constant 0 : i32
                %dma_wait3A_359 = tpu.memref_slice %arg5[%run_scoped3A, %dma_wait3A_358] : memref<400x128xf32, #tpu.memory_space<vmem>> -> memref<1x128xf32, #tpu.memory_space<vmem>>
                %dma_wait3A_360 = tpu.memref_squeeze %dma_wait3A_359 : memref<1x128xf32, #tpu.memory_space<vmem>> -> memref<128xf32, #tpu.memory_space<vmem>>
                %dma_wait3A_361 = arith.constant 0 : i32
                %dma_wait3A_362 = tpu.memref_slice %arg4[%add3A_344, %dma_wait3A_361] : memref<819200x128xf32, #tpu.memory_space<hbm>> -> memref<1x128xf32, #tpu.memory_space<hbm>>
                %dma_wait3A_363 = tpu.memref_squeeze %dma_wait3A_362 : memref<1x128xf32, #tpu.memory_space<hbm>> -> memref<128xf32, #tpu.memory_space<hbm>>
                %dma_wait3A_364 = arith.constant 0 : i32
                %dma_wait3A_365 = tpu.memref_slice %arg4[%add3A_344, %dma_wait3A_364] : memref<819200x128xf32, #tpu.memory_space<hbm>> -> memref<1x128xf32, #tpu.memory_space<hbm>>
                %dma_wait3A_366 = tpu.memref_squeeze %dma_wait3A_365 : memref<1x128xf32, #tpu.memory_space<hbm>> -> memref<128xf32, #tpu.memory_space<hbm>>
                %dma_wait3A_367 = arith.constant 0 : i32
                %dma_wait3A_368 = tpu.memref_slice %arg5[%run_scoped3A, %dma_wait3A_367] : memref<400x128xf32, #tpu.memory_space<vmem>> -> memref<1x128xf32, #tpu.memory_space<vmem>>
                %dma_wait3A_369 = tpu.memref_squeeze %dma_wait3A_368 : memref<1x128xf32, #tpu.memory_space<vmem>> -> memref<128xf32, #tpu.memory_space<vmem>>
                tpu.wait_dma2 semaphore(%run_scoped3A_345 : memref<!tpu.dma_semaphore, #tpu.memory_space<semaphore_mem>>) src(%dma_wait3A_369 : memref<128xf32, #tpu.memory_space<vmem>>) dst(%dma_wait3A_366 : memref<128xf32, #tpu.memory_space<hbm>>)
                tpu.yield
              }) : () -> ()
            } else {
            }
            %slice3A_313 = vector.extract_strided_slice %get3A_228 {offsets = [12], sizes = [1], strides = [1]} : vector<16xi32> to vector<1xi32>
            %squeeze3A_314 = vector.extract %slice3A_313[0] : i32 from vector<1xi32>
            %eq3A_315 = arith.constant 0 : i32
            %eq3A_316 = arith.cmpi eq, %squeeze3A_314, %eq3A_315 : i32
            %convert_element_type3A_317 = arith.extui %eq3A_316 : i1 to i32
            %cond3A_318 = arith.constant 0 : i32
            %cond3A_319 = arith.cmpi ne, %convert_element_type3A_317, %cond3A_318 : i32
            scf.if %cond3A_319 {
              %add3A_342 = arith.addi %mul3A_2, %multiple_of3A_226 : i32
              %add3A_343 = arith.constant 12 : i32
              %add3A_344 = arith.addi %add3A_342, %add3A_343 : i32
              %run_scoped3A = arith.constant 0 : i32
              "tpu.region"() ({
                %run_scoped3A_345 = tpu.sem_alloc : memref<!tpu.dma_semaphore, #tpu.memory_space<semaphore_mem>>
                %dma_start3A_346 = arith.constant 0 : i32
                %dma_start3A_347 = tpu.memref_slice %arg5[%run_scoped3A, %dma_start3A_346] : memref<400x128xf32, #tpu.memory_space<vmem>> -> memref<1x128xf32, #tpu.memory_space<vmem>>
                %dma_start3A_348 = tpu.memref_squeeze %dma_start3A_347 : memref<1x128xf32, #tpu.memory_space<vmem>> -> memref<128xf32, #tpu.memory_space<vmem>>
                %dma_start3A_349 = arith.constant 0 : i32
                %dma_start3A_350 = tpu.memref_slice %arg4[%add3A_344, %dma_start3A_349] : memref<819200x128xf32, #tpu.memory_space<hbm>> -> memref<1x128xf32, #tpu.memory_space<hbm>>
                %dma_start3A_351 = tpu.memref_squeeze %dma_start3A_350 : memref<1x128xf32, #tpu.memory_space<hbm>> -> memref<128xf32, #tpu.memory_space<hbm>>
                %dma_start3A_352 = arith.constant 0 : i32
                %dma_start3A_353 = tpu.memref_slice %arg4[%add3A_344, %dma_start3A_352] : memref<819200x128xf32, #tpu.memory_space<hbm>> -> memref<1x128xf32, #tpu.memory_space<hbm>>
                %dma_start3A_354 = tpu.memref_squeeze %dma_start3A_353 : memref<1x128xf32, #tpu.memory_space<hbm>> -> memref<128xf32, #tpu.memory_space<hbm>>
                %dma_start3A_355 = arith.constant 0 : i32
                %dma_start3A_356 = tpu.memref_slice %arg5[%run_scoped3A, %dma_start3A_355] : memref<400x128xf32, #tpu.memory_space<vmem>> -> memref<1x128xf32, #tpu.memory_space<vmem>>
                %dma_start3A_357 = tpu.memref_squeeze %dma_start3A_356 : memref<1x128xf32, #tpu.memory_space<vmem>> -> memref<128xf32, #tpu.memory_space<vmem>>
                tpu.enqueue_dma source(%dma_start3A_357 : memref<128xf32, #tpu.memory_space<vmem>>) target(%dma_start3A_354 : memref<128xf32, #tpu.memory_space<hbm>>) target_semaphore(%run_scoped3A_345 : memref<!tpu.dma_semaphore, #tpu.memory_space<semaphore_mem>>)
                %dma_wait3A_358 = arith.constant 0 : i32
                %dma_wait3A_359 = tpu.memref_slice %arg5[%run_scoped3A, %dma_wait3A_358] : memref<400x128xf32, #tpu.memory_space<vmem>> -> memref<1x128xf32, #tpu.memory_space<vmem>>
                %dma_wait3A_360 = tpu.memref_squeeze %dma_wait3A_359 : memref<1x128xf32, #tpu.memory_space<vmem>> -> memref<128xf32, #tpu.memory_space<vmem>>
                %dma_wait3A_361 = arith.constant 0 : i32
                %dma_wait3A_362 = tpu.memref_slice %arg4[%add3A_344, %dma_wait3A_361] : memref<819200x128xf32, #tpu.memory_space<hbm>> -> memref<1x128xf32, #tpu.memory_space<hbm>>
                %dma_wait3A_363 = tpu.memref_squeeze %dma_wait3A_362 : memref<1x128xf32, #tpu.memory_space<hbm>> -> memref<128xf32, #tpu.memory_space<hbm>>
                %dma_wait3A_364 = arith.constant 0 : i32
                %dma_wait3A_365 = tpu.memref_slice %arg4[%add3A_344, %dma_wait3A_364] : memref<819200x128xf32, #tpu.memory_space<hbm>> -> memref<1x128xf32, #tpu.memory_space<hbm>>
                %dma_wait3A_366 = tpu.memref_squeeze %dma_wait3A_365 : memref<1x128xf32, #tpu.memory_space<hbm>> -> memref<128xf32, #tpu.memory_space<hbm>>
                %dma_wait3A_367 = arith.constant 0 : i32
                %dma_wait3A_368 = tpu.memref_slice %arg5[%run_scoped3A, %dma_wait3A_367] : memref<400x128xf32, #tpu.memory_space<vmem>> -> memref<1x128xf32, #tpu.memory_space<vmem>>
                %dma_wait3A_369 = tpu.memref_squeeze %dma_wait3A_368 : memref<1x128xf32, #tpu.memory_space<vmem>> -> memref<128xf32, #tpu.memory_space<vmem>>
                tpu.wait_dma2 semaphore(%run_scoped3A_345 : memref<!tpu.dma_semaphore, #tpu.memory_space<semaphore_mem>>) src(%dma_wait3A_369 : memref<128xf32, #tpu.memory_space<vmem>>) dst(%dma_wait3A_366 : memref<128xf32, #tpu.memory_space<hbm>>)
                tpu.yield
              }) : () -> ()
            } else {
            }
            %slice3A_320 = vector.extract_strided_slice %get3A_228 {offsets = [13], sizes = [1], strides = [1]} : vector<16xi32> to vector<1xi32>
            %squeeze3A_321 = vector.extract %slice3A_320[0] : i32 from vector<1xi32>
            %eq3A_322 = arith.constant 0 : i32
            %eq3A_323 = arith.cmpi eq, %squeeze3A_321, %eq3A_322 : i32
            %convert_element_type3A_324 = arith.extui %eq3A_323 : i1 to i32
            %cond3A_325 = arith.constant 0 : i32
            %cond3A_326 = arith.cmpi ne, %convert_element_type3A_324, %cond3A_325 : i32
            scf.if %cond3A_326 {
              %add3A_342 = arith.addi %mul3A_2, %multiple_of3A_226 : i32
              %add3A_343 = arith.constant 13 : i32
              %add3A_344 = arith.addi %add3A_342, %add3A_343 : i32
              %run_scoped3A = arith.constant 0 : i32
              "tpu.region"() ({
                %run_scoped3A_345 = tpu.sem_alloc : memref<!tpu.dma_semaphore, #tpu.memory_space<semaphore_mem>>
                %dma_start3A_346 = arith.constant 0 : i32
                %dma_start3A_347 = tpu.memref_slice %arg5[%run_scoped3A, %dma_start3A_346] : memref<400x128xf32, #tpu.memory_space<vmem>> -> memref<1x128xf32, #tpu.memory_space<vmem>>
                %dma_start3A_348 = tpu.memref_squeeze %dma_start3A_347 : memref<1x128xf32, #tpu.memory_space<vmem>> -> memref<128xf32, #tpu.memory_space<vmem>>
                %dma_start3A_349 = arith.constant 0 : i32
                %dma_start3A_350 = tpu.memref_slice %arg4[%add3A_344, %dma_start3A_349] : memref<819200x128xf32, #tpu.memory_space<hbm>> -> memref<1x128xf32, #tpu.memory_space<hbm>>
                %dma_start3A_351 = tpu.memref_squeeze %dma_start3A_350 : memref<1x128xf32, #tpu.memory_space<hbm>> -> memref<128xf32, #tpu.memory_space<hbm>>
                %dma_start3A_352 = arith.constant 0 : i32
                %dma_start3A_353 = tpu.memref_slice %arg4[%add3A_344, %dma_start3A_352] : memref<819200x128xf32, #tpu.memory_space<hbm>> -> memref<1x128xf32, #tpu.memory_space<hbm>>
                %dma_start3A_354 = tpu.memref_squeeze %dma_start3A_353 : memref<1x128xf32, #tpu.memory_space<hbm>> -> memref<128xf32, #tpu.memory_space<hbm>>
                %dma_start3A_355 = arith.constant 0 : i32
                %dma_start3A_356 = tpu.memref_slice %arg5[%run_scoped3A, %dma_start3A_355] : memref<400x128xf32, #tpu.memory_space<vmem>> -> memref<1x128xf32, #tpu.memory_space<vmem>>
                %dma_start3A_357 = tpu.memref_squeeze %dma_start3A_356 : memref<1x128xf32, #tpu.memory_space<vmem>> -> memref<128xf32, #tpu.memory_space<vmem>>
                tpu.enqueue_dma source(%dma_start3A_357 : memref<128xf32, #tpu.memory_space<vmem>>) target(%dma_start3A_354 : memref<128xf32, #tpu.memory_space<hbm>>) target_semaphore(%run_scoped3A_345 : memref<!tpu.dma_semaphore, #tpu.memory_space<semaphore_mem>>)
                %dma_wait3A_358 = arith.constant 0 : i32
                %dma_wait3A_359 = tpu.memref_slice %arg5[%run_scoped3A, %dma_wait3A_358] : memref<400x128xf32, #tpu.memory_space<vmem>> -> memref<1x128xf32, #tpu.memory_space<vmem>>
                %dma_wait3A_360 = tpu.memref_squeeze %dma_wait3A_359 : memref<1x128xf32, #tpu.memory_space<vmem>> -> memref<128xf32, #tpu.memory_space<vmem>>
                %dma_wait3A_361 = arith.constant 0 : i32
                %dma_wait3A_362 = tpu.memref_slice %arg4[%add3A_344, %dma_wait3A_361] : memref<819200x128xf32, #tpu.memory_space<hbm>> -> memref<1x128xf32, #tpu.memory_space<hbm>>
                %dma_wait3A_363 = tpu.memref_squeeze %dma_wait3A_362 : memref<1x128xf32, #tpu.memory_space<hbm>> -> memref<128xf32, #tpu.memory_space<hbm>>
                %dma_wait3A_364 = arith.constant 0 : i32
                %dma_wait3A_365 = tpu.memref_slice %arg4[%add3A_344, %dma_wait3A_364] : memref<819200x128xf32, #tpu.memory_space<hbm>> -> memref<1x128xf32, #tpu.memory_space<hbm>>
                %dma_wait3A_366 = tpu.memref_squeeze %dma_wait3A_365 : memref<1x128xf32, #tpu.memory_space<hbm>> -> memref<128xf32, #tpu.memory_space<hbm>>
                %dma_wait3A_367 = arith.constant 0 : i32
                %dma_wait3A_368 = tpu.memref_slice %arg5[%run_scoped3A, %dma_wait3A_367] : memref<400x128xf32, #tpu.memory_space<vmem>> -> memref<1x128xf32, #tpu.memory_space<vmem>>
                %dma_wait3A_369 = tpu.memref_squeeze %dma_wait3A_368 : memref<1x128xf32, #tpu.memory_space<vmem>> -> memref<128xf32, #tpu.memory_space<vmem>>
                tpu.wait_dma2 semaphore(%run_scoped3A_345 : memref<!tpu.dma_semaphore, #tpu.memory_space<semaphore_mem>>) src(%dma_wait3A_369 : memref<128xf32, #tpu.memory_space<vmem>>) dst(%dma_wait3A_366 : memref<128xf32, #tpu.memory_space<hbm>>)
                tpu.yield
              }) : () -> ()
            } else {
            }
            %slice3A_327 = vector.extract_strided_slice %get3A_228 {offsets = [14], sizes = [1], strides = [1]} : vector<16xi32> to vector<1xi32>
            %squeeze3A_328 = vector.extract %slice3A_327[0] : i32 from vector<1xi32>
            %eq3A_329 = arith.constant 0 : i32
            %eq3A_330 = arith.cmpi eq, %squeeze3A_328, %eq3A_329 : i32
            %convert_element_type3A_331 = arith.extui %eq3A_330 : i1 to i32
            %cond3A_332 = arith.constant 0 : i32
            %cond3A_333 = arith.cmpi ne, %convert_element_type3A_331, %cond3A_332 : i32
            scf.if %cond3A_333 {
              %add3A_342 = arith.addi %mul3A_2, %multiple_of3A_226 : i32
              %add3A_343 = arith.constant 14 : i32
              %add3A_344 = arith.addi %add3A_342, %add3A_343 : i32
              %run_scoped3A = arith.constant 0 : i32
              "tpu.region"() ({
                %run_scoped3A_345 = tpu.sem_alloc : memref<!tpu.dma_semaphore, #tpu.memory_space<semaphore_mem>>
                %dma_start3A_346 = arith.constant 0 : i32
                %dma_start3A_347 = tpu.memref_slice %arg5[%run_scoped3A, %dma_start3A_346] : memref<400x128xf32, #tpu.memory_space<vmem>> -> memref<1x128xf32, #tpu.memory_space<vmem>>
                %dma_start3A_348 = tpu.memref_squeeze %dma_start3A_347 : memref<1x128xf32, #tpu.memory_space<vmem>> -> memref<128xf32, #tpu.memory_space<vmem>>
                %dma_start3A_349 = arith.constant 0 : i32
                %dma_start3A_350 = tpu.memref_slice %arg4[%add3A_344, %dma_start3A_349] : memref<819200x128xf32, #tpu.memory_space<hbm>> -> memref<1x128xf32, #tpu.memory_space<hbm>>
                %dma_start3A_351 = tpu.memref_squeeze %dma_start3A_350 : memref<1x128xf32, #tpu.memory_space<hbm>> -> memref<128xf32, #tpu.memory_space<hbm>>
                %dma_start3A_352 = arith.constant 0 : i32
                %dma_start3A_353 = tpu.memref_slice %arg4[%add3A_344, %dma_start3A_352] : memref<819200x128xf32, #tpu.memory_space<hbm>> -> memref<1x128xf32, #tpu.memory_space<hbm>>
                %dma_start3A_354 = tpu.memref_squeeze %dma_start3A_353 : memref<1x128xf32, #tpu.memory_space<hbm>> -> memref<128xf32, #tpu.memory_space<hbm>>
                %dma_start3A_355 = arith.constant 0 : i32
                %dma_start3A_356 = tpu.memref_slice %arg5[%run_scoped3A, %dma_start3A_355] : memref<400x128xf32, #tpu.memory_space<vmem>> -> memref<1x128xf32, #tpu.memory_space<vmem>>
                %dma_start3A_357 = tpu.memref_squeeze %dma_start3A_356 : memref<1x128xf32, #tpu.memory_space<vmem>> -> memref<128xf32, #tpu.memory_space<vmem>>
                tpu.enqueue_dma source(%dma_start3A_357 : memref<128xf32, #tpu.memory_space<vmem>>) target(%dma_start3A_354 : memref<128xf32, #tpu.memory_space<hbm>>) target_semaphore(%run_scoped3A_345 : memref<!tpu.dma_semaphore, #tpu.memory_space<semaphore_mem>>)
                %dma_wait3A_358 = arith.constant 0 : i32
                %dma_wait3A_359 = tpu.memref_slice %arg5[%run_scoped3A, %dma_wait3A_358] : memref<400x128xf32, #tpu.memory_space<vmem>> -> memref<1x128xf32, #tpu.memory_space<vmem>>
                %dma_wait3A_360 = tpu.memref_squeeze %dma_wait3A_359 : memref<1x128xf32, #tpu.memory_space<vmem>> -> memref<128xf32, #tpu.memory_space<vmem>>
                %dma_wait3A_361 = arith.constant 0 : i32
                %dma_wait3A_362 = tpu.memref_slice %arg4[%add3A_344, %dma_wait3A_361] : memref<819200x128xf32, #tpu.memory_space<hbm>> -> memref<1x128xf32, #tpu.memory_space<hbm>>
                %dma_wait3A_363 = tpu.memref_squeeze %dma_wait3A_362 : memref<1x128xf32, #tpu.memory_space<hbm>> -> memref<128xf32, #tpu.memory_space<hbm>>
                %dma_wait3A_364 = arith.constant 0 : i32
                %dma_wait3A_365 = tpu.memref_slice %arg4[%add3A_344, %dma_wait3A_364] : memref<819200x128xf32, #tpu.memory_space<hbm>> -> memref<1x128xf32, #tpu.memory_space<hbm>>
                %dma_wait3A_366 = tpu.memref_squeeze %dma_wait3A_365 : memref<1x128xf32, #tpu.memory_space<hbm>> -> memref<128xf32, #tpu.memory_space<hbm>>
                %dma_wait3A_367 = arith.constant 0 : i32
                %dma_wait3A_368 = tpu.memref_slice %arg5[%run_scoped3A, %dma_wait3A_367] : memref<400x128xf32, #tpu.memory_space<vmem>> -> memref<1x128xf32, #tpu.memory_space<vmem>>
                %dma_wait3A_369 = tpu.memref_squeeze %dma_wait3A_368 : memref<1x128xf32, #tpu.memory_space<vmem>> -> memref<128xf32, #tpu.memory_space<vmem>>
                tpu.wait_dma2 semaphore(%run_scoped3A_345 : memref<!tpu.dma_semaphore, #tpu.memory_space<semaphore_mem>>) src(%dma_wait3A_369 : memref<128xf32, #tpu.memory_space<vmem>>) dst(%dma_wait3A_366 : memref<128xf32, #tpu.memory_space<hbm>>)
                tpu.yield
              }) : () -> ()
            } else {
            }
            %slice3A_334 = vector.extract_strided_slice %get3A_228 {offsets = [15], sizes = [1], strides = [1]} : vector<16xi32> to vector<1xi32>
            %squeeze3A_335 = vector.extract %slice3A_334[0] : i32 from vector<1xi32>
            %eq3A_336 = arith.constant 0 : i32
            %eq3A_337 = arith.cmpi eq, %squeeze3A_335, %eq3A_336 : i32
            %convert_element_type3A_338 = arith.extui %eq3A_337 : i1 to i32
            %cond3A_339 = arith.constant 0 : i32
            %cond3A_340 = arith.cmpi ne, %convert_element_type3A_338, %cond3A_339 : i32
            scf.if %cond3A_340 {
              %add3A_342 = arith.addi %mul3A_2, %multiple_of3A_226 : i32
              %add3A_343 = arith.constant 15 : i32
              %add3A_344 = arith.addi %add3A_342, %add3A_343 : i32
              %run_scoped3A = arith.constant 0 : i32
              "tpu.region"() ({
                %run_scoped3A_345 = tpu.sem_alloc : memref<!tpu.dma_semaphore, #tpu.memory_space<semaphore_mem>>
                %dma_start3A_346 = arith.constant 0 : i32
                %dma_start3A_347 = tpu.memref_slice %arg5[%run_scoped3A, %dma_start3A_346] : memref<400x128xf32, #tpu.memory_space<vmem>> -> memref<1x128xf32, #tpu.memory_space<vmem>>
                %dma_start3A_348 = tpu.memref_squeeze %dma_start3A_347 : memref<1x128xf32, #tpu.memory_space<vmem>> -> memref<128xf32, #tpu.memory_space<vmem>>
                %dma_start3A_349 = arith.constant 0 : i32
                %dma_start3A_350 = tpu.memref_slice %arg4[%add3A_344, %dma_start3A_349] : memref<819200x128xf32, #tpu.memory_space<hbm>> -> memref<1x128xf32, #tpu.memory_space<hbm>>
                %dma_start3A_351 = tpu.memref_squeeze %dma_start3A_350 : memref<1x128xf32, #tpu.memory_space<hbm>> -> memref<128xf32, #tpu.memory_space<hbm>>
                %dma_start3A_352 = arith.constant 0 : i32
                %dma_start3A_353 = tpu.memref_slice %arg4[%add3A_344, %dma_start3A_352] : memref<819200x128xf32, #tpu.memory_space<hbm>> -> memref<1x128xf32, #tpu.memory_space<hbm>>
                %dma_start3A_354 = tpu.memref_squeeze %dma_start3A_353 : memref<1x128xf32, #tpu.memory_space<hbm>> -> memref<128xf32, #tpu.memory_space<hbm>>
                %dma_start3A_355 = arith.constant 0 : i32
                %dma_start3A_356 = tpu.memref_slice %arg5[%run_scoped3A, %dma_start3A_355] : memref<400x128xf32, #tpu.memory_space<vmem>> -> memref<1x128xf32, #tpu.memory_space<vmem>>
                %dma_start3A_357 = tpu.memref_squeeze %dma_start3A_356 : memref<1x128xf32, #tpu.memory_space<vmem>> -> memref<128xf32, #tpu.memory_space<vmem>>
                tpu.enqueue_dma source(%dma_start3A_357 : memref<128xf32, #tpu.memory_space<vmem>>) target(%dma_start3A_354 : memref<128xf32, #tpu.memory_space<hbm>>) target_semaphore(%run_scoped3A_345 : memref<!tpu.dma_semaphore, #tpu.memory_space<semaphore_mem>>)
                %dma_wait3A_358 = arith.constant 0 : i32
                %dma_wait3A_359 = tpu.memref_slice %arg5[%run_scoped3A, %dma_wait3A_358] : memref<400x128xf32, #tpu.memory_space<vmem>> -> memref<1x128xf32, #tpu.memory_space<vmem>>
                %dma_wait3A_360 = tpu.memref_squeeze %dma_wait3A_359 : memref<1x128xf32, #tpu.memory_space<vmem>> -> memref<128xf32, #tpu.memory_space<vmem>>
                %dma_wait3A_361 = arith.constant 0 : i32
                %dma_wait3A_362 = tpu.memref_slice %arg4[%add3A_344, %dma_wait3A_361] : memref<819200x128xf32, #tpu.memory_space<hbm>> -> memref<1x128xf32, #tpu.memory_space<hbm>>
                %dma_wait3A_363 = tpu.memref_squeeze %dma_wait3A_362 : memref<1x128xf32, #tpu.memory_space<hbm>> -> memref<128xf32, #tpu.memory_space<hbm>>
                %dma_wait3A_364 = arith.constant 0 : i32
                %dma_wait3A_365 = tpu.memref_slice %arg4[%add3A_344, %dma_wait3A_364] : memref<819200x128xf32, #tpu.memory_space<hbm>> -> memref<1x128xf32, #tpu.memory_space<hbm>>
                %dma_wait3A_366 = tpu.memref_squeeze %dma_wait3A_365 : memref<1x128xf32, #tpu.memory_space<hbm>> -> memref<128xf32, #tpu.memory_space<hbm>>
                %dma_wait3A_367 = arith.constant 0 : i32
                %dma_wait3A_368 = tpu.memref_slice %arg5[%run_scoped3A, %dma_wait3A_367] : memref<400x128xf32, #tpu.memory_space<vmem>> -> memref<1x128xf32, #tpu.memory_space<vmem>>
                %dma_wait3A_369 = tpu.memref_squeeze %dma_wait3A_368 : memref<1x128xf32, #tpu.memory_space<vmem>> -> memref<128xf32, #tpu.memory_space<vmem>>
                tpu.wait_dma2 semaphore(%run_scoped3A_345 : memref<!tpu.dma_semaphore, #tpu.memory_space<semaphore_mem>>) src(%dma_wait3A_369 : memref<128xf32, #tpu.memory_space<vmem>>) dst(%dma_wait3A_366 : memref<128xf32, #tpu.memory_space<hbm>>)
                tpu.yield
              }) : () -> ()
            } else {
            }
            %scan3A_341 = arith.constant 0 : i32
            scf.yield %scan3A_341 : i32
          }
          %scan3A_220 = arith.constant 5 : i32
        } else {
        }
        %scan3A_213 = arith.constant 0 : i32
        scf.yield %scan3A_213 : i32
      }
      %scan3A_144 = arith.constant 5 : i32
      %mul3A_145 = arith.constant 400 : i32
      %mul3A_146 = arith.muli %scan3A_126, %mul3A_145 : i32
      %add3A_147 = arith.addi %mul3A_2, %mul3A_146 : i32
      %dma_start3A_148 = arith.constant 0 : i32
      %dma_start3A_149 = tpu.memref_slice %arg4[%add3A_147, %dma_start3A_148] : memref<819200x128xf32, #tpu.memory_space<hbm>> -> memref<400x128xf32, #tpu.memory_space<hbm>>
      %dma_start3A_150 = tpu.memref_slice %arg7[%rem3A_128] : memref<8x!tpu.dma_semaphore, #tpu.memory_space<semaphore_mem>> -> memref<1x!tpu.dma_semaphore, #tpu.memory_space<semaphore_mem>>
      %dma_start3A_151 = tpu.memref_squeeze %dma_start3A_150 : memref<1x!tpu.dma_semaphore, #tpu.memory_space<semaphore_mem>> -> memref<!tpu.dma_semaphore, #tpu.memory_space<semaphore_mem>>
      %dma_start3A_152 = arith.constant 0 : i32
      %dma_start3A_153 = tpu.memref_slice %arg4[%add3A_147, %dma_start3A_152] : memref<819200x128xf32, #tpu.memory_space<hbm>> -> memref<400x128xf32, #tpu.memory_space<hbm>>
      tpu.enqueue_dma source(%arg5 : memref<400x128xf32, #tpu.memory_space<vmem>>) target(%dma_start3A_153 : memref<400x128xf32, #tpu.memory_space<hbm>>) target_semaphore(%dma_start3A_151 : memref<!tpu.dma_semaphore, #tpu.memory_space<semaphore_mem>>)
      %scan3A_154 = arith.constant 0 : i32
      scf.yield %scan3A_154 : i32
    }
    %scan3A_118 = arith.constant 56 : i32
    %scan3A_119 = arith.constant 0 : i32
    %scan3A_120 = arith.constant 56 : i32
    %scan3A_121 = arith.constant 8 : i32
    %scan3A_122 = arith.addi %scan3A_120, %scan3A_121 : i32
    %scan3A_123 = arith.constant 1 : i32
    %scan3A_124 = scf.for %scan3A_126 = %scan3A_120 to %scan3A_122 step %scan3A_123 iter_args(%scan3A_127 = %scan3A_119) -> (i32)  : i32 {
      %rem3A = arith.constant 8 : i32
      %rem3A_128 = arith.remsi %scan3A_126, %rem3A : i32
      %dma_wait3A_129 = arith.constant 0 : i32
      %dma_wait3A_130 = tpu.memref_slice %arg4[%mul3A_2, %dma_wait3A_129] : memref<819200x128xf32, #tpu.memory_space<hbm>> -> memref<400x128xf32, #tpu.memory_space<hbm>>
      %dma_wait3A_131 = tpu.memref_slice %arg7[%rem3A_128] : memref<8x!tpu.dma_semaphore, #tpu.memory_space<semaphore_mem>> -> memref<1x!tpu.dma_semaphore, #tpu.memory_space<semaphore_mem>>
      %dma_wait3A_132 = tpu.memref_squeeze %dma_wait3A_131 : memref<1x!tpu.dma_semaphore, #tpu.memory_space<semaphore_mem>> -> memref<!tpu.dma_semaphore, #tpu.memory_space<semaphore_mem>>
      %dma_wait3A_133 = arith.constant 0 : i32
      %dma_wait3A_134 = tpu.memref_slice %arg4[%mul3A_2, %dma_wait3A_133] : memref<819200x128xf32, #tpu.memory_space<hbm>> -> memref<400x128xf32, #tpu.memory_space<hbm>>
      tpu.wait_dma2 semaphore(%dma_wait3A_132 : memref<!tpu.dma_semaphore, #tpu.memory_space<semaphore_mem>>) src(%arg5 : memref<400x128xf32, #tpu.memory_space<vmem>>) dst(%dma_wait3A_134 : memref<400x128xf32, #tpu.memory_space<hbm>>)
      %mul3A_135 = arith.constant 400 : i32
      %mul3A_136 = arith.muli %scan3A_126, %mul3A_135 : i32
      %scan3A_137 = arith.constant 0 : i32
      %scan3A_138 = arith.constant 0 : i32
      %scan3A_139 = arith.constant 5 : i32
      %scan3A_140 = arith.addi %scan3A_138, %scan3A_139 : i32
      %scan3A_141 = arith.constant 1 : i32
      %scan3A_142 = scf.for %scan3A_145 = %scan3A_138 to %scan3A_140 step %scan3A_141 iter_args(%scan3A_146 = %scan3A_137) -> (i32)  : i32 {
        %mul3A_147 = arith.constant 80 : i32
        %mul3A_148 = arith.muli %scan3A_145, %mul3A_147 : i32
        %add3A_149 = arith.addi %mul3A_136, %mul3A_148 : i32
        %multiple_of3A = tpu.assume_multiple %add3A_149, 16 : i32
        %broadcast_in_dim3A = arith.constant -1 : i32
        %broadcast_in_dim3A_150 = vector.broadcast %broadcast_in_dim3A : i32 to vector<16xi32>
        %scan3A_151 = arith.constant 0 : i32
        %scan3A_152 = arith.constant 5 : i32
        %scan3A_153 = arith.addi %scan3A_151, %scan3A_152 : i32
        %scan3A_154 = arith.constant 1 : i32
        %scan3A_155 = scf.for %scan3A_204 = %scan3A_151 to %scan3A_153 step %scan3A_154 iter_args(%scan3A_205 = %broadcast_in_dim3A_150) -> (vector<16xi32>)  : i32 {
          %mul3A_206 = arith.constant 16 : i32
          %mul3A_207 = arith.muli %scan3A_204, %mul3A_206 : i32
          %add3A_208 = arith.addi %multiple_of3A, %mul3A_207 : i32
          %multiple_of3A_209 = tpu.assume_multiple %add3A_208, 16 : i32
          %get3A = arith.index_cast %multiple_of3A_209 : i32 to index
          %get3A_210 = tpu.vector_load %arg6[%get3A] {strides = array<i32>} : memref<25600xi32, #tpu.memory_space<vmem>>, vector<16xi32>,
          %get3A_211 = vector.shape_cast %get3A_210 : vector<16xi32> to vector<16xi32>
          %bitcast3A = vector.bitcast %get3A_211 : vector<16xi32> to vector<16xi32>
          %min3A_212 = arith.minui %scan3A_205, %bitcast3A : vector<16xi32>
          scf.yield %min3A_212 : vector<16xi32>
        }
        %scan3A_156 = arith.constant 5 : i32
        %slice3A = vector.extract_strided_slice %scan3A_155 {offsets = [0], sizes = [1], strides = [1]} : vector<16xi32> to vector<1xi32>
        %squeeze3A = vector.extract %slice3A[0] : i32 from vector<1xi32>
        %slice3A_157 = vector.extract_strided_slice %scan3A_155 {offsets = [1], sizes = [1], strides = [1]} : vector<16xi32> to vector<1xi32>
        %squeeze3A_158 = vector.extract %slice3A_157[0] : i32 from vector<1xi32>
        %min3A = arith.minui %squeeze3A, %squeeze3A_158 : i32
        %slice3A_159 = vector.extract_strided_slice %scan3A_155 {offsets = [2], sizes = [1], strides = [1]} : vector<16xi32> to vector<1xi32>
        %squeeze3A_160 = vector.extract %slice3A_159[0] : i32 from vector<1xi32>
        %min3A_161 = arith.minui %min3A, %squeeze3A_160 : i32
        %slice3A_162 = vector.extract_strided_slice %scan3A_155 {offsets = [3], sizes = [1], strides = [1]} : vector<16xi32> to vector<1xi32>
        %squeeze3A_163 = vector.extract %slice3A_162[0] : i32 from vector<1xi32>
        %min3A_164 = arith.minui %min3A_161, %squeeze3A_163 : i32
        %slice3A_165 = vector.extract_strided_slice %scan3A_155 {offsets = [4], sizes = [1], strides = [1]} : vector<16xi32> to vector<1xi32>
        %squeeze3A_166 = vector.extract %slice3A_165[0] : i32 from vector<1xi32>
        %min3A_167 = arith.minui %min3A_164, %squeeze3A_166 : i32
        %slice3A_168 = vector.extract_strided_slice %scan3A_155 {offsets = [5], sizes = [1], strides = [1]} : vector<16xi32> to vector<1xi32>
        %squeeze3A_169 = vector.extract %slice3A_168[0] : i32 from vector<1xi32>
        %min3A_170 = arith.minui %min3A_167, %squeeze3A_169 : i32
        %slice3A_171 = vector.extract_strided_slice %scan3A_155 {offsets = [6], sizes = [1], strides = [1]} : vector<16xi32> to vector<1xi32>
        %squeeze3A_172 = vector.extract %slice3A_171[0] : i32 from vector<1xi32>
        %min3A_173 = arith.minui %min3A_170, %squeeze3A_172 : i32
        %slice3A_174 = vector.extract_strided_slice %scan3A_155 {offsets = [7], sizes = [1], strides = [1]} : vector<16xi32> to vector<1xi32>
        %squeeze3A_175 = vector.extract %slice3A_174[0] : i32 from vector<1xi32>
        %min3A_176 = arith.minui %min3A_173, %squeeze3A_175 : i32
        %slice3A_177 = vector.extract_strided_slice %scan3A_155 {offsets = [8], sizes = [1], strides = [1]} : vector<16xi32> to vector<1xi32>
        %squeeze3A_178 = vector.extract %slice3A_177[0] : i32 from vector<1xi32>
        %min3A_179 = arith.minui %min3A_176, %squeeze3A_178 : i32
        %slice3A_180 = vector.extract_strided_slice %scan3A_155 {offsets = [9], sizes = [1], strides = [1]} : vector<16xi32> to vector<1xi32>
        %squeeze3A_181 = vector.extract %slice3A_180[0] : i32 from vector<1xi32>
        %min3A_182 = arith.minui %min3A_179, %squeeze3A_181 : i32
        %slice3A_183 = vector.extract_strided_slice %scan3A_155 {offsets = [10], sizes = [1], strides = [1]} : vector<16xi32> to vector<1xi32>
        %squeeze3A_184 = vector.extract %slice3A_183[0] : i32 from vector<1xi32>
        %min3A_185 = arith.minui %min3A_182, %squeeze3A_184 : i32
        %slice3A_186 = vector.extract_strided_slice %scan3A_155 {offsets = [11], sizes = [1], strides = [1]} : vector<16xi32> to vector<1xi32>
        %squeeze3A_187 = vector.extract %slice3A_186[0] : i32 from vector<1xi32>
        %min3A_188 = arith.minui %min3A_185, %squeeze3A_187 : i32
        %slice3A_189 = vector.extract_strided_slice %scan3A_155 {offsets = [12], sizes = [1], strides = [1]} : vector<16xi32> to vector<1xi32>
        %squeeze3A_190 = vector.extract %slice3A_189[0] : i32 from vector<1xi32>
        %min3A_191 = arith.minui %min3A_188, %squeeze3A_190 : i32
        %slice3A_192 = vector.extract_strided_slice %scan3A_155 {offsets = [13], sizes = [1], strides = [1]} : vector<16xi32> to vector<1xi32>
        %squeeze3A_193 = vector.extract %slice3A_192[0] : i32 from vector<1xi32>
        %min3A_194 = arith.minui %min3A_191, %squeeze3A_193 : i32
        %slice3A_195 = vector.extract_strided_slice %scan3A_155 {offsets = [14], sizes = [1], strides = [1]} : vector<16xi32> to vector<1xi32>
        %squeeze3A_196 = vector.extract %slice3A_195[0] : i32 from vector<1xi32>
        %min3A_197 = arith.minui %min3A_194, %squeeze3A_196 : i32
        %slice3A_198 = vector.extract_strided_slice %scan3A_155 {offsets = [15], sizes = [1], strides = [1]} : vector<16xi32> to vector<1xi32>
        %squeeze3A_199 = vector.extract %slice3A_198[0] : i32 from vector<1xi32>
        %min3A_200 = arith.minui %min3A_197, %squeeze3A_199 : i32
        %eq3A = arith.constant 0 : i32
        %eq3A_201 = arith.cmpi eq, %min3A_200, %eq3A : i32
        %convert_element_type3A = arith.extui %eq3A_201 : i1 to i32
        %cond3A = arith.constant 0 : i32
        %cond3A_202 = arith.cmpi ne, %convert_element_type3A, %cond3A : i32
        scf.if %cond3A_202 {
          %scan3A_204 = arith.constant 0 : i32
          %scan3A_205 = arith.constant 0 : i32
          %scan3A_206 = arith.constant 5 : i32
          %scan3A_207 = arith.addi %scan3A_205, %scan3A_206 : i32
          %scan3A_208 = arith.constant 1 : i32
          %scan3A_209 = scf.for %scan3A_211 = %scan3A_205 to %scan3A_207 step %scan3A_208 iter_args(%scan3A_212 = %scan3A_204) -> (i32)  : i32 {
            %mul3A_213 = arith.constant 16 : i32
            %mul3A_214 = arith.muli %scan3A_211, %mul3A_213 : i32
            %add3A_215 = arith.addi %multiple_of3A, %mul3A_214 : i32
            %multiple_of3A_216 = tpu.assume_multiple %add3A_215, 16 : i32
            %get3A = arith.index_cast %multiple_of3A_216 : i32 to index
            %get3A_217 = tpu.vector_load %arg6[%get3A] {strides = array<i32>} : memref<25600xi32, #tpu.memory_space<vmem>>, vector<16xi32>,
            %get3A_218 = vector.shape_cast %get3A_217 : vector<16xi32> to vector<16xi32>
            %slice3A_219 = vector.extract_strided_slice %get3A_218 {offsets = [0], sizes = [1], strides = [1]} : vector<16xi32> to vector<1xi32>
            %squeeze3A_220 = vector.extract %slice3A_219[0] : i32 from vector<1xi32>
            %eq3A_221 = arith.constant 0 : i32
            %eq3A_222 = arith.cmpi eq, %squeeze3A_220, %eq3A_221 : i32
            %convert_element_type3A_223 = arith.extui %eq3A_222 : i1 to i32
            %cond3A_224 = arith.constant 0 : i32
            %cond3A_225 = arith.cmpi ne, %convert_element_type3A_223, %cond3A_224 : i32
            scf.if %cond3A_225 {
              %add3A_332 = arith.addi %mul3A_2, %multiple_of3A_216 : i32
              %add3A_333 = arith.constant 0 : i32
              %add3A_334 = arith.addi %add3A_332, %add3A_333 : i32
              %run_scoped3A = arith.constant 0 : i32
              "tpu.region"() ({
                %run_scoped3A_335 = tpu.sem_alloc : memref<!tpu.dma_semaphore, #tpu.memory_space<semaphore_mem>>
                %dma_start3A_336 = arith.constant 0 : i32
                %dma_start3A_337 = tpu.memref_slice %arg5[%run_scoped3A, %dma_start3A_336] : memref<400x128xf32, #tpu.memory_space<vmem>> -> memref<1x128xf32, #tpu.memory_space<vmem>>
                %dma_start3A_338 = tpu.memref_squeeze %dma_start3A_337 : memref<1x128xf32, #tpu.memory_space<vmem>> -> memref<128xf32, #tpu.memory_space<vmem>>
                %dma_start3A_339 = arith.constant 0 : i32
                %dma_start3A_340 = tpu.memref_slice %arg4[%add3A_334, %dma_start3A_339] : memref<819200x128xf32, #tpu.memory_space<hbm>> -> memref<1x128xf32, #tpu.memory_space<hbm>>
                %dma_start3A_341 = tpu.memref_squeeze %dma_start3A_340 : memref<1x128xf32, #tpu.memory_space<hbm>> -> memref<128xf32, #tpu.memory_space<hbm>>
                %dma_start3A_342 = arith.constant 0 : i32
                %dma_start3A_343 = tpu.memref_slice %arg4[%add3A_334, %dma_start3A_342] : memref<819200x128xf32, #tpu.memory_space<hbm>> -> memref<1x128xf32, #tpu.memory_space<hbm>>
                %dma_start3A_344 = tpu.memref_squeeze %dma_start3A_343 : memref<1x128xf32, #tpu.memory_space<hbm>> -> memref<128xf32, #tpu.memory_space<hbm>>
                %dma_start3A_345 = arith.constant 0 : i32
                %dma_start3A_346 = tpu.memref_slice %arg5[%run_scoped3A, %dma_start3A_345] : memref<400x128xf32, #tpu.memory_space<vmem>> -> memref<1x128xf32, #tpu.memory_space<vmem>>
                %dma_start3A_347 = tpu.memref_squeeze %dma_start3A_346 : memref<1x128xf32, #tpu.memory_space<vmem>> -> memref<128xf32, #tpu.memory_space<vmem>>
                tpu.enqueue_dma source(%dma_start3A_347 : memref<128xf32, #tpu.memory_space<vmem>>) target(%dma_start3A_344 : memref<128xf32, #tpu.memory_space<hbm>>) target_semaphore(%run_scoped3A_335 : memref<!tpu.dma_semaphore, #tpu.memory_space<semaphore_mem>>)
                %dma_wait3A_348 = arith.constant 0 : i32
                %dma_wait3A_349 = tpu.memref_slice %arg5[%run_scoped3A, %dma_wait3A_348] : memref<400x128xf32, #tpu.memory_space<vmem>> -> memref<1x128xf32, #tpu.memory_space<vmem>>
                %dma_wait3A_350 = tpu.memref_squeeze %dma_wait3A_349 : memref<1x128xf32, #tpu.memory_space<vmem>> -> memref<128xf32, #tpu.memory_space<vmem>>
                %dma_wait3A_351 = arith.constant 0 : i32
                %dma_wait3A_352 = tpu.memref_slice %arg4[%add3A_334, %dma_wait3A_351] : memref<819200x128xf32, #tpu.memory_space<hbm>> -> memref<1x128xf32, #tpu.memory_space<hbm>>
                %dma_wait3A_353 = tpu.memref_squeeze %dma_wait3A_352 : memref<1x128xf32, #tpu.memory_space<hbm>> -> memref<128xf32, #tpu.memory_space<hbm>>
                %dma_wait3A_354 = arith.constant 0 : i32
                %dma_wait3A_355 = tpu.memref_slice %arg4[%add3A_334, %dma_wait3A_354] : memref<819200x128xf32, #tpu.memory_space<hbm>> -> memref<1x128xf32, #tpu.memory_space<hbm>>
                %dma_wait3A_356 = tpu.memref_squeeze %dma_wait3A_355 : memref<1x128xf32, #tpu.memory_space<hbm>> -> memref<128xf32, #tpu.memory_space<hbm>>
                %dma_wait3A_357 = arith.constant 0 : i32
                %dma_wait3A_358 = tpu.memref_slice %arg5[%run_scoped3A, %dma_wait3A_357] : memref<400x128xf32, #tpu.memory_space<vmem>> -> memref<1x128xf32, #tpu.memory_space<vmem>>
                %dma_wait3A_359 = tpu.memref_squeeze %dma_wait3A_358 : memref<1x128xf32, #tpu.memory_space<vmem>> -> memref<128xf32, #tpu.memory_space<vmem>>
                tpu.wait_dma2 semaphore(%run_scoped3A_335 : memref<!tpu.dma_semaphore, #tpu.memory_space<semaphore_mem>>) src(%dma_wait3A_359 : memref<128xf32, #tpu.memory_space<vmem>>) dst(%dma_wait3A_356 : memref<128xf32, #tpu.memory_space<hbm>>)
                tpu.yield
              }) : () -> ()
            } else {
            }
            %slice3A_226 = vector.extract_strided_slice %get3A_218 {offsets = [1], sizes = [1], strides = [1]} : vector<16xi32> to vector<1xi32>
            %squeeze3A_227 = vector.extract %slice3A_226[0] : i32 from vector<1xi32>
            %eq3A_228 = arith.constant 0 : i32
            %eq3A_229 = arith.cmpi eq, %squeeze3A_227, %eq3A_228 : i32
            %convert_element_type3A_230 = arith.extui %eq3A_229 : i1 to i32
            %cond3A_231 = arith.constant 0 : i32
            %cond3A_232 = arith.cmpi ne, %convert_element_type3A_230, %cond3A_231 : i32
            scf.if %cond3A_232 {
              %add3A_332 = arith.addi %mul3A_2, %multiple_of3A_216 : i32
              %add3A_333 = arith.constant 1 : i32
              %add3A_334 = arith.addi %add3A_332, %add3A_333 : i32
              %run_scoped3A = arith.constant 0 : i32
              "tpu.region"() ({
                %run_scoped3A_335 = tpu.sem_alloc : memref<!tpu.dma_semaphore, #tpu.memory_space<semaphore_mem>>
                %dma_start3A_336 = arith.constant 0 : i32
                %dma_start3A_337 = tpu.memref_slice %arg5[%run_scoped3A, %dma_start3A_336] : memref<400x128xf32, #tpu.memory_space<vmem>> -> memref<1x128xf32, #tpu.memory_space<vmem>>
                %dma_start3A_338 = tpu.memref_squeeze %dma_start3A_337 : memref<1x128xf32, #tpu.memory_space<vmem>> -> memref<128xf32, #tpu.memory_space<vmem>>
                %dma_start3A_339 = arith.constant 0 : i32
                %dma_start3A_340 = tpu.memref_slice %arg4[%add3A_334, %dma_start3A_339] : memref<819200x128xf32, #tpu.memory_space<hbm>> -> memref<1x128xf32, #tpu.memory_space<hbm>>
                %dma_start3A_341 = tpu.memref_squeeze %dma_start3A_340 : memref<1x128xf32, #tpu.memory_space<hbm>> -> memref<128xf32, #tpu.memory_space<hbm>>
                %dma_start3A_342 = arith.constant 0 : i32
                %dma_start3A_343 = tpu.memref_slice %arg4[%add3A_334, %dma_start3A_342] : memref<819200x128xf32, #tpu.memory_space<hbm>> -> memref<1x128xf32, #tpu.memory_space<hbm>>
                %dma_start3A_344 = tpu.memref_squeeze %dma_start3A_343 : memref<1x128xf32, #tpu.memory_space<hbm>> -> memref<128xf32, #tpu.memory_space<hbm>>
                %dma_start3A_345 = arith.constant 0 : i32
                %dma_start3A_346 = tpu.memref_slice %arg5[%run_scoped3A, %dma_start3A_345] : memref<400x128xf32, #tpu.memory_space<vmem>> -> memref<1x128xf32, #tpu.memory_space<vmem>>
                %dma_start3A_347 = tpu.memref_squeeze %dma_start3A_346 : memref<1x128xf32, #tpu.memory_space<vmem>> -> memref<128xf32, #tpu.memory_space<vmem>>
                tpu.enqueue_dma source(%dma_start3A_347 : memref<128xf32, #tpu.memory_space<vmem>>) target(%dma_start3A_344 : memref<128xf32, #tpu.memory_space<hbm>>) target_semaphore(%run_scoped3A_335 : memref<!tpu.dma_semaphore, #tpu.memory_space<semaphore_mem>>)
                %dma_wait3A_348 = arith.constant 0 : i32
                %dma_wait3A_349 = tpu.memref_slice %arg5[%run_scoped3A, %dma_wait3A_348] : memref<400x128xf32, #tpu.memory_space<vmem>> -> memref<1x128xf32, #tpu.memory_space<vmem>>
                %dma_wait3A_350 = tpu.memref_squeeze %dma_wait3A_349 : memref<1x128xf32, #tpu.memory_space<vmem>> -> memref<128xf32, #tpu.memory_space<vmem>>
                %dma_wait3A_351 = arith.constant 0 : i32
                %dma_wait3A_352 = tpu.memref_slice %arg4[%add3A_334, %dma_wait3A_351] : memref<819200x128xf32, #tpu.memory_space<hbm>> -> memref<1x128xf32, #tpu.memory_space<hbm>>
                %dma_wait3A_353 = tpu.memref_squeeze %dma_wait3A_352 : memref<1x128xf32, #tpu.memory_space<hbm>> -> memref<128xf32, #tpu.memory_space<hbm>>
                %dma_wait3A_354 = arith.constant 0 : i32
                %dma_wait3A_355 = tpu.memref_slice %arg4[%add3A_334, %dma_wait3A_354] : memref<819200x128xf32, #tpu.memory_space<hbm>> -> memref<1x128xf32, #tpu.memory_space<hbm>>
                %dma_wait3A_356 = tpu.memref_squeeze %dma_wait3A_355 : memref<1x128xf32, #tpu.memory_space<hbm>> -> memref<128xf32, #tpu.memory_space<hbm>>
                %dma_wait3A_357 = arith.constant 0 : i32
                %dma_wait3A_358 = tpu.memref_slice %arg5[%run_scoped3A, %dma_wait3A_357] : memref<400x128xf32, #tpu.memory_space<vmem>> -> memref<1x128xf32, #tpu.memory_space<vmem>>
                %dma_wait3A_359 = tpu.memref_squeeze %dma_wait3A_358 : memref<1x128xf32, #tpu.memory_space<vmem>> -> memref<128xf32, #tpu.memory_space<vmem>>
                tpu.wait_dma2 semaphore(%run_scoped3A_335 : memref<!tpu.dma_semaphore, #tpu.memory_space<semaphore_mem>>) src(%dma_wait3A_359 : memref<128xf32, #tpu.memory_space<vmem>>) dst(%dma_wait3A_356 : memref<128xf32, #tpu.memory_space<hbm>>)
                tpu.yield
              }) : () -> ()
            } else {
            }
            %slice3A_233 = vector.extract_strided_slice %get3A_218 {offsets = [2], sizes = [1], strides = [1]} : vector<16xi32> to vector<1xi32>
            %squeeze3A_234 = vector.extract %slice3A_233[0] : i32 from vector<1xi32>
            %eq3A_235 = arith.constant 0 : i32
            %eq3A_236 = arith.cmpi eq, %squeeze3A_234, %eq3A_235 : i32
            %convert_element_type3A_237 = arith.extui %eq3A_236 : i1 to i32
            %cond3A_238 = arith.constant 0 : i32
            %cond3A_239 = arith.cmpi ne, %convert_element_type3A_237, %cond3A_238 : i32
            scf.if %cond3A_239 {
              %add3A_332 = arith.addi %mul3A_2, %multiple_of3A_216 : i32
              %add3A_333 = arith.constant 2 : i32
              %add3A_334 = arith.addi %add3A_332, %add3A_333 : i32
              %run_scoped3A = arith.constant 0 : i32
              "tpu.region"() ({
                %run_scoped3A_335 = tpu.sem_alloc : memref<!tpu.dma_semaphore, #tpu.memory_space<semaphore_mem>>
                %dma_start3A_336 = arith.constant 0 : i32
                %dma_start3A_337 = tpu.memref_slice %arg5[%run_scoped3A, %dma_start3A_336] : memref<400x128xf32, #tpu.memory_space<vmem>> -> memref<1x128xf32, #tpu.memory_space<vmem>>
                %dma_start3A_338 = tpu.memref_squeeze %dma_start3A_337 : memref<1x128xf32, #tpu.memory_space<vmem>> -> memref<128xf32, #tpu.memory_space<vmem>>
                %dma_start3A_339 = arith.constant 0 : i32
                %dma_start3A_340 = tpu.memref_slice %arg4[%add3A_334, %dma_start3A_339] : memref<819200x128xf32, #tpu.memory_space<hbm>> -> memref<1x128xf32, #tpu.memory_space<hbm>>
                %dma_start3A_341 = tpu.memref_squeeze %dma_start3A_340 : memref<1x128xf32, #tpu.memory_space<hbm>> -> memref<128xf32, #tpu.memory_space<hbm>>
                %dma_start3A_342 = arith.constant 0 : i32
                %dma_start3A_343 = tpu.memref_slice %arg4[%add3A_334, %dma_start3A_342] : memref<819200x128xf32, #tpu.memory_space<hbm>> -> memref<1x128xf32, #tpu.memory_space<hbm>>
                %dma_start3A_344 = tpu.memref_squeeze %dma_start3A_343 : memref<1x128xf32, #tpu.memory_space<hbm>> -> memref<128xf32, #tpu.memory_space<hbm>>
                %dma_start3A_345 = arith.constant 0 : i32
                %dma_start3A_346 = tpu.memref_slice %arg5[%run_scoped3A, %dma_start3A_345] : memref<400x128xf32, #tpu.memory_space<vmem>> -> memref<1x128xf32, #tpu.memory_space<vmem>>
                %dma_start3A_347 = tpu.memref_squeeze %dma_start3A_346 : memref<1x128xf32, #tpu.memory_space<vmem>> -> memref<128xf32, #tpu.memory_space<vmem>>
                tpu.enqueue_dma source(%dma_start3A_347 : memref<128xf32, #tpu.memory_space<vmem>>) target(%dma_start3A_344 : memref<128xf32, #tpu.memory_space<hbm>>) target_semaphore(%run_scoped3A_335 : memref<!tpu.dma_semaphore, #tpu.memory_space<semaphore_mem>>)
                %dma_wait3A_348 = arith.constant 0 : i32
                %dma_wait3A_349 = tpu.memref_slice %arg5[%run_scoped3A, %dma_wait3A_348] : memref<400x128xf32, #tpu.memory_space<vmem>> -> memref<1x128xf32, #tpu.memory_space<vmem>>
                %dma_wait3A_350 = tpu.memref_squeeze %dma_wait3A_349 : memref<1x128xf32, #tpu.memory_space<vmem>> -> memref<128xf32, #tpu.memory_space<vmem>>
                %dma_wait3A_351 = arith.constant 0 : i32
                %dma_wait3A_352 = tpu.memref_slice %arg4[%add3A_334, %dma_wait3A_351] : memref<819200x128xf32, #tpu.memory_space<hbm>> -> memref<1x128xf32, #tpu.memory_space<hbm>>
                %dma_wait3A_353 = tpu.memref_squeeze %dma_wait3A_352 : memref<1x128xf32, #tpu.memory_space<hbm>> -> memref<128xf32, #tpu.memory_space<hbm>>
                %dma_wait3A_354 = arith.constant 0 : i32
                %dma_wait3A_355 = tpu.memref_slice %arg4[%add3A_334, %dma_wait3A_354] : memref<819200x128xf32, #tpu.memory_space<hbm>> -> memref<1x128xf32, #tpu.memory_space<hbm>>
                %dma_wait3A_356 = tpu.memref_squeeze %dma_wait3A_355 : memref<1x128xf32, #tpu.memory_space<hbm>> -> memref<128xf32, #tpu.memory_space<hbm>>
                %dma_wait3A_357 = arith.constant 0 : i32
                %dma_wait3A_358 = tpu.memref_slice %arg5[%run_scoped3A, %dma_wait3A_357] : memref<400x128xf32, #tpu.memory_space<vmem>> -> memref<1x128xf32, #tpu.memory_space<vmem>>
                %dma_wait3A_359 = tpu.memref_squeeze %dma_wait3A_358 : memref<1x128xf32, #tpu.memory_space<vmem>> -> memref<128xf32, #tpu.memory_space<vmem>>
                tpu.wait_dma2 semaphore(%run_scoped3A_335 : memref<!tpu.dma_semaphore, #tpu.memory_space<semaphore_mem>>) src(%dma_wait3A_359 : memref<128xf32, #tpu.memory_space<vmem>>) dst(%dma_wait3A_356 : memref<128xf32, #tpu.memory_space<hbm>>)
                tpu.yield
              }) : () -> ()
            } else {
            }
            %slice3A_240 = vector.extract_strided_slice %get3A_218 {offsets = [3], sizes = [1], strides = [1]} : vector<16xi32> to vector<1xi32>
            %squeeze3A_241 = vector.extract %slice3A_240[0] : i32 from vector<1xi32>
            %eq3A_242 = arith.constant 0 : i32
            %eq3A_243 = arith.cmpi eq, %squeeze3A_241, %eq3A_242 : i32
            %convert_element_type3A_244 = arith.extui %eq3A_243 : i1 to i32
            %cond3A_245 = arith.constant 0 : i32
            %cond3A_246 = arith.cmpi ne, %convert_element_type3A_244, %cond3A_245 : i32
            scf.if %cond3A_246 {
              %add3A_332 = arith.addi %mul3A_2, %multiple_of3A_216 : i32
              %add3A_333 = arith.constant 3 : i32
              %add3A_334 = arith.addi %add3A_332, %add3A_333 : i32
              %run_scoped3A = arith.constant 0 : i32
              "tpu.region"() ({
                %run_scoped3A_335 = tpu.sem_alloc : memref<!tpu.dma_semaphore, #tpu.memory_space<semaphore_mem>>
                %dma_start3A_336 = arith.constant 0 : i32
                %dma_start3A_337 = tpu.memref_slice %arg5[%run_scoped3A, %dma_start3A_336] : memref<400x128xf32, #tpu.memory_space<vmem>> -> memref<1x128xf32, #tpu.memory_space<vmem>>
                %dma_start3A_338 = tpu.memref_squeeze %dma_start3A_337 : memref<1x128xf32, #tpu.memory_space<vmem>> -> memref<128xf32, #tpu.memory_space<vmem>>
                %dma_start3A_339 = arith.constant 0 : i32
                %dma_start3A_340 = tpu.memref_slice %arg4[%add3A_334, %dma_start3A_339] : memref<819200x128xf32, #tpu.memory_space<hbm>> -> memref<1x128xf32, #tpu.memory_space<hbm>>
                %dma_start3A_341 = tpu.memref_squeeze %dma_start3A_340 : memref<1x128xf32, #tpu.memory_space<hbm>> -> memref<128xf32, #tpu.memory_space<hbm>>
                %dma_start3A_342 = arith.constant 0 : i32
                %dma_start3A_343 = tpu.memref_slice %arg4[%add3A_334, %dma_start3A_342] : memref<819200x128xf32, #tpu.memory_space<hbm>> -> memref<1x128xf32, #tpu.memory_space<hbm>>
                %dma_start3A_344 = tpu.memref_squeeze %dma_start3A_343 : memref<1x128xf32, #tpu.memory_space<hbm>> -> memref<128xf32, #tpu.memory_space<hbm>>
                %dma_start3A_345 = arith.constant 0 : i32
                %dma_start3A_346 = tpu.memref_slice %arg5[%run_scoped3A, %dma_start3A_345] : memref<400x128xf32, #tpu.memory_space<vmem>> -> memref<1x128xf32, #tpu.memory_space<vmem>>
                %dma_start3A_347 = tpu.memref_squeeze %dma_start3A_346 : memref<1x128xf32, #tpu.memory_space<vmem>> -> memref<128xf32, #tpu.memory_space<vmem>>
                tpu.enqueue_dma source(%dma_start3A_347 : memref<128xf32, #tpu.memory_space<vmem>>) target(%dma_start3A_344 : memref<128xf32, #tpu.memory_space<hbm>>) target_semaphore(%run_scoped3A_335 : memref<!tpu.dma_semaphore, #tpu.memory_space<semaphore_mem>>)
                %dma_wait3A_348 = arith.constant 0 : i32
                %dma_wait3A_349 = tpu.memref_slice %arg5[%run_scoped3A, %dma_wait3A_348] : memref<400x128xf32, #tpu.memory_space<vmem>> -> memref<1x128xf32, #tpu.memory_space<vmem>>
                %dma_wait3A_350 = tpu.memref_squeeze %dma_wait3A_349 : memref<1x128xf32, #tpu.memory_space<vmem>> -> memref<128xf32, #tpu.memory_space<vmem>>
                %dma_wait3A_351 = arith.constant 0 : i32
                %dma_wait3A_352 = tpu.memref_slice %arg4[%add3A_334, %dma_wait3A_351] : memref<819200x128xf32, #tpu.memory_space<hbm>> -> memref<1x128xf32, #tpu.memory_space<hbm>>
                %dma_wait3A_353 = tpu.memref_squeeze %dma_wait3A_352 : memref<1x128xf32, #tpu.memory_space<hbm>> -> memref<128xf32, #tpu.memory_space<hbm>>
                %dma_wait3A_354 = arith.constant 0 : i32
                %dma_wait3A_355 = tpu.memref_slice %arg4[%add3A_334, %dma_wait3A_354] : memref<819200x128xf32, #tpu.memory_space<hbm>> -> memref<1x128xf32, #tpu.memory_space<hbm>>
                %dma_wait3A_356 = tpu.memref_squeeze %dma_wait3A_355 : memref<1x128xf32, #tpu.memory_space<hbm>> -> memref<128xf32, #tpu.memory_space<hbm>>
                %dma_wait3A_357 = arith.constant 0 : i32
                %dma_wait3A_358 = tpu.memref_slice %arg5[%run_scoped3A, %dma_wait3A_357] : memref<400x128xf32, #tpu.memory_space<vmem>> -> memref<1x128xf32, #tpu.memory_space<vmem>>
                %dma_wait3A_359 = tpu.memref_squeeze %dma_wait3A_358 : memref<1x128xf32, #tpu.memory_space<vmem>> -> memref<128xf32, #tpu.memory_space<vmem>>
                tpu.wait_dma2 semaphore(%run_scoped3A_335 : memref<!tpu.dma_semaphore, #tpu.memory_space<semaphore_mem>>) src(%dma_wait3A_359 : memref<128xf32, #tpu.memory_space<vmem>>) dst(%dma_wait3A_356 : memref<128xf32, #tpu.memory_space<hbm>>)
                tpu.yield
              }) : () -> ()
            } else {
            }
            %slice3A_247 = vector.extract_strided_slice %get3A_218 {offsets = [4], sizes = [1], strides = [1]} : vector<16xi32> to vector<1xi32>
            %squeeze3A_248 = vector.extract %slice3A_247[0] : i32 from vector<1xi32>
            %eq3A_249 = arith.constant 0 : i32
            %eq3A_250 = arith.cmpi eq, %squeeze3A_248, %eq3A_249 : i32
            %convert_element_type3A_251 = arith.extui %eq3A_250 : i1 to i32
            %cond3A_252 = arith.constant 0 : i32
            %cond3A_253 = arith.cmpi ne, %convert_element_type3A_251, %cond3A_252 : i32
            scf.if %cond3A_253 {
              %add3A_332 = arith.addi %mul3A_2, %multiple_of3A_216 : i32
              %add3A_333 = arith.constant 4 : i32
              %add3A_334 = arith.addi %add3A_332, %add3A_333 : i32
              %run_scoped3A = arith.constant 0 : i32
              "tpu.region"() ({
                %run_scoped3A_335 = tpu.sem_alloc : memref<!tpu.dma_semaphore, #tpu.memory_space<semaphore_mem>>
                %dma_start3A_336 = arith.constant 0 : i32
                %dma_start3A_337 = tpu.memref_slice %arg5[%run_scoped3A, %dma_start3A_336] : memref<400x128xf32, #tpu.memory_space<vmem>> -> memref<1x128xf32, #tpu.memory_space<vmem>>
                %dma_start3A_338 = tpu.memref_squeeze %dma_start3A_337 : memref<1x128xf32, #tpu.memory_space<vmem>> -> memref<128xf32, #tpu.memory_space<vmem>>
                %dma_start3A_339 = arith.constant 0 : i32
                %dma_start3A_340 = tpu.memref_slice %arg4[%add3A_334, %dma_start3A_339] : memref<819200x128xf32, #tpu.memory_space<hbm>> -> memref<1x128xf32, #tpu.memory_space<hbm>>
                %dma_start3A_341 = tpu.memref_squeeze %dma_start3A_340 : memref<1x128xf32, #tpu.memory_space<hbm>> -> memref<128xf32, #tpu.memory_space<hbm>>
                %dma_start3A_342 = arith.constant 0 : i32
                %dma_start3A_343 = tpu.memref_slice %arg4[%add3A_334, %dma_start3A_342] : memref<819200x128xf32, #tpu.memory_space<hbm>> -> memref<1x128xf32, #tpu.memory_space<hbm>>
                %dma_start3A_344 = tpu.memref_squeeze %dma_start3A_343 : memref<1x128xf32, #tpu.memory_space<hbm>> -> memref<128xf32, #tpu.memory_space<hbm>>
                %dma_start3A_345 = arith.constant 0 : i32
                %dma_start3A_346 = tpu.memref_slice %arg5[%run_scoped3A, %dma_start3A_345] : memref<400x128xf32, #tpu.memory_space<vmem>> -> memref<1x128xf32, #tpu.memory_space<vmem>>
                %dma_start3A_347 = tpu.memref_squeeze %dma_start3A_346 : memref<1x128xf32, #tpu.memory_space<vmem>> -> memref<128xf32, #tpu.memory_space<vmem>>
                tpu.enqueue_dma source(%dma_start3A_347 : memref<128xf32, #tpu.memory_space<vmem>>) target(%dma_start3A_344 : memref<128xf32, #tpu.memory_space<hbm>>) target_semaphore(%run_scoped3A_335 : memref<!tpu.dma_semaphore, #tpu.memory_space<semaphore_mem>>)
                %dma_wait3A_348 = arith.constant 0 : i32
                %dma_wait3A_349 = tpu.memref_slice %arg5[%run_scoped3A, %dma_wait3A_348] : memref<400x128xf32, #tpu.memory_space<vmem>> -> memref<1x128xf32, #tpu.memory_space<vmem>>
                %dma_wait3A_350 = tpu.memref_squeeze %dma_wait3A_349 : memref<1x128xf32, #tpu.memory_space<vmem>> -> memref<128xf32, #tpu.memory_space<vmem>>
                %dma_wait3A_351 = arith.constant 0 : i32
                %dma_wait3A_352 = tpu.memref_slice %arg4[%add3A_334, %dma_wait3A_351] : memref<819200x128xf32, #tpu.memory_space<hbm>> -> memref<1x128xf32, #tpu.memory_space<hbm>>
                %dma_wait3A_353 = tpu.memref_squeeze %dma_wait3A_352 : memref<1x128xf32, #tpu.memory_space<hbm>> -> memref<128xf32, #tpu.memory_space<hbm>>
                %dma_wait3A_354 = arith.constant 0 : i32
                %dma_wait3A_355 = tpu.memref_slice %arg4[%add3A_334, %dma_wait3A_354] : memref<819200x128xf32, #tpu.memory_space<hbm>> -> memref<1x128xf32, #tpu.memory_space<hbm>>
                %dma_wait3A_356 = tpu.memref_squeeze %dma_wait3A_355 : memref<1x128xf32, #tpu.memory_space<hbm>> -> memref<128xf32, #tpu.memory_space<hbm>>
                %dma_wait3A_357 = arith.constant 0 : i32
                %dma_wait3A_358 = tpu.memref_slice %arg5[%run_scoped3A, %dma_wait3A_357] : memref<400x128xf32, #tpu.memory_space<vmem>> -> memref<1x128xf32, #tpu.memory_space<vmem>>
                %dma_wait3A_359 = tpu.memref_squeeze %dma_wait3A_358 : memref<1x128xf32, #tpu.memory_space<vmem>> -> memref<128xf32, #tpu.memory_space<vmem>>
                tpu.wait_dma2 semaphore(%run_scoped3A_335 : memref<!tpu.dma_semaphore, #tpu.memory_space<semaphore_mem>>) src(%dma_wait3A_359 : memref<128xf32, #tpu.memory_space<vmem>>) dst(%dma_wait3A_356 : memref<128xf32, #tpu.memory_space<hbm>>)
                tpu.yield
              }) : () -> ()
            } else {
            }
            %slice3A_254 = vector.extract_strided_slice %get3A_218 {offsets = [5], sizes = [1], strides = [1]} : vector<16xi32> to vector<1xi32>
            %squeeze3A_255 = vector.extract %slice3A_254[0] : i32 from vector<1xi32>
            %eq3A_256 = arith.constant 0 : i32
            %eq3A_257 = arith.cmpi eq, %squeeze3A_255, %eq3A_256 : i32
            %convert_element_type3A_258 = arith.extui %eq3A_257 : i1 to i32
            %cond3A_259 = arith.constant 0 : i32
            %cond3A_260 = arith.cmpi ne, %convert_element_type3A_258, %cond3A_259 : i32
            scf.if %cond3A_260 {
              %add3A_332 = arith.addi %mul3A_2, %multiple_of3A_216 : i32
              %add3A_333 = arith.constant 5 : i32
              %add3A_334 = arith.addi %add3A_332, %add3A_333 : i32
              %run_scoped3A = arith.constant 0 : i32
              "tpu.region"() ({
                %run_scoped3A_335 = tpu.sem_alloc : memref<!tpu.dma_semaphore, #tpu.memory_space<semaphore_mem>>
                %dma_start3A_336 = arith.constant 0 : i32
                %dma_start3A_337 = tpu.memref_slice %arg5[%run_scoped3A, %dma_start3A_336] : memref<400x128xf32, #tpu.memory_space<vmem>> -> memref<1x128xf32, #tpu.memory_space<vmem>>
                %dma_start3A_338 = tpu.memref_squeeze %dma_start3A_337 : memref<1x128xf32, #tpu.memory_space<vmem>> -> memref<128xf32, #tpu.memory_space<vmem>>
                %dma_start3A_339 = arith.constant 0 : i32
                %dma_start3A_340 = tpu.memref_slice %arg4[%add3A_334, %dma_start3A_339] : memref<819200x128xf32, #tpu.memory_space<hbm>> -> memref<1x128xf32, #tpu.memory_space<hbm>>
                %dma_start3A_341 = tpu.memref_squeeze %dma_start3A_340 : memref<1x128xf32, #tpu.memory_space<hbm>> -> memref<128xf32, #tpu.memory_space<hbm>>
                %dma_start3A_342 = arith.constant 0 : i32
                %dma_start3A_343 = tpu.memref_slice %arg4[%add3A_334, %dma_start3A_342] : memref<819200x128xf32, #tpu.memory_space<hbm>> -> memref<1x128xf32, #tpu.memory_space<hbm>>
                %dma_start3A_344 = tpu.memref_squeeze %dma_start3A_343 : memref<1x128xf32, #tpu.memory_space<hbm>> -> memref<128xf32, #tpu.memory_space<hbm>>
                %dma_start3A_345 = arith.constant 0 : i32
                %dma_start3A_346 = tpu.memref_slice %arg5[%run_scoped3A, %dma_start3A_345] : memref<400x128xf32, #tpu.memory_space<vmem>> -> memref<1x128xf32, #tpu.memory_space<vmem>>
                %dma_start3A_347 = tpu.memref_squeeze %dma_start3A_346 : memref<1x128xf32, #tpu.memory_space<vmem>> -> memref<128xf32, #tpu.memory_space<vmem>>
                tpu.enqueue_dma source(%dma_start3A_347 : memref<128xf32, #tpu.memory_space<vmem>>) target(%dma_start3A_344 : memref<128xf32, #tpu.memory_space<hbm>>) target_semaphore(%run_scoped3A_335 : memref<!tpu.dma_semaphore, #tpu.memory_space<semaphore_mem>>)
                %dma_wait3A_348 = arith.constant 0 : i32
                %dma_wait3A_349 = tpu.memref_slice %arg5[%run_scoped3A, %dma_wait3A_348] : memref<400x128xf32, #tpu.memory_space<vmem>> -> memref<1x128xf32, #tpu.memory_space<vmem>>
                %dma_wait3A_350 = tpu.memref_squeeze %dma_wait3A_349 : memref<1x128xf32, #tpu.memory_space<vmem>> -> memref<128xf32, #tpu.memory_space<vmem>>
                %dma_wait3A_351 = arith.constant 0 : i32
                %dma_wait3A_352 = tpu.memref_slice %arg4[%add3A_334, %dma_wait3A_351] : memref<819200x128xf32, #tpu.memory_space<hbm>> -> memref<1x128xf32, #tpu.memory_space<hbm>>
                %dma_wait3A_353 = tpu.memref_squeeze %dma_wait3A_352 : memref<1x128xf32, #tpu.memory_space<hbm>> -> memref<128xf32, #tpu.memory_space<hbm>>
                %dma_wait3A_354 = arith.constant 0 : i32
                %dma_wait3A_355 = tpu.memref_slice %arg4[%add3A_334, %dma_wait3A_354] : memref<819200x128xf32, #tpu.memory_space<hbm>> -> memref<1x128xf32, #tpu.memory_space<hbm>>
                %dma_wait3A_356 = tpu.memref_squeeze %dma_wait3A_355 : memref<1x128xf32, #tpu.memory_space<hbm>> -> memref<128xf32, #tpu.memory_space<hbm>>
                %dma_wait3A_357 = arith.constant 0 : i32
                %dma_wait3A_358 = tpu.memref_slice %arg5[%run_scoped3A, %dma_wait3A_357] : memref<400x128xf32, #tpu.memory_space<vmem>> -> memref<1x128xf32, #tpu.memory_space<vmem>>
                %dma_wait3A_359 = tpu.memref_squeeze %dma_wait3A_358 : memref<1x128xf32, #tpu.memory_space<vmem>> -> memref<128xf32, #tpu.memory_space<vmem>>
                tpu.wait_dma2 semaphore(%run_scoped3A_335 : memref<!tpu.dma_semaphore, #tpu.memory_space<semaphore_mem>>) src(%dma_wait3A_359 : memref<128xf32, #tpu.memory_space<vmem>>) dst(%dma_wait3A_356 : memref<128xf32, #tpu.memory_space<hbm>>)
                tpu.yield
              }) : () -> ()
            } else {
            }
            %slice3A_261 = vector.extract_strided_slice %get3A_218 {offsets = [6], sizes = [1], strides = [1]} : vector<16xi32> to vector<1xi32>
            %squeeze3A_262 = vector.extract %slice3A_261[0] : i32 from vector<1xi32>
            %eq3A_263 = arith.constant 0 : i32
            %eq3A_264 = arith.cmpi eq, %squeeze3A_262, %eq3A_263 : i32
            %convert_element_type3A_265 = arith.extui %eq3A_264 : i1 to i32
            %cond3A_266 = arith.constant 0 : i32
            %cond3A_267 = arith.cmpi ne, %convert_element_type3A_265, %cond3A_266 : i32
            scf.if %cond3A_267 {
              %add3A_332 = arith.addi %mul3A_2, %multiple_of3A_216 : i32
              %add3A_333 = arith.constant 6 : i32
              %add3A_334 = arith.addi %add3A_332, %add3A_333 : i32
              %run_scoped3A = arith.constant 0 : i32
              "tpu.region"() ({
                %run_scoped3A_335 = tpu.sem_alloc : memref<!tpu.dma_semaphore, #tpu.memory_space<semaphore_mem>>
                %dma_start3A_336 = arith.constant 0 : i32
                %dma_start3A_337 = tpu.memref_slice %arg5[%run_scoped3A, %dma_start3A_336] : memref<400x128xf32, #tpu.memory_space<vmem>> -> memref<1x128xf32, #tpu.memory_space<vmem>>
                %dma_start3A_338 = tpu.memref_squeeze %dma_start3A_337 : memref<1x128xf32, #tpu.memory_space<vmem>> -> memref<128xf32, #tpu.memory_space<vmem>>
                %dma_start3A_339 = arith.constant 0 : i32
                %dma_start3A_340 = tpu.memref_slice %arg4[%add3A_334, %dma_start3A_339] : memref<819200x128xf32, #tpu.memory_space<hbm>> -> memref<1x128xf32, #tpu.memory_space<hbm>>
                %dma_start3A_341 = tpu.memref_squeeze %dma_start3A_340 : memref<1x128xf32, #tpu.memory_space<hbm>> -> memref<128xf32, #tpu.memory_space<hbm>>
                %dma_start3A_342 = arith.constant 0 : i32
                %dma_start3A_343 = tpu.memref_slice %arg4[%add3A_334, %dma_start3A_342] : memref<819200x128xf32, #tpu.memory_space<hbm>> -> memref<1x128xf32, #tpu.memory_space<hbm>>
                %dma_start3A_344 = tpu.memref_squeeze %dma_start3A_343 : memref<1x128xf32, #tpu.memory_space<hbm>> -> memref<128xf32, #tpu.memory_space<hbm>>
                %dma_start3A_345 = arith.constant 0 : i32
                %dma_start3A_346 = tpu.memref_slice %arg5[%run_scoped3A, %dma_start3A_345] : memref<400x128xf32, #tpu.memory_space<vmem>> -> memref<1x128xf32, #tpu.memory_space<vmem>>
                %dma_start3A_347 = tpu.memref_squeeze %dma_start3A_346 : memref<1x128xf32, #tpu.memory_space<vmem>> -> memref<128xf32, #tpu.memory_space<vmem>>
                tpu.enqueue_dma source(%dma_start3A_347 : memref<128xf32, #tpu.memory_space<vmem>>) target(%dma_start3A_344 : memref<128xf32, #tpu.memory_space<hbm>>) target_semaphore(%run_scoped3A_335 : memref<!tpu.dma_semaphore, #tpu.memory_space<semaphore_mem>>)
                %dma_wait3A_348 = arith.constant 0 : i32
                %dma_wait3A_349 = tpu.memref_slice %arg5[%run_scoped3A, %dma_wait3A_348] : memref<400x128xf32, #tpu.memory_space<vmem>> -> memref<1x128xf32, #tpu.memory_space<vmem>>
                %dma_wait3A_350 = tpu.memref_squeeze %dma_wait3A_349 : memref<1x128xf32, #tpu.memory_space<vmem>> -> memref<128xf32, #tpu.memory_space<vmem>>
                %dma_wait3A_351 = arith.constant 0 : i32
                %dma_wait3A_352 = tpu.memref_slice %arg4[%add3A_334, %dma_wait3A_351] : memref<819200x128xf32, #tpu.memory_space<hbm>> -> memref<1x128xf32, #tpu.memory_space<hbm>>
                %dma_wait3A_353 = tpu.memref_squeeze %dma_wait3A_352 : memref<1x128xf32, #tpu.memory_space<hbm>> -> memref<128xf32, #tpu.memory_space<hbm>>
                %dma_wait3A_354 = arith.constant 0 : i32
                %dma_wait3A_355 = tpu.memref_slice %arg4[%add3A_334, %dma_wait3A_354] : memref<819200x128xf32, #tpu.memory_space<hbm>> -> memref<1x128xf32, #tpu.memory_space<hbm>>
                %dma_wait3A_356 = tpu.memref_squeeze %dma_wait3A_355 : memref<1x128xf32, #tpu.memory_space<hbm>> -> memref<128xf32, #tpu.memory_space<hbm>>
                %dma_wait3A_357 = arith.constant 0 : i32
                %dma_wait3A_358 = tpu.memref_slice %arg5[%run_scoped3A, %dma_wait3A_357] : memref<400x128xf32, #tpu.memory_space<vmem>> -> memref<1x128xf32, #tpu.memory_space<vmem>>
                %dma_wait3A_359 = tpu.memref_squeeze %dma_wait3A_358 : memref<1x128xf32, #tpu.memory_space<vmem>> -> memref<128xf32, #tpu.memory_space<vmem>>
                tpu.wait_dma2 semaphore(%run_scoped3A_335 : memref<!tpu.dma_semaphore, #tpu.memory_space<semaphore_mem>>) src(%dma_wait3A_359 : memref<128xf32, #tpu.memory_space<vmem>>) dst(%dma_wait3A_356 : memref<128xf32, #tpu.memory_space<hbm>>)
                tpu.yield
              }) : () -> ()
            } else {
            }
            %slice3A_268 = vector.extract_strided_slice %get3A_218 {offsets = [7], sizes = [1], strides = [1]} : vector<16xi32> to vector<1xi32>
            %squeeze3A_269 = vector.extract %slice3A_268[0] : i32 from vector<1xi32>
            %eq3A_270 = arith.constant 0 : i32
            %eq3A_271 = arith.cmpi eq, %squeeze3A_269, %eq3A_270 : i32
            %convert_element_type3A_272 = arith.extui %eq3A_271 : i1 to i32
            %cond3A_273 = arith.constant 0 : i32
            %cond3A_274 = arith.cmpi ne, %convert_element_type3A_272, %cond3A_273 : i32
            scf.if %cond3A_274 {
              %add3A_332 = arith.addi %mul3A_2, %multiple_of3A_216 : i32
              %add3A_333 = arith.constant 7 : i32
              %add3A_334 = arith.addi %add3A_332, %add3A_333 : i32
              %run_scoped3A = arith.constant 0 : i32
              "tpu.region"() ({
                %run_scoped3A_335 = tpu.sem_alloc : memref<!tpu.dma_semaphore, #tpu.memory_space<semaphore_mem>>
                %dma_start3A_336 = arith.constant 0 : i32
                %dma_start3A_337 = tpu.memref_slice %arg5[%run_scoped3A, %dma_start3A_336] : memref<400x128xf32, #tpu.memory_space<vmem>> -> memref<1x128xf32, #tpu.memory_space<vmem>>
                %dma_start3A_338 = tpu.memref_squeeze %dma_start3A_337 : memref<1x128xf32, #tpu.memory_space<vmem>> -> memref<128xf32, #tpu.memory_space<vmem>>
                %dma_start3A_339 = arith.constant 0 : i32
                %dma_start3A_340 = tpu.memref_slice %arg4[%add3A_334, %dma_start3A_339] : memref<819200x128xf32, #tpu.memory_space<hbm>> -> memref<1x128xf32, #tpu.memory_space<hbm>>
                %dma_start3A_341 = tpu.memref_squeeze %dma_start3A_340 : memref<1x128xf32, #tpu.memory_space<hbm>> -> memref<128xf32, #tpu.memory_space<hbm>>
                %dma_start3A_342 = arith.constant 0 : i32
                %dma_start3A_343 = tpu.memref_slice %arg4[%add3A_334, %dma_start3A_342] : memref<819200x128xf32, #tpu.memory_space<hbm>> -> memref<1x128xf32, #tpu.memory_space<hbm>>
                %dma_start3A_344 = tpu.memref_squeeze %dma_start3A_343 : memref<1x128xf32, #tpu.memory_space<hbm>> -> memref<128xf32, #tpu.memory_space<hbm>>
                %dma_start3A_345 = arith.constant 0 : i32
                %dma_start3A_346 = tpu.memref_slice %arg5[%run_scoped3A, %dma_start3A_345] : memref<400x128xf32, #tpu.memory_space<vmem>> -> memref<1x128xf32, #tpu.memory_space<vmem>>
                %dma_start3A_347 = tpu.memref_squeeze %dma_start3A_346 : memref<1x128xf32, #tpu.memory_space<vmem>> -> memref<128xf32, #tpu.memory_space<vmem>>
                tpu.enqueue_dma source(%dma_start3A_347 : memref<128xf32, #tpu.memory_space<vmem>>) target(%dma_start3A_344 : memref<128xf32, #tpu.memory_space<hbm>>) target_semaphore(%run_scoped3A_335 : memref<!tpu.dma_semaphore, #tpu.memory_space<semaphore_mem>>)
                %dma_wait3A_348 = arith.constant 0 : i32
                %dma_wait3A_349 = tpu.memref_slice %arg5[%run_scoped3A, %dma_wait3A_348] : memref<400x128xf32, #tpu.memory_space<vmem>> -> memref<1x128xf32, #tpu.memory_space<vmem>>
                %dma_wait3A_350 = tpu.memref_squeeze %dma_wait3A_349 : memref<1x128xf32, #tpu.memory_space<vmem>> -> memref<128xf32, #tpu.memory_space<vmem>>
                %dma_wait3A_351 = arith.constant 0 : i32
                %dma_wait3A_352 = tpu.memref_slice %arg4[%add3A_334, %dma_wait3A_351] : memref<819200x128xf32, #tpu.memory_space<hbm>> -> memref<1x128xf32, #tpu.memory_space<hbm>>
                %dma_wait3A_353 = tpu.memref_squeeze %dma_wait3A_352 : memref<1x128xf32, #tpu.memory_space<hbm>> -> memref<128xf32, #tpu.memory_space<hbm>>
                %dma_wait3A_354 = arith.constant 0 : i32
                %dma_wait3A_355 = tpu.memref_slice %arg4[%add3A_334, %dma_wait3A_354] : memref<819200x128xf32, #tpu.memory_space<hbm>> -> memref<1x128xf32, #tpu.memory_space<hbm>>
                %dma_wait3A_356 = tpu.memref_squeeze %dma_wait3A_355 : memref<1x128xf32, #tpu.memory_space<hbm>> -> memref<128xf32, #tpu.memory_space<hbm>>
                %dma_wait3A_357 = arith.constant 0 : i32
                %dma_wait3A_358 = tpu.memref_slice %arg5[%run_scoped3A, %dma_wait3A_357] : memref<400x128xf32, #tpu.memory_space<vmem>> -> memref<1x128xf32, #tpu.memory_space<vmem>>
                %dma_wait3A_359 = tpu.memref_squeeze %dma_wait3A_358 : memref<1x128xf32, #tpu.memory_space<vmem>> -> memref<128xf32, #tpu.memory_space<vmem>>
                tpu.wait_dma2 semaphore(%run_scoped3A_335 : memref<!tpu.dma_semaphore, #tpu.memory_space<semaphore_mem>>) src(%dma_wait3A_359 : memref<128xf32, #tpu.memory_space<vmem>>) dst(%dma_wait3A_356 : memref<128xf32, #tpu.memory_space<hbm>>)
                tpu.yield
              }) : () -> ()
            } else {
            }
            %slice3A_275 = vector.extract_strided_slice %get3A_218 {offsets = [8], sizes = [1], strides = [1]} : vector<16xi32> to vector<1xi32>
            %squeeze3A_276 = vector.extract %slice3A_275[0] : i32 from vector<1xi32>
            %eq3A_277 = arith.constant 0 : i32
            %eq3A_278 = arith.cmpi eq, %squeeze3A_276, %eq3A_277 : i32
            %convert_element_type3A_279 = arith.extui %eq3A_278 : i1 to i32
            %cond3A_280 = arith.constant 0 : i32
            %cond3A_281 = arith.cmpi ne, %convert_element_type3A_279, %cond3A_280 : i32
            scf.if %cond3A_281 {
              %add3A_332 = arith.addi %mul3A_2, %multiple_of3A_216 : i32
              %add3A_333 = arith.constant 8 : i32
              %add3A_334 = arith.addi %add3A_332, %add3A_333 : i32
              %run_scoped3A = arith.constant 0 : i32
              "tpu.region"() ({
                %run_scoped3A_335 = tpu.sem_alloc : memref<!tpu.dma_semaphore, #tpu.memory_space<semaphore_mem>>
                %dma_start3A_336 = arith.constant 0 : i32
                %dma_start3A_337 = tpu.memref_slice %arg5[%run_scoped3A, %dma_start3A_336] : memref<400x128xf32, #tpu.memory_space<vmem>> -> memref<1x128xf32, #tpu.memory_space<vmem>>
                %dma_start3A_338 = tpu.memref_squeeze %dma_start3A_337 : memref<1x128xf32, #tpu.memory_space<vmem>> -> memref<128xf32, #tpu.memory_space<vmem>>
                %dma_start3A_339 = arith.constant 0 : i32
                %dma_start3A_340 = tpu.memref_slice %arg4[%add3A_334, %dma_start3A_339] : memref<819200x128xf32, #tpu.memory_space<hbm>> -> memref<1x128xf32, #tpu.memory_space<hbm>>
                %dma_start3A_341 = tpu.memref_squeeze %dma_start3A_340 : memref<1x128xf32, #tpu.memory_space<hbm>> -> memref<128xf32, #tpu.memory_space<hbm>>
                %dma_start3A_342 = arith.constant 0 : i32
                %dma_start3A_343 = tpu.memref_slice %arg4[%add3A_334, %dma_start3A_342] : memref<819200x128xf32, #tpu.memory_space<hbm>> -> memref<1x128xf32, #tpu.memory_space<hbm>>
                %dma_start3A_344 = tpu.memref_squeeze %dma_start3A_343 : memref<1x128xf32, #tpu.memory_space<hbm>> -> memref<128xf32, #tpu.memory_space<hbm>>
                %dma_start3A_345 = arith.constant 0 : i32
                %dma_start3A_346 = tpu.memref_slice %arg5[%run_scoped3A, %dma_start3A_345] : memref<400x128xf32, #tpu.memory_space<vmem>> -> memref<1x128xf32, #tpu.memory_space<vmem>>
                %dma_start3A_347 = tpu.memref_squeeze %dma_start3A_346 : memref<1x128xf32, #tpu.memory_space<vmem>> -> memref<128xf32, #tpu.memory_space<vmem>>
                tpu.enqueue_dma source(%dma_start3A_347 : memref<128xf32, #tpu.memory_space<vmem>>) target(%dma_start3A_344 : memref<128xf32, #tpu.memory_space<hbm>>) target_semaphore(%run_scoped3A_335 : memref<!tpu.dma_semaphore, #tpu.memory_space<semaphore_mem>>)
                %dma_wait3A_348 = arith.constant 0 : i32
                %dma_wait3A_349 = tpu.memref_slice %arg5[%run_scoped3A, %dma_wait3A_348] : memref<400x128xf32, #tpu.memory_space<vmem>> -> memref<1x128xf32, #tpu.memory_space<vmem>>
                %dma_wait3A_350 = tpu.memref_squeeze %dma_wait3A_349 : memref<1x128xf32, #tpu.memory_space<vmem>> -> memref<128xf32, #tpu.memory_space<vmem>>
                %dma_wait3A_351 = arith.constant 0 : i32
                %dma_wait3A_352 = tpu.memref_slice %arg4[%add3A_334, %dma_wait3A_351] : memref<819200x128xf32, #tpu.memory_space<hbm>> -> memref<1x128xf32, #tpu.memory_space<hbm>>
                %dma_wait3A_353 = tpu.memref_squeeze %dma_wait3A_352 : memref<1x128xf32, #tpu.memory_space<hbm>> -> memref<128xf32, #tpu.memory_space<hbm>>
                %dma_wait3A_354 = arith.constant 0 : i32
                %dma_wait3A_355 = tpu.memref_slice %arg4[%add3A_334, %dma_wait3A_354] : memref<819200x128xf32, #tpu.memory_space<hbm>> -> memref<1x128xf32, #tpu.memory_space<hbm>>
                %dma_wait3A_356 = tpu.memref_squeeze %dma_wait3A_355 : memref<1x128xf32, #tpu.memory_space<hbm>> -> memref<128xf32, #tpu.memory_space<hbm>>
                %dma_wait3A_357 = arith.constant 0 : i32
                %dma_wait3A_358 = tpu.memref_slice %arg5[%run_scoped3A, %dma_wait3A_357] : memref<400x128xf32, #tpu.memory_space<vmem>> -> memref<1x128xf32, #tpu.memory_space<vmem>>
                %dma_wait3A_359 = tpu.memref_squeeze %dma_wait3A_358 : memref<1x128xf32, #tpu.memory_space<vmem>> -> memref<128xf32, #tpu.memory_space<vmem>>
                tpu.wait_dma2 semaphore(%run_scoped3A_335 : memref<!tpu.dma_semaphore, #tpu.memory_space<semaphore_mem>>) src(%dma_wait3A_359 : memref<128xf32, #tpu.memory_space<vmem>>) dst(%dma_wait3A_356 : memref<128xf32, #tpu.memory_space<hbm>>)
                tpu.yield
              }) : () -> ()
            } else {
            }
            %slice3A_282 = vector.extract_strided_slice %get3A_218 {offsets = [9], sizes = [1], strides = [1]} : vector<16xi32> to vector<1xi32>
            %squeeze3A_283 = vector.extract %slice3A_282[0] : i32 from vector<1xi32>
            %eq3A_284 = arith.constant 0 : i32
            %eq3A_285 = arith.cmpi eq, %squeeze3A_283, %eq3A_284 : i32
            %convert_element_type3A_286 = arith.extui %eq3A_285 : i1 to i32
            %cond3A_287 = arith.constant 0 : i32
            %cond3A_288 = arith.cmpi ne, %convert_element_type3A_286, %cond3A_287 : i32
            scf.if %cond3A_288 {
              %add3A_332 = arith.addi %mul3A_2, %multiple_of3A_216 : i32
              %add3A_333 = arith.constant 9 : i32
              %add3A_334 = arith.addi %add3A_332, %add3A_333 : i32
              %run_scoped3A = arith.constant 0 : i32
              "tpu.region"() ({
                %run_scoped3A_335 = tpu.sem_alloc : memref<!tpu.dma_semaphore, #tpu.memory_space<semaphore_mem>>
                %dma_start3A_336 = arith.constant 0 : i32
                %dma_start3A_337 = tpu.memref_slice %arg5[%run_scoped3A, %dma_start3A_336] : memref<400x128xf32, #tpu.memory_space<vmem>> -> memref<1x128xf32, #tpu.memory_space<vmem>>
                %dma_start3A_338 = tpu.memref_squeeze %dma_start3A_337 : memref<1x128xf32, #tpu.memory_space<vmem>> -> memref<128xf32, #tpu.memory_space<vmem>>
                %dma_start3A_339 = arith.constant 0 : i32
                %dma_start3A_340 = tpu.memref_slice %arg4[%add3A_334, %dma_start3A_339] : memref<819200x128xf32, #tpu.memory_space<hbm>> -> memref<1x128xf32, #tpu.memory_space<hbm>>
                %dma_start3A_341 = tpu.memref_squeeze %dma_start3A_340 : memref<1x128xf32, #tpu.memory_space<hbm>> -> memref<128xf32, #tpu.memory_space<hbm>>
                %dma_start3A_342 = arith.constant 0 : i32
                %dma_start3A_343 = tpu.memref_slice %arg4[%add3A_334, %dma_start3A_342] : memref<819200x128xf32, #tpu.memory_space<hbm>> -> memref<1x128xf32, #tpu.memory_space<hbm>>
                %dma_start3A_344 = tpu.memref_squeeze %dma_start3A_343 : memref<1x128xf32, #tpu.memory_space<hbm>> -> memref<128xf32, #tpu.memory_space<hbm>>
                %dma_start3A_345 = arith.constant 0 : i32
                %dma_start3A_346 = tpu.memref_slice %arg5[%run_scoped3A, %dma_start3A_345] : memref<400x128xf32, #tpu.memory_space<vmem>> -> memref<1x128xf32, #tpu.memory_space<vmem>>
                %dma_start3A_347 = tpu.memref_squeeze %dma_start3A_346 : memref<1x128xf32, #tpu.memory_space<vmem>> -> memref<128xf32, #tpu.memory_space<vmem>>
                tpu.enqueue_dma source(%dma_start3A_347 : memref<128xf32, #tpu.memory_space<vmem>>) target(%dma_start3A_344 : memref<128xf32, #tpu.memory_space<hbm>>) target_semaphore(%run_scoped3A_335 : memref<!tpu.dma_semaphore, #tpu.memory_space<semaphore_mem>>)
                %dma_wait3A_348 = arith.constant 0 : i32
                %dma_wait3A_349 = tpu.memref_slice %arg5[%run_scoped3A, %dma_wait3A_348] : memref<400x128xf32, #tpu.memory_space<vmem>> -> memref<1x128xf32, #tpu.memory_space<vmem>>
                %dma_wait3A_350 = tpu.memref_squeeze %dma_wait3A_349 : memref<1x128xf32, #tpu.memory_space<vmem>> -> memref<128xf32, #tpu.memory_space<vmem>>
                %dma_wait3A_351 = arith.constant 0 : i32
                %dma_wait3A_352 = tpu.memref_slice %arg4[%add3A_334, %dma_wait3A_351] : memref<819200x128xf32, #tpu.memory_space<hbm>> -> memref<1x128xf32, #tpu.memory_space<hbm>>
                %dma_wait3A_353 = tpu.memref_squeeze %dma_wait3A_352 : memref<1x128xf32, #tpu.memory_space<hbm>> -> memref<128xf32, #tpu.memory_space<hbm>>
                %dma_wait3A_354 = arith.constant 0 : i32
                %dma_wait3A_355 = tpu.memref_slice %arg4[%add3A_334, %dma_wait3A_354] : memref<819200x128xf32, #tpu.memory_space<hbm>> -> memref<1x128xf32, #tpu.memory_space<hbm>>
                %dma_wait3A_356 = tpu.memref_squeeze %dma_wait3A_355 : memref<1x128xf32, #tpu.memory_space<hbm>> -> memref<128xf32, #tpu.memory_space<hbm>>
                %dma_wait3A_357 = arith.constant 0 : i32
                %dma_wait3A_358 = tpu.memref_slice %arg5[%run_scoped3A, %dma_wait3A_357] : memref<400x128xf32, #tpu.memory_space<vmem>> -> memref<1x128xf32, #tpu.memory_space<vmem>>
                %dma_wait3A_359 = tpu.memref_squeeze %dma_wait3A_358 : memref<1x128xf32, #tpu.memory_space<vmem>> -> memref<128xf32, #tpu.memory_space<vmem>>
                tpu.wait_dma2 semaphore(%run_scoped3A_335 : memref<!tpu.dma_semaphore, #tpu.memory_space<semaphore_mem>>) src(%dma_wait3A_359 : memref<128xf32, #tpu.memory_space<vmem>>) dst(%dma_wait3A_356 : memref<128xf32, #tpu.memory_space<hbm>>)
                tpu.yield
              }) : () -> ()
            } else {
            }
            %slice3A_289 = vector.extract_strided_slice %get3A_218 {offsets = [10], sizes = [1], strides = [1]} : vector<16xi32> to vector<1xi32>
            %squeeze3A_290 = vector.extract %slice3A_289[0] : i32 from vector<1xi32>
            %eq3A_291 = arith.constant 0 : i32
            %eq3A_292 = arith.cmpi eq, %squeeze3A_290, %eq3A_291 : i32
            %convert_element_type3A_293 = arith.extui %eq3A_292 : i1 to i32
            %cond3A_294 = arith.constant 0 : i32
            %cond3A_295 = arith.cmpi ne, %convert_element_type3A_293, %cond3A_294 : i32
            scf.if %cond3A_295 {
              %add3A_332 = arith.addi %mul3A_2, %multiple_of3A_216 : i32
              %add3A_333 = arith.constant 10 : i32
              %add3A_334 = arith.addi %add3A_332, %add3A_333 : i32
              %run_scoped3A = arith.constant 0 : i32
              "tpu.region"() ({
                %run_scoped3A_335 = tpu.sem_alloc : memref<!tpu.dma_semaphore, #tpu.memory_space<semaphore_mem>>
                %dma_start3A_336 = arith.constant 0 : i32
                %dma_start3A_337 = tpu.memref_slice %arg5[%run_scoped3A, %dma_start3A_336] : memref<400x128xf32, #tpu.memory_space<vmem>> -> memref<1x128xf32, #tpu.memory_space<vmem>>
                %dma_start3A_338 = tpu.memref_squeeze %dma_start3A_337 : memref<1x128xf32, #tpu.memory_space<vmem>> -> memref<128xf32, #tpu.memory_space<vmem>>
                %dma_start3A_339 = arith.constant 0 : i32
                %dma_start3A_340 = tpu.memref_slice %arg4[%add3A_334, %dma_start3A_339] : memref<819200x128xf32, #tpu.memory_space<hbm>> -> memref<1x128xf32, #tpu.memory_space<hbm>>
                %dma_start3A_341 = tpu.memref_squeeze %dma_start3A_340 : memref<1x128xf32, #tpu.memory_space<hbm>> -> memref<128xf32, #tpu.memory_space<hbm>>
                %dma_start3A_342 = arith.constant 0 : i32
                %dma_start3A_343 = tpu.memref_slice %arg4[%add3A_334, %dma_start3A_342] : memref<819200x128xf32, #tpu.memory_space<hbm>> -> memref<1x128xf32, #tpu.memory_space<hbm>>
                %dma_start3A_344 = tpu.memref_squeeze %dma_start3A_343 : memref<1x128xf32, #tpu.memory_space<hbm>> -> memref<128xf32, #tpu.memory_space<hbm>>
                %dma_start3A_345 = arith.constant 0 : i32
                %dma_start3A_346 = tpu.memref_slice %arg5[%run_scoped3A, %dma_start3A_345] : memref<400x128xf32, #tpu.memory_space<vmem>> -> memref<1x128xf32, #tpu.memory_space<vmem>>
                %dma_start3A_347 = tpu.memref_squeeze %dma_start3A_346 : memref<1x128xf32, #tpu.memory_space<vmem>> -> memref<128xf32, #tpu.memory_space<vmem>>
                tpu.enqueue_dma source(%dma_start3A_347 : memref<128xf32, #tpu.memory_space<vmem>>) target(%dma_start3A_344 : memref<128xf32, #tpu.memory_space<hbm>>) target_semaphore(%run_scoped3A_335 : memref<!tpu.dma_semaphore, #tpu.memory_space<semaphore_mem>>)
                %dma_wait3A_348 = arith.constant 0 : i32
                %dma_wait3A_349 = tpu.memref_slice %arg5[%run_scoped3A, %dma_wait3A_348] : memref<400x128xf32, #tpu.memory_space<vmem>> -> memref<1x128xf32, #tpu.memory_space<vmem>>
                %dma_wait3A_350 = tpu.memref_squeeze %dma_wait3A_349 : memref<1x128xf32, #tpu.memory_space<vmem>> -> memref<128xf32, #tpu.memory_space<vmem>>
                %dma_wait3A_351 = arith.constant 0 : i32
                %dma_wait3A_352 = tpu.memref_slice %arg4[%add3A_334, %dma_wait3A_351] : memref<819200x128xf32, #tpu.memory_space<hbm>> -> memref<1x128xf32, #tpu.memory_space<hbm>>
                %dma_wait3A_353 = tpu.memref_squeeze %dma_wait3A_352 : memref<1x128xf32, #tpu.memory_space<hbm>> -> memref<128xf32, #tpu.memory_space<hbm>>
                %dma_wait3A_354 = arith.constant 0 : i32
                %dma_wait3A_355 = tpu.memref_slice %arg4[%add3A_334, %dma_wait3A_354] : memref<819200x128xf32, #tpu.memory_space<hbm>> -> memref<1x128xf32, #tpu.memory_space<hbm>>
                %dma_wait3A_356 = tpu.memref_squeeze %dma_wait3A_355 : memref<1x128xf32, #tpu.memory_space<hbm>> -> memref<128xf32, #tpu.memory_space<hbm>>
                %dma_wait3A_357 = arith.constant 0 : i32
                %dma_wait3A_358 = tpu.memref_slice %arg5[%run_scoped3A, %dma_wait3A_357] : memref<400x128xf32, #tpu.memory_space<vmem>> -> memref<1x128xf32, #tpu.memory_space<vmem>>
                %dma_wait3A_359 = tpu.memref_squeeze %dma_wait3A_358 : memref<1x128xf32, #tpu.memory_space<vmem>> -> memref<128xf32, #tpu.memory_space<vmem>>
                tpu.wait_dma2 semaphore(%run_scoped3A_335 : memref<!tpu.dma_semaphore, #tpu.memory_space<semaphore_mem>>) src(%dma_wait3A_359 : memref<128xf32, #tpu.memory_space<vmem>>) dst(%dma_wait3A_356 : memref<128xf32, #tpu.memory_space<hbm>>)
                tpu.yield
              }) : () -> ()
            } else {
            }
            %slice3A_296 = vector.extract_strided_slice %get3A_218 {offsets = [11], sizes = [1], strides = [1]} : vector<16xi32> to vector<1xi32>
            %squeeze3A_297 = vector.extract %slice3A_296[0] : i32 from vector<1xi32>
            %eq3A_298 = arith.constant 0 : i32
            %eq3A_299 = arith.cmpi eq, %squeeze3A_297, %eq3A_298 : i32
            %convert_element_type3A_300 = arith.extui %eq3A_299 : i1 to i32
            %cond3A_301 = arith.constant 0 : i32
            %cond3A_302 = arith.cmpi ne, %convert_element_type3A_300, %cond3A_301 : i32
            scf.if %cond3A_302 {
              %add3A_332 = arith.addi %mul3A_2, %multiple_of3A_216 : i32
              %add3A_333 = arith.constant 11 : i32
              %add3A_334 = arith.addi %add3A_332, %add3A_333 : i32
              %run_scoped3A = arith.constant 0 : i32
              "tpu.region"() ({
                %run_scoped3A_335 = tpu.sem_alloc : memref<!tpu.dma_semaphore, #tpu.memory_space<semaphore_mem>>
                %dma_start3A_336 = arith.constant 0 : i32
                %dma_start3A_337 = tpu.memref_slice %arg5[%run_scoped3A, %dma_start3A_336] : memref<400x128xf32, #tpu.memory_space<vmem>> -> memref<1x128xf32, #tpu.memory_space<vmem>>
                %dma_start3A_338 = tpu.memref_squeeze %dma_start3A_337 : memref<1x128xf32, #tpu.memory_space<vmem>> -> memref<128xf32, #tpu.memory_space<vmem>>
                %dma_start3A_339 = arith.constant 0 : i32
                %dma_start3A_340 = tpu.memref_slice %arg4[%add3A_334, %dma_start3A_339] : memref<819200x128xf32, #tpu.memory_space<hbm>> -> memref<1x128xf32, #tpu.memory_space<hbm>>
                %dma_start3A_341 = tpu.memref_squeeze %dma_start3A_340 : memref<1x128xf32, #tpu.memory_space<hbm>> -> memref<128xf32, #tpu.memory_space<hbm>>
                %dma_start3A_342 = arith.constant 0 : i32
                %dma_start3A_343 = tpu.memref_slice %arg4[%add3A_334, %dma_start3A_342] : memref<819200x128xf32, #tpu.memory_space<hbm>> -> memref<1x128xf32, #tpu.memory_space<hbm>>
                %dma_start3A_344 = tpu.memref_squeeze %dma_start3A_343 : memref<1x128xf32, #tpu.memory_space<hbm>> -> memref<128xf32, #tpu.memory_space<hbm>>
                %dma_start3A_345 = arith.constant 0 : i32
                %dma_start3A_346 = tpu.memref_slice %arg5[%run_scoped3A, %dma_start3A_345] : memref<400x128xf32, #tpu.memory_space<vmem>> -> memref<1x128xf32, #tpu.memory_space<vmem>>
                %dma_start3A_347 = tpu.memref_squeeze %dma_start3A_346 : memref<1x128xf32, #tpu.memory_space<vmem>> -> memref<128xf32, #tpu.memory_space<vmem>>
                tpu.enqueue_dma source(%dma_start3A_347 : memref<128xf32, #tpu.memory_space<vmem>>) target(%dma_start3A_344 : memref<128xf32, #tpu.memory_space<hbm>>) target_semaphore(%run_scoped3A_335 : memref<!tpu.dma_semaphore, #tpu.memory_space<semaphore_mem>>)
                %dma_wait3A_348 = arith.constant 0 : i32
                %dma_wait3A_349 = tpu.memref_slice %arg5[%run_scoped3A, %dma_wait3A_348] : memref<400x128xf32, #tpu.memory_space<vmem>> -> memref<1x128xf32, #tpu.memory_space<vmem>>
                %dma_wait3A_350 = tpu.memref_squeeze %dma_wait3A_349 : memref<1x128xf32, #tpu.memory_space<vmem>> -> memref<128xf32, #tpu.memory_space<vmem>>
                %dma_wait3A_351 = arith.constant 0 : i32
                %dma_wait3A_352 = tpu.memref_slice %arg4[%add3A_334, %dma_wait3A_351] : memref<819200x128xf32, #tpu.memory_space<hbm>> -> memref<1x128xf32, #tpu.memory_space<hbm>>
                %dma_wait3A_353 = tpu.memref_squeeze %dma_wait3A_352 : memref<1x128xf32, #tpu.memory_space<hbm>> -> memref<128xf32, #tpu.memory_space<hbm>>
                %dma_wait3A_354 = arith.constant 0 : i32
                %dma_wait3A_355 = tpu.memref_slice %arg4[%add3A_334, %dma_wait3A_354] : memref<819200x128xf32, #tpu.memory_space<hbm>> -> memref<1x128xf32, #tpu.memory_space<hbm>>
                %dma_wait3A_356 = tpu.memref_squeeze %dma_wait3A_355 : memref<1x128xf32, #tpu.memory_space<hbm>> -> memref<128xf32, #tpu.memory_space<hbm>>
                %dma_wait3A_357 = arith.constant 0 : i32
                %dma_wait3A_358 = tpu.memref_slice %arg5[%run_scoped3A, %dma_wait3A_357] : memref<400x128xf32, #tpu.memory_space<vmem>> -> memref<1x128xf32, #tpu.memory_space<vmem>>
                %dma_wait3A_359 = tpu.memref_squeeze %dma_wait3A_358 : memref<1x128xf32, #tpu.memory_space<vmem>> -> memref<128xf32, #tpu.memory_space<vmem>>
                tpu.wait_dma2 semaphore(%run_scoped3A_335 : memref<!tpu.dma_semaphore, #tpu.memory_space<semaphore_mem>>) src(%dma_wait3A_359 : memref<128xf32, #tpu.memory_space<vmem>>) dst(%dma_wait3A_356 : memref<128xf32, #tpu.memory_space<hbm>>)
                tpu.yield
              }) : () -> ()
            } else {
            }
            %slice3A_303 = vector.extract_strided_slice %get3A_218 {offsets = [12], sizes = [1], strides = [1]} : vector<16xi32> to vector<1xi32>
            %squeeze3A_304 = vector.extract %slice3A_303[0] : i32 from vector<1xi32>
            %eq3A_305 = arith.constant 0 : i32
            %eq3A_306 = arith.cmpi eq, %squeeze3A_304, %eq3A_305 : i32
            %convert_element_type3A_307 = arith.extui %eq3A_306 : i1 to i32
            %cond3A_308 = arith.constant 0 : i32
            %cond3A_309 = arith.cmpi ne, %convert_element_type3A_307, %cond3A_308 : i32
            scf.if %cond3A_309 {
              %add3A_332 = arith.addi %mul3A_2, %multiple_of3A_216 : i32
              %add3A_333 = arith.constant 12 : i32
              %add3A_334 = arith.addi %add3A_332, %add3A_333 : i32
              %run_scoped3A = arith.constant 0 : i32
              "tpu.region"() ({
                %run_scoped3A_335 = tpu.sem_alloc : memref<!tpu.dma_semaphore, #tpu.memory_space<semaphore_mem>>
                %dma_start3A_336 = arith.constant 0 : i32
                %dma_start3A_337 = tpu.memref_slice %arg5[%run_scoped3A, %dma_start3A_336] : memref<400x128xf32, #tpu.memory_space<vmem>> -> memref<1x128xf32, #tpu.memory_space<vmem>>
                %dma_start3A_338 = tpu.memref_squeeze %dma_start3A_337 : memref<1x128xf32, #tpu.memory_space<vmem>> -> memref<128xf32, #tpu.memory_space<vmem>>
                %dma_start3A_339 = arith.constant 0 : i32
                %dma_start3A_340 = tpu.memref_slice %arg4[%add3A_334, %dma_start3A_339] : memref<819200x128xf32, #tpu.memory_space<hbm>> -> memref<1x128xf32, #tpu.memory_space<hbm>>
                %dma_start3A_341 = tpu.memref_squeeze %dma_start3A_340 : memref<1x128xf32, #tpu.memory_space<hbm>> -> memref<128xf32, #tpu.memory_space<hbm>>
                %dma_start3A_342 = arith.constant 0 : i32
                %dma_start3A_343 = tpu.memref_slice %arg4[%add3A_334, %dma_start3A_342] : memref<819200x128xf32, #tpu.memory_space<hbm>> -> memref<1x128xf32, #tpu.memory_space<hbm>>
                %dma_start3A_344 = tpu.memref_squeeze %dma_start3A_343 : memref<1x128xf32, #tpu.memory_space<hbm>> -> memref<128xf32, #tpu.memory_space<hbm>>
                %dma_start3A_345 = arith.constant 0 : i32
                %dma_start3A_346 = tpu.memref_slice %arg5[%run_scoped3A, %dma_start3A_345] : memref<400x128xf32, #tpu.memory_space<vmem>> -> memref<1x128xf32, #tpu.memory_space<vmem>>
                %dma_start3A_347 = tpu.memref_squeeze %dma_start3A_346 : memref<1x128xf32, #tpu.memory_space<vmem>> -> memref<128xf32, #tpu.memory_space<vmem>>
                tpu.enqueue_dma source(%dma_start3A_347 : memref<128xf32, #tpu.memory_space<vmem>>) target(%dma_start3A_344 : memref<128xf32, #tpu.memory_space<hbm>>) target_semaphore(%run_scoped3A_335 : memref<!tpu.dma_semaphore, #tpu.memory_space<semaphore_mem>>)
                %dma_wait3A_348 = arith.constant 0 : i32
                %dma_wait3A_349 = tpu.memref_slice %arg5[%run_scoped3A, %dma_wait3A_348] : memref<400x128xf32, #tpu.memory_space<vmem>> -> memref<1x128xf32, #tpu.memory_space<vmem>>
                %dma_wait3A_350 = tpu.memref_squeeze %dma_wait3A_349 : memref<1x128xf32, #tpu.memory_space<vmem>> -> memref<128xf32, #tpu.memory_space<vmem>>
                %dma_wait3A_351 = arith.constant 0 : i32
                %dma_wait3A_352 = tpu.memref_slice %arg4[%add3A_334, %dma_wait3A_351] : memref<819200x128xf32, #tpu.memory_space<hbm>> -> memref<1x128xf32, #tpu.memory_space<hbm>>
                %dma_wait3A_353 = tpu.memref_squeeze %dma_wait3A_352 : memref<1x128xf32, #tpu.memory_space<hbm>> -> memref<128xf32, #tpu.memory_space<hbm>>
                %dma_wait3A_354 = arith.constant 0 : i32
                %dma_wait3A_355 = tpu.memref_slice %arg4[%add3A_334, %dma_wait3A_354] : memref<819200x128xf32, #tpu.memory_space<hbm>> -> memref<1x128xf32, #tpu.memory_space<hbm>>
                %dma_wait3A_356 = tpu.memref_squeeze %dma_wait3A_355 : memref<1x128xf32, #tpu.memory_space<hbm>> -> memref<128xf32, #tpu.memory_space<hbm>>
                %dma_wait3A_357 = arith.constant 0 : i32
                %dma_wait3A_358 = tpu.memref_slice %arg5[%run_scoped3A, %dma_wait3A_357] : memref<400x128xf32, #tpu.memory_space<vmem>> -> memref<1x128xf32, #tpu.memory_space<vmem>>
                %dma_wait3A_359 = tpu.memref_squeeze %dma_wait3A_358 : memref<1x128xf32, #tpu.memory_space<vmem>> -> memref<128xf32, #tpu.memory_space<vmem>>
                tpu.wait_dma2 semaphore(%run_scoped3A_335 : memref<!tpu.dma_semaphore, #tpu.memory_space<semaphore_mem>>) src(%dma_wait3A_359 : memref<128xf32, #tpu.memory_space<vmem>>) dst(%dma_wait3A_356 : memref<128xf32, #tpu.memory_space<hbm>>)
                tpu.yield
              }) : () -> ()
            } else {
            }
            %slice3A_310 = vector.extract_strided_slice %get3A_218 {offsets = [13], sizes = [1], strides = [1]} : vector<16xi32> to vector<1xi32>
            %squeeze3A_311 = vector.extract %slice3A_310[0] : i32 from vector<1xi32>
            %eq3A_312 = arith.constant 0 : i32
            %eq3A_313 = arith.cmpi eq, %squeeze3A_311, %eq3A_312 : i32
            %convert_element_type3A_314 = arith.extui %eq3A_313 : i1 to i32
            %cond3A_315 = arith.constant 0 : i32
            %cond3A_316 = arith.cmpi ne, %convert_element_type3A_314, %cond3A_315 : i32
            scf.if %cond3A_316 {
              %add3A_332 = arith.addi %mul3A_2, %multiple_of3A_216 : i32
              %add3A_333 = arith.constant 13 : i32
              %add3A_334 = arith.addi %add3A_332, %add3A_333 : i32
              %run_scoped3A = arith.constant 0 : i32
              "tpu.region"() ({
                %run_scoped3A_335 = tpu.sem_alloc : memref<!tpu.dma_semaphore, #tpu.memory_space<semaphore_mem>>
                %dma_start3A_336 = arith.constant 0 : i32
                %dma_start3A_337 = tpu.memref_slice %arg5[%run_scoped3A, %dma_start3A_336] : memref<400x128xf32, #tpu.memory_space<vmem>> -> memref<1x128xf32, #tpu.memory_space<vmem>>
                %dma_start3A_338 = tpu.memref_squeeze %dma_start3A_337 : memref<1x128xf32, #tpu.memory_space<vmem>> -> memref<128xf32, #tpu.memory_space<vmem>>
                %dma_start3A_339 = arith.constant 0 : i32
                %dma_start3A_340 = tpu.memref_slice %arg4[%add3A_334, %dma_start3A_339] : memref<819200x128xf32, #tpu.memory_space<hbm>> -> memref<1x128xf32, #tpu.memory_space<hbm>>
                %dma_start3A_341 = tpu.memref_squeeze %dma_start3A_340 : memref<1x128xf32, #tpu.memory_space<hbm>> -> memref<128xf32, #tpu.memory_space<hbm>>
                %dma_start3A_342 = arith.constant 0 : i32
                %dma_start3A_343 = tpu.memref_slice %arg4[%add3A_334, %dma_start3A_342] : memref<819200x128xf32, #tpu.memory_space<hbm>> -> memref<1x128xf32, #tpu.memory_space<hbm>>
                %dma_start3A_344 = tpu.memref_squeeze %dma_start3A_343 : memref<1x128xf32, #tpu.memory_space<hbm>> -> memref<128xf32, #tpu.memory_space<hbm>>
                %dma_start3A_345 = arith.constant 0 : i32
                %dma_start3A_346 = tpu.memref_slice %arg5[%run_scoped3A, %dma_start3A_345] : memref<400x128xf32, #tpu.memory_space<vmem>> -> memref<1x128xf32, #tpu.memory_space<vmem>>
                %dma_start3A_347 = tpu.memref_squeeze %dma_start3A_346 : memref<1x128xf32, #tpu.memory_space<vmem>> -> memref<128xf32, #tpu.memory_space<vmem>>
                tpu.enqueue_dma source(%dma_start3A_347 : memref<128xf32, #tpu.memory_space<vmem>>) target(%dma_start3A_344 : memref<128xf32, #tpu.memory_space<hbm>>) target_semaphore(%run_scoped3A_335 : memref<!tpu.dma_semaphore, #tpu.memory_space<semaphore_mem>>)
                %dma_wait3A_348 = arith.constant 0 : i32
                %dma_wait3A_349 = tpu.memref_slice %arg5[%run_scoped3A, %dma_wait3A_348] : memref<400x128xf32, #tpu.memory_space<vmem>> -> memref<1x128xf32, #tpu.memory_space<vmem>>
                %dma_wait3A_350 = tpu.memref_squeeze %dma_wait3A_349 : memref<1x128xf32, #tpu.memory_space<vmem>> -> memref<128xf32, #tpu.memory_space<vmem>>
                %dma_wait3A_351 = arith.constant 0 : i32
                %dma_wait3A_352 = tpu.memref_slice %arg4[%add3A_334, %dma_wait3A_351] : memref<819200x128xf32, #tpu.memory_space<hbm>> -> memref<1x128xf32, #tpu.memory_space<hbm>>
                %dma_wait3A_353 = tpu.memref_squeeze %dma_wait3A_352 : memref<1x128xf32, #tpu.memory_space<hbm>> -> memref<128xf32, #tpu.memory_space<hbm>>
                %dma_wait3A_354 = arith.constant 0 : i32
                %dma_wait3A_355 = tpu.memref_slice %arg4[%add3A_334, %dma_wait3A_354] : memref<819200x128xf32, #tpu.memory_space<hbm>> -> memref<1x128xf32, #tpu.memory_space<hbm>>
                %dma_wait3A_356 = tpu.memref_squeeze %dma_wait3A_355 : memref<1x128xf32, #tpu.memory_space<hbm>> -> memref<128xf32, #tpu.memory_space<hbm>>
                %dma_wait3A_357 = arith.constant 0 : i32
                %dma_wait3A_358 = tpu.memref_slice %arg5[%run_scoped3A, %dma_wait3A_357] : memref<400x128xf32, #tpu.memory_space<vmem>> -> memref<1x128xf32, #tpu.memory_space<vmem>>
                %dma_wait3A_359 = tpu.memref_squeeze %dma_wait3A_358 : memref<1x128xf32, #tpu.memory_space<vmem>> -> memref<128xf32, #tpu.memory_space<vmem>>
                tpu.wait_dma2 semaphore(%run_scoped3A_335 : memref<!tpu.dma_semaphore, #tpu.memory_space<semaphore_mem>>) src(%dma_wait3A_359 : memref<128xf32, #tpu.memory_space<vmem>>) dst(%dma_wait3A_356 : memref<128xf32, #tpu.memory_space<hbm>>)
                tpu.yield
              }) : () -> ()
            } else {
            }
            %slice3A_317 = vector.extract_strided_slice %get3A_218 {offsets = [14], sizes = [1], strides = [1]} : vector<16xi32> to vector<1xi32>
            %squeeze3A_318 = vector.extract %slice3A_317[0] : i32 from vector<1xi32>
            %eq3A_319 = arith.constant 0 : i32
            %eq3A_320 = arith.cmpi eq, %squeeze3A_318, %eq3A_319 : i32
            %convert_element_type3A_321 = arith.extui %eq3A_320 : i1 to i32
            %cond3A_322 = arith.constant 0 : i32
            %cond3A_323 = arith.cmpi ne, %convert_element_type3A_321, %cond3A_322 : i32
            scf.if %cond3A_323 {
              %add3A_332 = arith.addi %mul3A_2, %multiple_of3A_216 : i32
              %add3A_333 = arith.constant 14 : i32
              %add3A_334 = arith.addi %add3A_332, %add3A_333 : i32
              %run_scoped3A = arith.constant 0 : i32
              "tpu.region"() ({
                %run_scoped3A_335 = tpu.sem_alloc : memref<!tpu.dma_semaphore, #tpu.memory_space<semaphore_mem>>
                %dma_start3A_336 = arith.constant 0 : i32
                %dma_start3A_337 = tpu.memref_slice %arg5[%run_scoped3A, %dma_start3A_336] : memref<400x128xf32, #tpu.memory_space<vmem>> -> memref<1x128xf32, #tpu.memory_space<vmem>>
                %dma_start3A_338 = tpu.memref_squeeze %dma_start3A_337 : memref<1x128xf32, #tpu.memory_space<vmem>> -> memref<128xf32, #tpu.memory_space<vmem>>
                %dma_start3A_339 = arith.constant 0 : i32
                %dma_start3A_340 = tpu.memref_slice %arg4[%add3A_334, %dma_start3A_339] : memref<819200x128xf32, #tpu.memory_space<hbm>> -> memref<1x128xf32, #tpu.memory_space<hbm>>
                %dma_start3A_341 = tpu.memref_squeeze %dma_start3A_340 : memref<1x128xf32, #tpu.memory_space<hbm>> -> memref<128xf32, #tpu.memory_space<hbm>>
                %dma_start3A_342 = arith.constant 0 : i32
                %dma_start3A_343 = tpu.memref_slice %arg4[%add3A_334, %dma_start3A_342] : memref<819200x128xf32, #tpu.memory_space<hbm>> -> memref<1x128xf32, #tpu.memory_space<hbm>>
                %dma_start3A_344 = tpu.memref_squeeze %dma_start3A_343 : memref<1x128xf32, #tpu.memory_space<hbm>> -> memref<128xf32, #tpu.memory_space<hbm>>
                %dma_start3A_345 = arith.constant 0 : i32
                %dma_start3A_346 = tpu.memref_slice %arg5[%run_scoped3A, %dma_start3A_345] : memref<400x128xf32, #tpu.memory_space<vmem>> -> memref<1x128xf32, #tpu.memory_space<vmem>>
                %dma_start3A_347 = tpu.memref_squeeze %dma_start3A_346 : memref<1x128xf32, #tpu.memory_space<vmem>> -> memref<128xf32, #tpu.memory_space<vmem>>
                tpu.enqueue_dma source(%dma_start3A_347 : memref<128xf32, #tpu.memory_space<vmem>>) target(%dma_start3A_344 : memref<128xf32, #tpu.memory_space<hbm>>) target_semaphore(%run_scoped3A_335 : memref<!tpu.dma_semaphore, #tpu.memory_space<semaphore_mem>>)
                %dma_wait3A_348 = arith.constant 0 : i32
                %dma_wait3A_349 = tpu.memref_slice %arg5[%run_scoped3A, %dma_wait3A_348] : memref<400x128xf32, #tpu.memory_space<vmem>> -> memref<1x128xf32, #tpu.memory_space<vmem>>
                %dma_wait3A_350 = tpu.memref_squeeze %dma_wait3A_349 : memref<1x128xf32, #tpu.memory_space<vmem>> -> memref<128xf32, #tpu.memory_space<vmem>>
                %dma_wait3A_351 = arith.constant 0 : i32
                %dma_wait3A_352 = tpu.memref_slice %arg4[%add3A_334, %dma_wait3A_351] : memref<819200x128xf32, #tpu.memory_space<hbm>> -> memref<1x128xf32, #tpu.memory_space<hbm>>
                %dma_wait3A_353 = tpu.memref_squeeze %dma_wait3A_352 : memref<1x128xf32, #tpu.memory_space<hbm>> -> memref<128xf32, #tpu.memory_space<hbm>>
                %dma_wait3A_354 = arith.constant 0 : i32
                %dma_wait3A_355 = tpu.memref_slice %arg4[%add3A_334, %dma_wait3A_354] : memref<819200x128xf32, #tpu.memory_space<hbm>> -> memref<1x128xf32, #tpu.memory_space<hbm>>
                %dma_wait3A_356 = tpu.memref_squeeze %dma_wait3A_355 : memref<1x128xf32, #tpu.memory_space<hbm>> -> memref<128xf32, #tpu.memory_space<hbm>>
                %dma_wait3A_357 = arith.constant 0 : i32
                %dma_wait3A_358 = tpu.memref_slice %arg5[%run_scoped3A, %dma_wait3A_357] : memref<400x128xf32, #tpu.memory_space<vmem>> -> memref<1x128xf32, #tpu.memory_space<vmem>>
                %dma_wait3A_359 = tpu.memref_squeeze %dma_wait3A_358 : memref<1x128xf32, #tpu.memory_space<vmem>> -> memref<128xf32, #tpu.memory_space<vmem>>
                tpu.wait_dma2 semaphore(%run_scoped3A_335 : memref<!tpu.dma_semaphore, #tpu.memory_space<semaphore_mem>>) src(%dma_wait3A_359 : memref<128xf32, #tpu.memory_space<vmem>>) dst(%dma_wait3A_356 : memref<128xf32, #tpu.memory_space<hbm>>)
                tpu.yield
              }) : () -> ()
            } else {
            }
            %slice3A_324 = vector.extract_strided_slice %get3A_218 {offsets = [15], sizes = [1], strides = [1]} : vector<16xi32> to vector<1xi32>
            %squeeze3A_325 = vector.extract %slice3A_324[0] : i32 from vector<1xi32>
            %eq3A_326 = arith.constant 0 : i32
            %eq3A_327 = arith.cmpi eq, %squeeze3A_325, %eq3A_326 : i32
            %convert_element_type3A_328 = arith.extui %eq3A_327 : i1 to i32
            %cond3A_329 = arith.constant 0 : i32
            %cond3A_330 = arith.cmpi ne, %convert_element_type3A_328, %cond3A_329 : i32
            scf.if %cond3A_330 {
              %add3A_332 = arith.addi %mul3A_2, %multiple_of3A_216 : i32
              %add3A_333 = arith.constant 15 : i32
              %add3A_334 = arith.addi %add3A_332, %add3A_333 : i32
              %run_scoped3A = arith.constant 0 : i32
              "tpu.region"() ({
                %run_scoped3A_335 = tpu.sem_alloc : memref<!tpu.dma_semaphore, #tpu.memory_space<semaphore_mem>>
                %dma_start3A_336 = arith.constant 0 : i32
                %dma_start3A_337 = tpu.memref_slice %arg5[%run_scoped3A, %dma_start3A_336] : memref<400x128xf32, #tpu.memory_space<vmem>> -> memref<1x128xf32, #tpu.memory_space<vmem>>
                %dma_start3A_338 = tpu.memref_squeeze %dma_start3A_337 : memref<1x128xf32, #tpu.memory_space<vmem>> -> memref<128xf32, #tpu.memory_space<vmem>>
                %dma_start3A_339 = arith.constant 0 : i32
                %dma_start3A_340 = tpu.memref_slice %arg4[%add3A_334, %dma_start3A_339] : memref<819200x128xf32, #tpu.memory_space<hbm>> -> memref<1x128xf32, #tpu.memory_space<hbm>>
                %dma_start3A_341 = tpu.memref_squeeze %dma_start3A_340 : memref<1x128xf32, #tpu.memory_space<hbm>> -> memref<128xf32, #tpu.memory_space<hbm>>
                %dma_start3A_342 = arith.constant 0 : i32
                %dma_start3A_343 = tpu.memref_slice %arg4[%add3A_334, %dma_start3A_342] : memref<819200x128xf32, #tpu.memory_space<hbm>> -> memref<1x128xf32, #tpu.memory_space<hbm>>
                %dma_start3A_344 = tpu.memref_squeeze %dma_start3A_343 : memref<1x128xf32, #tpu.memory_space<hbm>> -> memref<128xf32, #tpu.memory_space<hbm>>
                %dma_start3A_345 = arith.constant 0 : i32
                %dma_start3A_346 = tpu.memref_slice %arg5[%run_scoped3A, %dma_start3A_345] : memref<400x128xf32, #tpu.memory_space<vmem>> -> memref<1x128xf32, #tpu.memory_space<vmem>>
                %dma_start3A_347 = tpu.memref_squeeze %dma_start3A_346 : memref<1x128xf32, #tpu.memory_space<vmem>> -> memref<128xf32, #tpu.memory_space<vmem>>
                tpu.enqueue_dma source(%dma_start3A_347 : memref<128xf32, #tpu.memory_space<vmem>>) target(%dma_start3A_344 : memref<128xf32, #tpu.memory_space<hbm>>) target_semaphore(%run_scoped3A_335 : memref<!tpu.dma_semaphore, #tpu.memory_space<semaphore_mem>>)
                %dma_wait3A_348 = arith.constant 0 : i32
                %dma_wait3A_349 = tpu.memref_slice %arg5[%run_scoped3A, %dma_wait3A_348] : memref<400x128xf32, #tpu.memory_space<vmem>> -> memref<1x128xf32, #tpu.memory_space<vmem>>
                %dma_wait3A_350 = tpu.memref_squeeze %dma_wait3A_349 : memref<1x128xf32, #tpu.memory_space<vmem>> -> memref<128xf32, #tpu.memory_space<vmem>>
                %dma_wait3A_351 = arith.constant 0 : i32
                %dma_wait3A_352 = tpu.memref_slice %arg4[%add3A_334, %dma_wait3A_351] : memref<819200x128xf32, #tpu.memory_space<hbm>> -> memref<1x128xf32, #tpu.memory_space<hbm>>
                %dma_wait3A_353 = tpu.memref_squeeze %dma_wait3A_352 : memref<1x128xf32, #tpu.memory_space<hbm>> -> memref<128xf32, #tpu.memory_space<hbm>>
                %dma_wait3A_354 = arith.constant 0 : i32
                %dma_wait3A_355 = tpu.memref_slice %arg4[%add3A_334, %dma_wait3A_354] : memref<819200x128xf32, #tpu.memory_space<hbm>> -> memref<1x128xf32, #tpu.memory_space<hbm>>
                %dma_wait3A_356 = tpu.memref_squeeze %dma_wait3A_355 : memref<1x128xf32, #tpu.memory_space<hbm>> -> memref<128xf32, #tpu.memory_space<hbm>>
                %dma_wait3A_357 = arith.constant 0 : i32
                %dma_wait3A_358 = tpu.memref_slice %arg5[%run_scoped3A, %dma_wait3A_357] : memref<400x128xf32, #tpu.memory_space<vmem>> -> memref<1x128xf32, #tpu.memory_space<vmem>>
                %dma_wait3A_359 = tpu.memref_squeeze %dma_wait3A_358 : memref<1x128xf32, #tpu.memory_space<vmem>> -> memref<128xf32, #tpu.memory_space<vmem>>
                tpu.wait_dma2 semaphore(%run_scoped3A_335 : memref<!tpu.dma_semaphore, #tpu.memory_space<semaphore_mem>>) src(%dma_wait3A_359 : memref<128xf32, #tpu.memory_space<vmem>>) dst(%dma_wait3A_356 : memref<128xf32, #tpu.memory_space<hbm>>)
                tpu.yield
              }) : () -> ()
            } else {
            }
            %scan3A_331 = arith.constant 0 : i32
            scf.yield %scan3A_331 : i32
          }
          %scan3A_210 = arith.constant 5 : i32
        } else {
        }
        %scan3A_203 = arith.constant 0 : i32
        scf.yield %scan3A_203 : i32
      }
      %scan3A_143 = arith.constant 5 : i32
      %scan3A_144 = arith.constant 0 : i32
      scf.yield %scan3A_144 : i32
    }
    %scan3A_125 = arith.constant 8 : i32
    return
  }
}

</mosaic_0001>

<sc_bundles>
// kernel: kernel.3.cloned.1.call-start
scs
__scs_entry_jumppad:
0x0: {  	(pc) =	sbr.rel $0x88, $3  }
0x1: {  	(tag) =	ssettag $0x0;
	lr =	simm.s32 $0x1  }
0x2: {  	[smem:$0x3FA0] =	sst lr;
	_ =	strace $0xD0000000  }
0x3: {  	_ = 	snop  }
0x4: {  	_ = 	snop  }
0x5: {  	_ = 	snop  }
0x6: {  	_ = 	snop  }
0x7: {  	_ = 	snop  }
__scs_overlays_trampoline_lowered:
0x8: {  	[smem:$0x3FAF] =	sst s0  }
0x9: {  	[smem:$0x3FB0] =	sst s1  }
0xa: {  	[smem:$0x3FB1] =	sst s2  }
0xb: {  	[smem:$0x3FB2] =	sst s3  }
0xc: {  	[smem:$0x3FB3] =	sst s4  }
0xd: {  	[smem:$0x3FB4] =	sst s5  }
0xe: {  	[smem:$0x3FB5] =	sst s6  }
0xf: {  	[smem:$0x3FB6] =	sst s7  }
0x10: {  	[smem:$0x3FB7] =	sst s8  }
0x11: {  	[smem:$0x3FB8] =	sst s9;
	s0 =	simm.s32 @!p0 $0x0  }
0x12: {  	s1 =	sld [smem:$0x3F9E];
	s0 =	simm.s32 @p0 $0x1  }
0x13: {  	[smem:$0x3FB9] =	sst s0;
	s0 =	simm.s32 @!p1 $0x0  }
0x14: {  	s2 =	sld [smem:$0x3F9D];
	s0 =	simm.s32 @p1 $0x1  }
0x15: {  	[smem:$0x3FBA] =	sst s0;
	s0 =	simm.s32 @!p2 $0x0  }
0x16: {  	s3 =	sld [smem:$0x3FDB];
	s0 =	simm.s32 @p2 $0x1  }
0x17: {  	s4 =	simm.s32 $0x1BF5;
	[smem:$0x3FBC] =	sst s0  }
0x18: {  	s0 =	sld [smem:$0x3F9F];
	_ =	swait.ge [sflag:s4], $0x0  }
0x19: {  	s7 =	sld [smem:$0x3FA0]  }
0x1a: {  	s8 =	sadd.s32 $0xFFFFE003, lr  }
0x1b: {  	s9 =	sadd.s32 $0xFFFFFEF7, lr;
	s5 =	simm.s32 $0xFFFFFFFF;
	p2 =	slt.u32 s8, $0xFFFFF086  }
0x1c: {  	p1 =	slt.u32 s9, $0xF7A;
	s5 =	simm.s32 @!p2 $0x0  }
0x1d: {  	s5 =	simm.s32 @p1 $0x1;
	p0 =	seq.s32 s7, s2  }
0x1e: {  	s7 =	smul.u32 @!p0 $0xF7A, s2;
	p2 =	seq.s32 @!p0 s5, $0x0  }
0x1f: {  	s9 =	smul.u32 $0xF7A, s1;
	s8 =	simm.s32 @!p0 $0x1BF5;
	p2 =	por !p2, p0  }
0x20: {  	[sflag:s8] =	ssyncset.s32 @!p0 $0xFFFFF086;
	s6 =	sadd.s32 @!p0 s3, s7;
	s7 =	simm.s32 @!p0 $0x108  }
0x21: {  	s3 =	sadd.s32 s3, s9;
	s6 =	sadd.s32 @!p0 $0x88, s6;
	s7 =	simm.s32 @p2 $0x1082  }
0x22: {  	[simem:s7], [sflag:s8] =	dma.local @!p0 [hbm:s6], $0xF7A  }
0x23: {  	s9 =	sor.u32 $0xD0000000, s2;
	s6 =	simm.s32 $0x108;
	_ =	swait.ge @!p0 [sflag:s8], $0x0  }
0x24: {  	s3 =	sadd.s32 $0x88, s3;
	s6 =	simm.s32 @!p1 $0x1082;
	[sflag:s4] =	ssyncset.s32 $0xFFFFF086  }
0x25: {  	[simem:s6], [sflag:s4] =	dma.local [hbm:s3], $0xF7A  }
0x26: {  	[smem:$0x3FA0] =	sst s1;
	(tag) =	ssettag s2;
	_ =	strace s9  }
0x27: {  	s1 =	sld [smem:$0x3FB0]  }
0x28: {  	s2 =	sld [smem:$0x3FB1]  }
0x29: {  	s4 =	sld [smem:$0x3FB3]  }
0x2a: {  	p0 =	seq.s32 s5, $0x0;
	s5 =	sld [smem:$0x3FB4]  }
0x2b: {  	s6 =	sld [smem:$0x3FB5]  }
0x2c: {  	s7 =	sld [smem:$0x3FB6]  }
0x2d: {  	s3 =	simm.s32 $0x108;
	s8 =	sld [smem:$0x3FB7]  }
0x2e: {  	s3 =	simm.s32 @!p0 $0x1082;
	s9 =	sld [smem:$0x3FB8]  }
0x2f: {  	lr =	sadd.s32 s0, s3;
	s0 =	sld [smem:$0x3FAF]  }
0x30: {  	s3 =	sld [smem:$0x3FB2]  }
0x31: {  	[smem:$0x3FBB] =	sst s10  }
0x32: {  	s10 =	sld [smem:$0x3FB9];
	_ =	sdelay $0x3  }
0x33: {  	p0 =	seq.s32 s10, $0x1;
	s10 =	sld [smem:$0x3FBB];
	_ =	sdelay $0x3  }
0x34: {  	[smem:$0x3FBB] =	sst s10  }
0x35: {  	s10 =	sld [smem:$0x3FBA];
	_ =	sdelay $0x3  }
0x36: {  	p1 =	seq.s32 s10, $0x1;
	s10 =	sld [smem:$0x3FBB];
	_ =	sdelay $0x3  }
0x37: {  	[smem:$0x3FBB] =	sst s10  }
0x38: {  	s10 =	sld [smem:$0x3FBC]  }
0x39: {  	_ = 	snop;
	(pc) =	sbr.ind lr, $3  }
0x3a: {  	_ = 	snop  }
0x3b: {  	_ = 	snop  }
0x3c: {  	p2 =	seq.s32 s10, $0x1;
	s10 =	sld [smem:$0x3FBB]  }
0x3d: {  	_ =	shalt  }
0x3e: {  	_ =	shalt  }
0x3f: {  	_ =	shalt  }
0x40: {  	_ =	shalt  }
0x41: {  	_ =	shalt  }
0x42: {  	_ =	shalt  }
0x43: {  	_ =	shalt  }
0x44: {  	_ =	shalt  }
0x45: {  	_ =	shalt  }
0x46: {  	_ =	shalt  }
0x47: {  	_ =	shalt  }
0x48: {  	_ =	shalt  }
0x49: {  	_ =	shalt  }
0x4a: {  	_ =	shalt  }
0x4b: {  	_ =	shalt  }
0x4c: {  	_ =	shalt  }
0x4d: {  	_ =	shalt  }
0x4e: {  	_ =	shalt  }
0x4f: {  	_ =	shalt  }
0x50: {  	_ =	shalt  }
0x51: {  	_ =	shalt  }
0x52: {  	_ =	shalt  }
0x53: {  	_ =	shalt  }
0x54: {  	_ =	shalt  }
0x55: {  	_ =	shalt  }
0x56: {  	_ =	shalt  }
0x57: {  	_ =	shalt  }
0x58: {  	_ =	shalt  }
0x59: {  	_ =	shalt  }
0x5a: {  	_ =	shalt  }
0x5b: {  	_ =	shalt  }
0x5c: {  	_ =	shalt  }
0x5d: {  	_ =	shalt  }
0x5e: {  	_ =	shalt  }
0x5f: {  	_ =	shalt  }
0x60: {  	_ =	shalt  }
0x61: {  	_ =	shalt  }
0x62: {  	_ =	shalt  }
0x63: {  	_ =	shalt  }
0x64: {  	_ =	shalt  }
0x65: {  	_ =	shalt  }
0x66: {  	_ =	shalt  }
0x67: {  	_ =	shalt  }
0x68: {  	_ =	shalt  }
0x69: {  	_ =	shalt  }
0x6a: {  	_ =	shalt  }
0x6b: {  	_ =	shalt  }
0x6c: {  	_ =	shalt  }
0x6d: {  	_ =	shalt  }
0x6e: {  	_ =	shalt  }
0x6f: {  	_ =	shalt  }
0x70: {  	_ =	shalt  }
0x71: {  	_ =	shalt  }
0x72: {  	_ =	shalt  }
0x73: {  	_ =	shalt  }
0x74: {  	_ =	shalt  }
0x75: {  	_ =	shalt  }
0x76: {  	_ =	shalt  }
0x77: {  	_ =	shalt  }
0x78: {  	_ =	shalt  }
0x79: {  	_ =	shalt  }
0x7a: {  	_ =	shalt  }
0x7b: {  	_ =	shalt  }
0x7c: {  	_ =	shalt  }
0x7d: {  	_ =	shalt  }
0x7e: {  	_ =	shalt  }
0x7f: {  	_ =	shalt  }
0x80: {  	_ =	shalt  }
0x81: {  	_ =	shalt  }
0x82: {  	_ =	shalt  }
0x83: {  	_ =	shalt  }
0x84: {  	_ =	shalt  }
0x85: {  	_ =	shalt  }
0x86: {  	_ =	shalt  }
0x87: {  	_ =	shalt  }
.Lfunc_end0:
.L_simem_size_0:
called_computation_lowered:
.L_overlay_start_0:
0x88: {  	s2 =	sld [smem:$0x3FD9]  }
0x89: {  	s3 =	sld [smem:$0x3FFE];
	_ =	sdelay $0x1  }
0x8a: {  	s1 =	srdreg.scid  }
0x8b: {  	s0 =	sand.u32 $0x1, s1  }
0x8c: {  	s17 =	sshll.u32 s0, $0xA;
	s2 =	sadd.s32 s3, s2  }
0x8d: {  	s2 =	sadd.s32 s2, s17  }
0x8e: {  	[smem:$0x3FC7] =	sst s2  }
0x8f: {  	_ = 	snop  }
0x90: {  	s2 =	sld [smem:$0x3FD0];
	(tm) =	ssettm $0x1  }
0x91: {  	s18 =	sld [smem:$0x3FFB];
	_ =	sdelay $0x3  }
0x92: {  	_ =	strace s18  }
0x93: {  	s3 =	sld [smem:$0x3FFC];
	_ =	sdelay $0x3  }
0x94: {  	_ =	strace s3  }
0x95: {  	s3 =	sld [smem:$0x3FFD];
	_ =	sdelay $0x3  }
0x96: {  	_ =	strace s3  }
0x97: {  	_ =	strace $0x8FFFFFFF  }
0x98: {  	s19 =	sld [smem:$0x3FDB];
	_ =	sdelay $0x1  }
0x99: {  	s4 =	simm.s32 $_scs_section_size  }
0x9a: {  	s5 =	simm.s32 $_size__tile_overlayer_lowered;
	s6 =	simm.s32 $_tile_overlayer_lowered  }
0x9b: {  	s22 =	simm.s32 $0x1BFF;
	s21 =	sshll.u32 s6, $0x1;
	s3 =	sadd.s32 s4, s19  }
0x9c: {  	s7 =	simm.s32 $0x0;
	s20 =	sshll.u32 s5, $0x1;
	s5 =	sadd.s32 s21, s3  }
0x9d: {  	[timem:s7], [sflag:s22] =	dma.local [hbm:s5], s20  }
0x9e: {  	_ =	swait.ge [sflag:s22], s20  }
0x9f: {  	s4 =	ssub.s32 $0x0, s20;
	[sflag:s22] =	ssyncset.done $0x0  }
0xa0: {  	[sflag:s22] =	ssyncadd.s32 s4;
	_ =	sdelay $0x1  }
0xa1: {  	s23 =	simm.s32 $0x1B8B  }
0xa2: {  	_ =	swait.ge [sflag:s23], $0x1  }
0xa3: {  	[sflag:s23] =	ssyncset.done $0x0  }
0xa4: {  	s25 =	simm.s32 $0x1B8E;
	s24 =	sld [smem:$0x3FFE];
	[sflag:s23] =	ssyncadd.s32 $0xFFFFFFFF  }
0xa5: {  	s26 =	simm.s32 $execute0_lowered;
	[smem:$0x3FD2] =	sst s25  }
0xa6: {  	s5 =	sshll.u32 s26, $0x1;
	_ =	strace $0x80000046;
	[dreg:$0x1] =	wrdreg $0xFFFFFFFF  }
0xa7: {  	s28 =	simm.s32 $_size_execute0_lowered;
	s3 =	sadd.s32 s3, s5;
	[dreg:$0x0] =	wrdreg $0x0  }
0xa8: {  	s5 =	sshll.u32 s28, $0x1;
	[dreg:$0x2] =	wrdreg s3  }
0xa9: {  	[dreg:$0x3] =	wrdreg s5  }
0xaa: {  	[dreg:$0x4] =	wrdreg $0xC0  }
0xab: {  	_ =	task [dreg:s7], $0x5FFFF  }
0xac: {  	[dreg:$0x1] =	wrdreg $0xFFFFFFFF  }
0xad: {  	[dreg:$0x0] =	wrdreg $0x60  }
0xae: {  	[dreg:$0x2] =	wrdreg s24  }
0xaf: {  	[dreg:$0x3] =	wrdreg s2  }
0xb0: {  	[dreg:$0x4] =	wrdreg $0x9  }
0xb1: {  	_ =	task.clear_ibuf [dreg:s7], $0x5FFFF;
	_ =	strace $0x90000046  }
0xb2: {  	s29 =	simm.s32 $0x9;
	_ =	strace $0x80000048  }
0xb3: {  	_ =	swait.ge [sflag:s29], $0x1  }
0xb4: {  	[sflag:s29] =	ssyncadd.s32 $0xFFFFFFFF  }
0xb5: {  	_ =	strace $0x90000048  }
0xb6: {  	_ =	sfence  }
0xb7: {  	s30 =	sld [smem:$0x0];
	_ =	sdelay $0x2  }
0xb8: {  	s31 =	sshll.u32 s1, $0xD;
	s1 =	sshrl.u32 s1, $0x2  }
0xb9: {  	s3 =	sand.u32 $0x4000, s31;
	s1 =	sadd.s32 s1, s30  }
0xba: {  	s0 =	sor.u32 s3, s0;
	s1 =	sshll.u32 s1, $0x11  }
0xbb: {  	s0 =	sor.u32 s1, s0  }
0xbc: {  	s0 =	sadd.s32 $0x8F2B, s0  }
0xbd: {  	[sflag:s0] =	ssyncadd.remote.s32 $0x1  }
0xbe: {  	_ =	sfence.sel $0xFFFF  }
0xbf: {  	[dreg:$0x0] =	wrdreg $0xFFFFFFFF;
	(pc) =	sbr.abs _section_cstart, $3  }
0xc0: {  	[dreg:$0x1] =	wrdreg $0xFFFFFFFF  }
0xc1: {  	_ =	task.clear_ibuf [dreg:s7], $0x2FFFF;
	_ =	strace $0x9FFFFFFF  }
0xc2: {  	(tm) =	ssettm $0x7FFFFFFF  }
0xc3: {  	_ =	shalt  }
tec
execute0_lowered:
.L_overlay_start_1:
0x0: {  	(tag) =	ssettag $0x1  }
0x1: {  	s0 =	rddreg [dreg:$0x0]  }
0x2: {  	s1 =	srdreg.scid;
	s13 =	stileid.u32  }
0x3: {  	s2 =	rddreg [dreg:$0x1];
	s15 =	smul.u32 $0xC800, s13  }
0x4: {  	s3 =	simm.s32 $0x0;
	s1 =	sand.u32 $0x1, s1;
	s17 =	smul.u32 $0xC8000, s13  }
0x5: {  	s19 =	simm.s32 $0x1;
	s4 =	sshll.u32 s13, $0x1;
	s16 =	smul.u32 $0x6400, s1  }
0x6: {  	s5 =	sor.u32 s1, s4;
	s6 =	ssub.s32 $0x2, s1;
	s1 =	smul.u32 $0x64000, s1  }
0x7: {  	s20 =	simm.s32 $0x2;
	[smem:$0x7FF] =	sst s3;
	s4 =	smul.u32 $0x6400, s5  }
0x8: {  	s21 =	simm.s32 $0x9;
	_ =	strace $0x80000047;
	s7 =	smul.u32 $0x64000, s5  }
0x9: {  	s9 =	sshrl.u32 s6, $0x1;
	s10 =	smul.u32 $0x320000, s5;
	s5 =	sadd.s32 $0x19600, s0  }
0xa: {  	s29 =	sadd.s32 s17, s2;
	s22 =	ssub.s32 s6, s9;
	s15 =	sadd.s32 s16, s15  }
0xb: {  	s16 =	sadd.s32 s1, s29;
	s8 =	sshrl.u32 s4, $0x3;
	s7 =	sadd.s32 s2, s7  }
0xc: {  	s24 =	sshrl.u32 s10, $0x3;
	s30 =	sshll.u32 s15, $0x4;
	s15 =	smax.u32 s22, $0x1  }
0xd: {  	s22 =	simm.s32 $0x0;
	s8 =	sadd.s32 s8, s0;
	s25 =	sadd.s32 $0x1900, s7  }
.Ltmp0:
0xe: {  	s14 =	sadd.s32 s2, s24;
	s26 =	sadd.s32 $0x3200, s7;
	(pc) =	sbr.rel .LBB2_1-.Ltmp0, $4  }
0xf: {  	s31 =	sadd.s32 s2, s30;
	s23 =	sadd.s32 $0x600, s8;
	[dreg:$0x4] =	wrdreg s25  }
0x10: {  	[dreg:$0x5] =	wrdreg s26;
	s28 =	sadd.s32 $0x4B00, s14;
	s11 =	sadd.s32 $0x6400, s14  }
0x11: {  	s12 =	sadd.s32 $0x7D00, s14;
	s13 =	sadd.s32 $0x9600, s14;
	[dreg:$0x3] =	wrdreg s23  }
0x12: {  	s14 =	sadd.s32 $0xAF00, s14;
	s17 =	sadd.s32 $0x57800, s31;
	[dreg:$0x6] =	wrdreg s28  }
.LBB2_17:
0x13: {  	s22 =	sadd.s32 $0x1, s22  }
0x14: {  	p0 =	sne.s32 s22, s15  }
.Ltmp1:
0x15: {  	_ = 	snop;
	(pc) =	sbr.rel @!p0 .LBB2_18-.Ltmp1, $1  }
0x16: {  	_ =	sdelay $0x3  }
.LBB2_1:
0x17: {  	s0 =	simm.s32 $0xC800;
	s1 =	rddreg [dreg:$0x3]  }
0x18: {  	[tilespmem:s0], [sflag:$0x9] =	stream.linear.gather [hbm4b:s1+s3], $0x6400, $0x38;
	[tilespmem:$0x12C00] =	vst v63  }
0x19: {  	_ = 	snop  }
0x1a: {  	[tilespmem:s3], [sflag:$0x1] =	stream.linear.gather [hbm4b:s5+s3], $0x6400, $0x38;
	[tilespmem:$0x12C00] =	vst v63  }
0x1b: {  	s28 =	simm.s32 $0x6400  }
0x1c: {  	[tilespmem:s28], [sflag:$0x2] =	stream.linear.gather [hbm4b:s5+s3], $0x6400, $0x38;
	[tilespmem:$0x12C00] =	vst v63  }
0x1d: {  	_ =	swait.ge [sflag:s19], $0x6400  }
0x1e: {  	[sflag:s19] =	ssyncset.done $0x0  }
0x1f: {  	[sflag:s19] =	ssyncadd.s32 $0xFFFF9C00  }
0x20: {  	_ =	swait.ge [sflag:s20], $0x6400  }
0x21: {  	[sflag:s20] =	ssyncset.done $0x0  }
0x22: {  	[sflag:s20] =	ssyncadd.s32 $0xFFFF9C00  }
0x23: {  	[hbm4b:s7+s3] =	stream.linear.scatter [tilespmem:s3], [sflag:$0x1], $0xC800, $0x38;
	[tilespmem:$0x12C00] =	vst v63  }
0x24: {  	s29 =	rddreg [dreg:$0x4]  }
0x25: {  	[hbm4b:s29+s3] =	stream.linear.scatter [tilespmem:s3], [sflag:$0x2], $0xC800, $0x38;
	[tilespmem:$0x12C00] =	vst v63  }
0x26: {  	s30 =	rddreg [dreg:$0x5]  }
0x27: {  	[hbm4b:s30+s3] =	stream.linear.scatter [tilespmem:s3], [sflag:$0x3], $0xC800, $0x38;
	[tilespmem:$0x12C00] =	vst v63  }
0x28: {  	s31 =	rddreg [dreg:$0x6]  }
0x29: {  	[hbm4b:s31+s3] =	stream.linear.scatter [tilespmem:s3], [sflag:$0x4], $0xC800, $0x38;
	[tilespmem:$0x12C00] =	vst v63  }
0x2a: {  	_ = 	snop  }
0x2b: {  	[hbm4b:s11+s3] =	stream.linear.scatter [tilespmem:s3], [sflag:$0x5], $0xC800, $0x38;
	[tilespmem:$0x12C00] =	vst v63  }
0x2c: {  	_ = 	snop  }
0x2d: {  	[hbm4b:s12+s3] =	stream.linear.scatter [tilespmem:s3], [sflag:$0x6], $0xC800, $0x38;
	[tilespmem:$0x12C00] =	vst v63  }
0x2e: {  	_ = 	snop  }
0x2f: {  	[hbm4b:s13+s3] =	stream.linear.scatter [tilespmem:s3], [sflag:$0x7], $0xC800, $0x38;
	[tilespmem:$0x12C00] =	vst v63  }
.Ltmp2:
0x30: {  	_ = 	snop;
	(pc) =	sbr.rel .LBB2_2-.Ltmp2, $4  }
0x31: {  	[hbm4b:s14+s3] =	stream.linear.scatter [tilespmem:s3], [sflag:$0x8], $0xC800, $0x38;
	[tilespmem:$0x12C00] =	vst v63  }
0x32: {  	_ =	swait.ge [sflag:s21], $0x6400  }
0x33: {  	[sflag:s21] =	ssyncset.done $0x0  }
0x34: {  	s24 =	simm.s32 $0x8;
	s25 =	smov.u32 s16;
	[sflag:s21] =	ssyncadd.s32 $0xFFFF9C00  }
.LBB2_8:
0x35: {  	s24 =	sadd.s32 $0x1, s24  }
0x36: {  	p0 =	sne.s32 s24, $0x40  }
.Ltmp3:
0x37: {  	_ = 	snop;
	(pc) =	sbr.rel @!p0 .LBB2_9-.Ltmp3, $4  }
0x38: {  	s1 =	sadd.s32 s4, s28  }
0x39: {  	s1 =	sshll.u32 s1, $0x4  }
0x3a: {  	s0 =	sadd.s32 $0x190, s0;
	s25 =	sadd.s32 $0x1900, s25;
	s1 =	sadd.s32 s2, s1  }
0x3b: {  	[hbm4b:s1+s3] =	stream.linear.scatter [tilespmem:s3], [sflag:s26], $0xC800, $0x38;
	[tilespmem:$0x12C00] =	vst v63  }
.LBB2_2:
.Ltmp4:
0x3c: {  	s1 =	sand.u32 $0x7, s24;
	(pc) =	sbr.rel .LBB2_3-.Ltmp4, $4  }
0x3d: {  	s28 =	smul.u32 $0x190, s24;
	s26 =	sadd.s32 $0x1, s1  }
0x3e: {  	_ =	swait.ge [sflag:s26], $0xC800  }
0x3f: {  	s29 =	simm.s32 $0x0;
	s31 =	sadd.s32 $0xFFFFF380, s28;
	[sflag:s26] =	ssyncset.done $0x0  }
0x40: {  	s30 =	smov.u32 s25;
	s23 =	smov.u32 s0;
	v0 =	vmov s31;
	[sflag:s26] =	ssyncadd.s32 $0xFFFF3800  }
.LBB2_6:
0x41: {  	[sflag:s18] =	ssyncadd.s32 @!p1 $0xFFFFFF80  }
.LBB2_7:
0x42: {  	s29 =	sadd.s32 $0x1, s29  }
0x43: {  	p0 =	sne.s32 s29, $0x5  }
.Ltmp5:
0x44: {  	_ = 	snop;
	(pc) =	sbr.rel @!p0 .LBB2_8-.Ltmp5, $2  }
0x45: {  	_ =	sdelay $0x2  }
0x46: {  	s23 =	sadd.s32 $0x50, s23;
	s30 =	sadd.s32 $0x500, s30  }
.LBB2_3:
0x47: {  	_ =	sdelay $0x1  }
0x48: {  	s1 =	smul.u32 $0x50, s29;
	_ =	sdelay $0x1  }
0x49: {  	v1 =	vld.idx.msk [tilespmem:v0+s1+$0xC800 ss:$0x1], $0xffff  }
0x4a: {  	v2 =	vld.idx.msk [tilespmem:v0+s1+$0xC810 ss:$0x1], $0xffff  }
0x4b: {  	v3 =	vld.idx.msk [tilespmem:v0+s1+$0xC820 ss:$0x1], $0xffff  }
0x4c: {  	v4 =	vld.idx.msk [tilespmem:v0+s1+$0xC830 ss:$0x1], $0xffff  }
0x4d: {  	v5 =	vld.idx.msk [tilespmem:v0+s1+$0xC840 ss:$0x1], $0xffff;
	_ =	sdelay $0x1  }
0x4e: {  	v1 =	vmin.u32 v1, v2  }
0x4f: {  	v1 =	vmin.u32 v1, v3  }
0x50: {  	v1 =	vmin.u32 v1, v4  }
0x51: {  	v1 =	vmin.u32 v1, v5  }
0x52: {  	(v2sf) =	vpush v1, $0x0  }
0x53: {  	(v2sf) =	vpush v1, $0x1  }
0x54: {  	(v2sf) =	vpush v1, $0x2  }
0x55: {  	(v2sf) =	vpush v1, $0x3  }
0x56: {  	(v2sf) =	vpush v1, $0x4  }
0x57: {  	(v2sf) =	vpush v1, $0x5  }
0x58: {  	(v2sf) =	vpush v1, $0x6  }
0x59: {  	(v2sf) =	vpush v1, $0x7  }
0x5a: {  	(v2sf) =	vpush v1, $0x8  }
0x5b: {  	(v2sf) =	vpush v1, $0x9  }
0x5c: {  	(v2sf) =	vpush v1, $0xA  }
0x5d: {  	(v2sf) =	vpush v1, $0xB  }
0x5e: {  	(v2sf) =	vpush v1, $0xC  }
0x5f: {  	(v2sf) =	vpush v1, $0xD  }
0x60: {  	(v2sf) =	vpush v1, $0xE  }
0x61: {  	s6 =	spop (v2sf);
	(v2sf) =	vpush v1, $0xF  }
0x62: {  	s18 =	spop (v2sf)  }
0x63: {  	s1 =	smin.u32 s6, s18;
	s8 =	spop (v2sf)  }
0x64: {  	s1 =	smin.u32 s1, s8;
	s9 =	spop (v2sf)  }
0x65: {  	s1 =	smin.u32 s1, s9;
	s10 =	spop (v2sf)  }
0x66: {  	s1 =	smin.u32 s1, s10;
	s31 =	spop (v2sf)  }
0x67: {  	s1 =	smin.u32 s1, s31;
	s6 =	spop (v2sf)  }
0x68: {  	s1 =	smin.u32 s1, s6;
	s8 =	spop (v2sf)  }
0x69: {  	s1 =	smin.u32 s1, s8;
	s9 =	spop (v2sf)  }
0x6a: {  	s1 =	smin.u32 s1, s9;
	s10 =	spop (v2sf)  }
0x6b: {  	s1 =	smin.u32 s1, s10;
	s31 =	spop (v2sf)  }
0x6c: {  	s1 =	smin.u32 s1, s31;
	s6 =	spop (v2sf)  }
0x6d: {  	s1 =	smin.u32 s1, s6;
	s8 =	spop (v2sf)  }
0x6e: {  	s1 =	smin.u32 s1, s8;
	s9 =	spop (v2sf)  }
0x6f: {  	s1 =	smin.u32 s1, s9;
	s10 =	spop (v2sf)  }
0x70: {  	s1 =	smin.u32 s1, s10;
	s31 =	spop (v2sf)  }
0x71: {  	s1 =	smin.u32 s1, s31  }
0x72: {  	p0 =	sne.s32 s1, $0x0  }
.Ltmp6:
0x73: {  	_ = 	snop;
	(pc) =	sbr.rel @p0 .LBB2_7-.Ltmp6, $1  }
0x74: {  	_ =	sdelay $0x3  }
0x75: {  	v1 =	vld [tilespmem:s23+$0x0];
	_ =	sdelay $0x4  }
0x76: {  	(v2sf) =	vpush v1, $0x0  }
0x77: {  	(v2sf) =	vpush v1, $0x1;
	_ =	sdelay $0x4  }
0x78: {  	(v2sf) =	vpush v1, $0x2;
	_ =	sdelay $0x3  }
0x79: {  	(v2sf) =	vpush v1, $0x3;
	_ =	sdelay $0x3  }
0x7a: {  	(v2sf) =	vpush v1, $0x4  }
0x7b: {  	s1 =	spop (v2sf)  }
0x7c: {  	p1 =	sne.s32 s1, $0x0;
	s8 =	spop (v2sf)  }
0x7d: {  	s18 =	sadd.s32 @!p1 $0x0, s30;
	s31 =	simm.s32 @!p1 $0x0;
	s6 =	simm.s32 @!p1 $0xB  }
0x7e: {  	(v2sf) =	vpush v1, $0x5;
	[hbm4b:s18+s31] =	stream.linear.scatter @!p1 [tilespmem:s31], [sflag:$0xB], $0x80, $0x38;
	[tilespmem:$0x12C00] =	vst v63  }
0x7f: {  	p0 =	sne.s32 s8, $0x0;
	_ =	swait.ge @!p1 [sflag:s6], $0x80  }
0x80: {  	s18 =	sadd.s32 @!p0 $0x0, s30;
	[sflag:s6] =	ssyncset.done @!p1 $0x0  }
0x81: {  	s31 =	simm.s32 @!p0 $0xB;
	s9 =	spop (v2sf);
	[sflag:s6] =	ssyncadd.s32 @!p1 $0xFFFFFF80  }
0x82: {  	(v2sf) =	vpush v1, $0x6;
	s6 =	sadd.s32 @!p0 $0x10, s18;
	s18 =	simm.s32 @!p0 $0x0;
	p1 =	sne.s32 s9, $0x0  }
0x83: {  	[hbm4b:s6+s18] =	stream.linear.scatter @!p0 [tilespmem:s18], [sflag:$0xB], $0x80, $0x38;
	[tilespmem:$0x12C00] =	vst v63  }
0x84: {  	s6 =	sadd.s32 @!p1 $0x0, s30;
	s18 =	simm.s32 @!p1 $0xB;
	_ =	swait.ge @!p0 [sflag:s31], $0x80  }
0x85: {  	s6 =	sadd.s32 @!p1 $0x20, s6;
	s10 =	spop (v2sf);
	[sflag:s31] =	ssyncset.done @!p0 $0x0  }
0x86: {  	(v2sf) =	vpush v1, $0x7;
	[sflag:s31] =	ssyncadd.s32 @!p0 $0xFFFFFF80;
	s31 =	simm.s32 @!p1 $0x0;
	p0 =	sne.s32 s10, $0x0  }
0x87: {  	[hbm4b:s6+s31] =	stream.linear.scatter @!p1 [tilespmem:s31], [sflag:$0xB], $0x80, $0x38;
	[tilespmem:$0x12C00] =	vst v63  }
0x88: {  	s6 =	sadd.s32 @!p0 $0x0, s30;
	s31 =	simm.s32 @!p0 $0xB;
	_ =	swait.ge @!p1 [sflag:s18], $0x80  }
0x89: {  	s6 =	sadd.s32 @!p0 $0x30, s6;
	s8 =	spop (v2sf);
	[sflag:s18] =	ssyncset.done @!p1 $0x0  }
0x8a: {  	(v2sf) =	vpush v1, $0x8;
	[sflag:s18] =	ssyncadd.s32 @!p1 $0xFFFFFF80;
	s18 =	simm.s32 @!p0 $0x0;
	p1 =	sne.s32 s8, $0x0  }
0x8b: {  	[hbm4b:s6+s18] =	stream.linear.scatter @!p0 [tilespmem:s18], [sflag:$0xB], $0x80, $0x38;
	[tilespmem:$0x12C00] =	vst v63  }
0x8c: {  	s6 =	sadd.s32 @!p1 $0x0, s30;
	s18 =	simm.s32 @!p1 $0xB;
	_ =	swait.ge @!p0 [sflag:s31], $0x80  }
0x8d: {  	s6 =	sadd.s32 @!p1 $0x40, s6;
	s9 =	spop (v2sf);
	[sflag:s31] =	ssyncset.done @!p0 $0x0  }
0x8e: {  	(v2sf) =	vpush v1, $0x9;
	[sflag:s31] =	ssyncadd.s32 @!p0 $0xFFFFFF80;
	s31 =	simm.s32 @!p1 $0x0;
	p0 =	sne.s32 s9, $0x0  }
0x8f: {  	[hbm4b:s6+s31] =	stream.linear.scatter @!p1 [tilespmem:s31], [sflag:$0xB], $0x80, $0x38;
	[tilespmem:$0x12C00] =	vst v63  }
0x90: {  	s6 =	sadd.s32 @!p0 $0x0, s30;
	s31 =	simm.s32 @!p0 $0xB;
	_ =	swait.ge @!p1 [sflag:s18], $0x80  }
0x91: {  	s6 =	sadd.s32 @!p0 $0x50, s6;
	s10 =	spop (v2sf);
	[sflag:s18] =	ssyncset.done @!p1 $0x0  }
0x92: {  	(v2sf) =	vpush v1, $0xA;
	[sflag:s18] =	ssyncadd.s32 @!p1 $0xFFFFFF80;
	s18 =	simm.s32 @!p0 $0x0;
	p1 =	sne.s32 s10, $0x0  }
0x93: {  	[hbm4b:s6+s18] =	stream.linear.scatter @!p0 [tilespmem:s18], [sflag:$0xB], $0x80, $0x38;
	[tilespmem:$0x12C00] =	vst v63  }
0x94: {  	s6 =	sadd.s32 @!p1 $0x0, s30;
	s18 =	simm.s32 @!p1 $0xB;
	_ =	swait.ge @!p0 [sflag:s31], $0x80  }
0x95: {  	s6 =	sadd.s32 @!p1 $0x60, s6;
	s8 =	spop (v2sf);
	[sflag:s31] =	ssyncset.done @!p0 $0x0  }
0x96: {  	(v2sf) =	vpush v1, $0xB;
	[sflag:s31] =	ssyncadd.s32 @!p0 $0xFFFFFF80;
	s31 =	simm.s32 @!p1 $0x0;
	p0 =	sne.s32 s8, $0x0  }
0x97: {  	[hbm4b:s6+s31] =	stream.linear.scatter @!p1 [tilespmem:s31], [sflag:$0xB], $0x80, $0x38;
	[tilespmem:$0x12C00] =	vst v63  }
0x98: {  	s6 =	sadd.s32 @!p0 $0x0, s30;
	s31 =	simm.s32 @!p0 $0xB;
	_ =	swait.ge @!p1 [sflag:s18], $0x80  }
0x99: {  	s6 =	sadd.s32 @!p0 $0x70, s6;
	s9 =	spop (v2sf);
	[sflag:s18] =	ssyncset.done @!p1 $0x0  }
0x9a: {  	(v2sf) =	vpush v1, $0xC;
	[sflag:s18] =	ssyncadd.s32 @!p1 $0xFFFFFF80;
	s18 =	simm.s32 @!p0 $0x0;
	p1 =	sne.s32 s9, $0x0  }
0x9b: {  	[hbm4b:s6+s18] =	stream.linear.scatter @!p0 [tilespmem:s18], [sflag:$0xB], $0x80, $0x38;
	[tilespmem:$0x12C00] =	vst v63  }
0x9c: {  	s6 =	sadd.s32 @!p1 $0x0, s30;
	s18 =	simm.s32 @!p1 $0xB;
	_ =	swait.ge @!p0 [sflag:s31], $0x80  }
0x9d: {  	s6 =	sadd.s32 @!p1 $0x80, s6;
	s10 =	spop (v2sf);
	[sflag:s31] =	ssyncset.done @!p0 $0x0  }
0x9e: {  	(v2sf) =	vpush v1, $0xD;
	[sflag:s31] =	ssyncadd.s32 @!p0 $0xFFFFFF80;
	s31 =	simm.s32 @!p1 $0x0;
	p0 =	sne.s32 s10, $0x0  }
0x9f: {  	[hbm4b:s6+s31] =	stream.linear.scatter @!p1 [tilespmem:s31], [sflag:$0xB], $0x80, $0x38;
	[tilespmem:$0x12C00] =	vst v63  }
0xa0: {  	s6 =	sadd.s32 @!p0 $0x0, s30;
	s31 =	simm.s32 @!p0 $0xB;
	_ =	swait.ge @!p1 [sflag:s18], $0x80  }
0xa1: {  	s6 =	sadd.s32 @!p0 $0x90, s6;
	s8 =	spop (v2sf);
	[sflag:s18] =	ssyncset.done @!p1 $0x0  }
0xa2: {  	(v2sf) =	vpush v1, $0xE;
	[sflag:s18] =	ssyncadd.s32 @!p1 $0xFFFFFF80;
	s18 =	simm.s32 @!p0 $0x0;
	p1 =	sne.s32 s8, $0x0  }
0xa3: {  	[hbm4b:s6+s18] =	stream.linear.scatter @!p0 [tilespmem:s18], [sflag:$0xB], $0x80, $0x38;
	[tilespmem:$0x12C00] =	vst v63  }
0xa4: {  	s6 =	sadd.s32 @!p1 $0x0, s30;
	s18 =	simm.s32 @!p1 $0xB;
	_ =	swait.ge @!p0 [sflag:s31], $0x80  }
0xa5: {  	s6 =	sadd.s32 @!p1 $0xA0, s6;
	s9 =	spop (v2sf);
	[sflag:s31] =	ssyncset.done @!p0 $0x0  }
0xa6: {  	[sflag:s31] =	ssyncadd.s32 @!p0 $0xFFFFFF80;
	s31 =	simm.s32 @!p1 $0x0;
	p0 =	sne.s32 s9, $0x0  }
0xa7: {  	(v2sf) =	vpush v1, $0xF;
	[hbm4b:s6+s31] =	stream.linear.scatter @!p1 [tilespmem:s31], [sflag:$0xB], $0x80, $0x38;
	[tilespmem:$0x12C00] =	vst v63  }
0xa8: {  	s6 =	sadd.s32 @!p0 $0x0, s30;
	s31 =	simm.s32 @!p0 $0xB;
	_ =	swait.ge @!p1 [sflag:s18], $0x80  }
0xa9: {  	s6 =	sadd.s32 @!p0 $0xB0, s6;
	s10 =	spop (v2sf);
	[sflag:s18] =	ssyncset.done @!p1 $0x0  }
0xaa: {  	[sflag:s18] =	ssyncadd.s32 @!p1 $0xFFFFFF80;
	s18 =	simm.s32 @!p0 $0x0;
	p1 =	sne.s32 s10, $0x0  }
0xab: {  	[hbm4b:s6+s18] =	stream.linear.scatter @!p0 [tilespmem:s18], [sflag:$0xB], $0x80, $0x38;
	[tilespmem:$0x12C00] =	vst v63  }
0xac: {  	s6 =	sadd.s32 @!p1 $0x0, s30;
	s18 =	simm.s32 @!p1 $0xB;
	_ =	swait.ge @!p0 [sflag:s31], $0x80  }
0xad: {  	s6 =	sadd.s32 @!p1 $0xC0, s6;
	s8 =	spop (v2sf);
	[sflag:s31] =	ssyncset.done @!p0 $0x0  }
0xae: {  	[sflag:s31] =	ssyncadd.s32 @!p0 $0xFFFFFF80;
	s31 =	simm.s32 @!p1 $0x0;
	p0 =	sne.s32 s8, $0x0  }
0xaf: {  	[hbm4b:s6+s31] =	stream.linear.scatter @!p1 [tilespmem:s31], [sflag:$0xB], $0x80, $0x38;
	[tilespmem:$0x12C00] =	vst v63  }
0xb0: {  	s6 =	sadd.s32 @!p0 $0x0, s30;
	s31 =	simm.s32 @!p0 $0xB;
	_ =	swait.ge @!p1 [sflag:s18], $0x80  }
0xb1: {  	s6 =	sadd.s32 @!p0 $0xD0, s6;
	s9 =	spop (v2sf);
	[sflag:s18] =	ssyncset.done @!p1 $0x0  }
0xb2: {  	[sflag:s18] =	ssyncadd.s32 @!p1 $0xFFFFFF80;
	s18 =	simm.s32 @!p0 $0x0;
	p2 =	sne.s32 s9, $0x0  }
0xb3: {  	[hbm4b:s6+s18] =	stream.linear.scatter @!p0 [tilespmem:s18], [sflag:$0xB], $0x80, $0x38;
	[tilespmem:$0x12C00] =	vst v63  }
0xb4: {  	s6 =	sadd.s32 @!p2 $0x0, s30;
	_ =	swait.ge @!p0 [sflag:s31], $0x80  }
0xb5: {  	s8 =	simm.s32 @!p2 $0xB;
	s18 =	simm.s32 @!p2 $0x0;
	[sflag:s31] =	ssyncset.done @!p0 $0x0  }
0xb6: {  	s6 =	sadd.s32 @!p2 $0xE0, s6;
	s10 =	spop (v2sf);
	[sflag:s31] =	ssyncadd.s32 @!p0 $0xFFFFFF80  }
0xb7: {  	[hbm4b:s6+s18] =	stream.linear.scatter @!p2 [tilespmem:s18], [sflag:$0xB], $0x80, $0x38;
	[tilespmem:$0x12C00] =	vst v63  }
0xb8: {  	p1 =	sne.s32 s10, $0x0;
	_ =	swait.ge @!p2 [sflag:s8], $0x80  }
0xb9: {  	s1 =	sadd.s32 @!p1 $0x0, s30;
	s18 =	simm.s32 @!p1 $0xA;
	[sflag:s8] =	ssyncset.done @!p2 $0x0  }
0xba: {  	s6 =	simm.s32 @!p1 $0x0;
	s1 =	sadd.s32 @!p1 $0xF0, s1;
	[sflag:s8] =	ssyncadd.s32 @!p2 $0xFFFFFF80  }
0xbb: {  	[hbm4b:s1+s6] =	stream.linear.scatter @!p1 [tilespmem:s6], [sflag:$0xA], $0x80, $0x38;
	[tilespmem:$0x12C00] =	vst v63  }
0xbc: {  	_ =	swait.ge @!p1 [sflag:s18], $0x80  }
0xbd: {  	s31 =	smov.u32 s23;
	s1 =	simm.s32 $0x100;
	[sflag:s18] =	ssyncset.done @!p1 $0x0  }
.LBB2_5:
0xbe: {  	[sflag:s18] =	ssyncadd.s32 @!p1 $0xFFFFFF80  }
0xbf: {  	s31 =	sadd.s32 $0x10, s31;
	s18 =	smov.u32 s1;
	s1 =	sadd.s32 $0x100, s1  }
0xc0: {  	p0 =	sne.s32 s1, $0x500  }
0xc1: {  	v1 =	vld [tilespmem:s31+$0x0];
	_ =	sdelay $0x4  }
0xc2: {  	(v2sf) =	vpush v1, $0x0  }
0xc3: {  	(v2sf) =	vpush v1, $0x1;
	_ =	sdelay $0x2  }
0xc4: {  	(v2sf) =	vpush v1, $0x2;
	_ =	sdelay $0x3  }
0xc5: {  	(v2sf) =	vpush v1, $0x3;
	_ =	sdelay $0x3  }
0xc6: {  	(v2sf) =	vpush v1, $0x4;
	_ =	sdelay $0x2  }
0xc7: {  	s6 =	spop (v2sf)  }
0xc8: {  	p2 =	sne.s32 s6, $0x0;
	s6 =	spop (v2sf);
	(v2sf) =	vpush v1, $0x5  }
0xc9: {  	s8 =	sadd.s32 @!p2 s18, s30;
	s9 =	simm.s32 @!p2 $0x0;
	s10 =	simm.s32 @!p2 $0xB  }
0xca: {  	[hbm4b:s8+s9] =	stream.linear.scatter @!p2 [tilespmem:s9], [sflag:$0xB], $0x80, $0x38;
	[tilespmem:$0x12C00] =	vst v63  }
0xcb: {  	_ =	swait.ge @!p2 [sflag:s10], $0x80  }
0xcc: {  	p1 =	sne.s32 s6, $0x0;
	s6 =	spop (v2sf)  }
0xcd: {  	s8 =	sadd.s32 @!p1 s18, s30;
	s9 =	simm.s32 @!p1 $0xB;
	[sflag:s10] =	ssyncset.done @!p2 $0x0;
	(v2sf) =	vpush v1, $0x6  }
0xce: {  	s8 =	sadd.s32 @!p1 $0x10, s8;
	[sflag:s10] =	ssyncadd.s32 @!p2 $0xFFFFFF80;
	s10 =	simm.s32 @!p1 $0x0  }
0xcf: {  	[hbm4b:s8+s10] =	stream.linear.scatter @!p1 [tilespmem:s10], [sflag:$0xB], $0x80, $0x38;
	[tilespmem:$0x12C00] =	vst v63  }
0xd0: {  	_ =	swait.ge @!p1 [sflag:s9], $0x80  }
0xd1: {  	p2 =	sne.s32 s6, $0x0;
	s6 =	spop (v2sf)  }
0xd2: {  	s8 =	sadd.s32 @!p2 s18, s30;
	s10 =	simm.s32 @!p2 $0xB;
	[sflag:s9] =	ssyncset.done @!p1 $0x0;
	(v2sf) =	vpush v1, $0x7  }
0xd3: {  	s8 =	sadd.s32 @!p2 $0x20, s8;
	[sflag:s9] =	ssyncadd.s32 @!p1 $0xFFFFFF80;
	s9 =	simm.s32 @!p2 $0x0  }
0xd4: {  	[hbm4b:s8+s9] =	stream.linear.scatter @!p2 [tilespmem:s9], [sflag:$0xB], $0x80, $0x38;
	[tilespmem:$0x12C00] =	vst v63  }
0xd5: {  	_ =	swait.ge @!p2 [sflag:s10], $0x80  }
0xd6: {  	p1 =	sne.s32 s6, $0x0;
	s6 =	spop (v2sf)  }
0xd7: {  	s8 =	sadd.s32 @!p1 s18, s30;
	s9 =	simm.s32 @!p1 $0xB;
	[sflag:s10] =	ssyncset.done @!p2 $0x0;
	(v2sf) =	vpush v1, $0x8  }
0xd8: {  	s8 =	sadd.s32 @!p1 $0x30, s8;
	[sflag:s10] =	ssyncadd.s32 @!p2 $0xFFFFFF80;
	s10 =	simm.s32 @!p1 $0x0  }
0xd9: {  	[hbm4b:s8+s10] =	stream.linear.scatter @!p1 [tilespmem:s10], [sflag:$0xB], $0x80, $0x38;
	[tilespmem:$0x12C00] =	vst v63  }
0xda: {  	_ =	swait.ge @!p1 [sflag:s9], $0x80  }
0xdb: {  	p2 =	sne.s32 s6, $0x0;
	s6 =	spop (v2sf)  }
0xdc: {  	s8 =	sadd.s32 @!p2 s18, s30;
	s10 =	simm.s32 @!p2 $0xB;
	[sflag:s9] =	ssyncset.done @!p1 $0x0;
	(v2sf) =	vpush v1, $0x9  }
0xdd: {  	s8 =	sadd.s32 @!p2 $0x40, s8;
	[sflag:s9] =	ssyncadd.s32 @!p1 $0xFFFFFF80;
	s9 =	simm.s32 @!p2 $0x0  }
0xde: {  	[hbm4b:s8+s9] =	stream.linear.scatter @!p2 [tilespmem:s9], [sflag:$0xB], $0x80, $0x38;
	[tilespmem:$0x12C00] =	vst v63  }
0xdf: {  	_ =	swait.ge @!p2 [sflag:s10], $0x80  }
0xe0: {  	p1 =	sne.s32 s6, $0x0;
	s6 =	spop (v2sf)  }
0xe1: {  	s8 =	sadd.s32 @!p1 s18, s30;
	s9 =	simm.s32 @!p1 $0xB;
	[sflag:s10] =	ssyncset.done @!p2 $0x0;
	(v2sf) =	vpush v1, $0xA  }
0xe2: {  	s8 =	sadd.s32 @!p1 $0x50, s8;
	[sflag:s10] =	ssyncadd.s32 @!p2 $0xFFFFFF80;
	s10 =	simm.s32 @!p1 $0x0  }
0xe3: {  	[hbm4b:s8+s10] =	stream.linear.scatter @!p1 [tilespmem:s10], [sflag:$0xB], $0x80, $0x38;
	[tilespmem:$0x12C00] =	vst v63  }
0xe4: {  	_ =	swait.ge @!p1 [sflag:s9], $0x80  }
0xe5: {  	p2 =	sne.s32 s6, $0x0;
	s6 =	spop (v2sf)  }
0xe6: {  	s8 =	sadd.s32 @!p2 s18, s30;
	s10 =	simm.s32 @!p2 $0xB;
	[sflag:s9] =	ssyncset.done @!p1 $0x0;
	(v2sf) =	vpush v1, $0xB  }
0xe7: {  	s8 =	sadd.s32 @!p2 $0x60, s8;
	[sflag:s9] =	ssyncadd.s32 @!p1 $0xFFFFFF80;
	s9 =	simm.s32 @!p2 $0x0  }
0xe8: {  	[hbm4b:s8+s9] =	stream.linear.scatter @!p2 [tilespmem:s9], [sflag:$0xB], $0x80, $0x38;
	[tilespmem:$0x12C00] =	vst v63  }
0xe9: {  	_ =	swait.ge @!p2 [sflag:s10], $0x80  }
0xea: {  	p1 =	sne.s32 s6, $0x0;
	s6 =	spop (v2sf)  }
0xeb: {  	s8 =	sadd.s32 @!p1 s18, s30;
	s9 =	simm.s32 @!p1 $0xB;
	[sflag:s10] =	ssyncset.done @!p2 $0x0;
	(v2sf) =	vpush v1, $0xC  }
0xec: {  	s8 =	sadd.s32 @!p1 $0x70, s8;
	[sflag:s10] =	ssyncadd.s32 @!p2 $0xFFFFFF80;
	s10 =	simm.s32 @!p1 $0x0  }
0xed: {  	[hbm4b:s8+s10] =	stream.linear.scatter @!p1 [tilespmem:s10], [sflag:$0xB], $0x80, $0x38;
	[tilespmem:$0x12C00] =	vst v63  }
0xee: {  	_ =	swait.ge @!p1 [sflag:s9], $0x80  }
0xef: {  	p2 =	sne.s32 s6, $0x0;
	s6 =	spop (v2sf)  }
0xf0: {  	s8 =	sadd.s32 @!p2 s18, s30;
	s10 =	simm.s32 @!p2 $0xB;
	[sflag:s9] =	ssyncset.done @!p1 $0x0;
	(v2sf) =	vpush v1, $0xD  }
0xf1: {  	s8 =	sadd.s32 @!p2 $0x80, s8;
	[sflag:s9] =	ssyncadd.s32 @!p1 $0xFFFFFF80;
	s9 =	simm.s32 @!p2 $0x0  }
0xf2: {  	[hbm4b:s8+s9] =	stream.linear.scatter @!p2 [tilespmem:s9], [sflag:$0xB], $0x80, $0x38;
	[tilespmem:$0x12C00] =	vst v63  }
0xf3: {  	_ =	swait.ge @!p2 [sflag:s10], $0x80  }
0xf4: {  	p1 =	sne.s32 s6, $0x0;
	s6 =	spop (v2sf)  }
0xf5: {  	s8 =	sadd.s32 @!p1 s18, s30;
	s9 =	simm.s32 @!p1 $0xB;
	[sflag:s10] =	ssyncset.done @!p2 $0x0;
	(v2sf) =	vpush v1, $0xE  }
0xf6: {  	s8 =	sadd.s32 @!p1 $0x90, s8;
	[sflag:s10] =	ssyncadd.s32 @!p2 $0xFFFFFF80;
	s10 =	simm.s32 @!p1 $0x0  }
0xf7: {  	[hbm4b:s8+s10] =	stream.linear.scatter @!p1 [tilespmem:s10], [sflag:$0xB], $0x80, $0x38;
	[tilespmem:$0x12C00] =	vst v63  }
0xf8: {  	_ =	swait.ge @!p1 [sflag:s9], $0x80  }
0xf9: {  	p2 =	sne.s32 s6, $0x0;
	s6 =	spop (v2sf)  }
0xfa: {  	s8 =	sadd.s32 @!p2 s18, s30;
	s10 =	simm.s32 @!p2 $0xB;
	[sflag:s9] =	ssyncset.done @!p1 $0x0;
	(v2sf) =	vpush v1, $0xF  }
0xfb: {  	s8 =	sadd.s32 @!p2 $0xA0, s8;
	[sflag:s9] =	ssyncadd.s32 @!p1 $0xFFFFFF80;
	s9 =	simm.s32 @!p2 $0x0  }
0xfc: {  	[hbm4b:s8+s9] =	stream.linear.scatter @!p2 [tilespmem:s9], [sflag:$0xB], $0x80, $0x38;
	[tilespmem:$0x12C00] =	vst v63  }
0xfd: {  	_ =	swait.ge @!p2 [sflag:s10], $0x80  }
0xfe: {  	p1 =	sne.s32 s6, $0x0;
	s6 =	spop (v2sf)  }
0xff: {  	s8 =	sadd.s32 @!p1 s18, s30;
	s9 =	simm.s32 @!p1 $0xB;
	[sflag:s10] =	ssyncset.done @!p2 $0x0  }
0x100: {  	s8 =	sadd.s32 @!p1 $0xB0, s8;
	[sflag:s10] =	ssyncadd.s32 @!p2 $0xFFFFFF80;
	s10 =	simm.s32 @!p1 $0x0  }
0x101: {  	[hbm4b:s8+s10] =	stream.linear.scatter @!p1 [tilespmem:s10], [sflag:$0xB], $0x80, $0x38;
	[tilespmem:$0x12C00] =	vst v63  }
0x102: {  	_ =	swait.ge @!p1 [sflag:s9], $0x80  }
0x103: {  	p2 =	sne.s32 s6, $0x0;
	s6 =	spop (v2sf)  }
0x104: {  	s8 =	sadd.s32 @!p2 s18, s30;
	s10 =	simm.s32 @!p2 $0xB;
	[sflag:s9] =	ssyncset.done @!p1 $0x0  }
0x105: {  	s8 =	sadd.s32 @!p2 $0xC0, s8;
	[sflag:s9] =	ssyncadd.s32 @!p1 $0xFFFFFF80;
	s9 =	simm.s32 @!p2 $0x0  }
0x106: {  	[hbm4b:s8+s9] =	stream.linear.scatter @!p2 [tilespmem:s9], [sflag:$0xB], $0x80, $0x38;
	[tilespmem:$0x12C00] =	vst v63  }
0x107: {  	_ =	swait.ge @!p2 [sflag:s10], $0x80  }
0x108: {  	p1 =	sne.s32 s6, $0x0;
	s6 =	spop (v2sf)  }
0x109: {  	s8 =	sadd.s32 @!p1 s18, s30;
	s9 =	simm.s32 @!p1 $0xB;
	[sflag:s10] =	ssyncset.done @!p2 $0x0  }
0x10a: {  	s8 =	sadd.s32 @!p1 $0xD0, s8;
	[sflag:s10] =	ssyncadd.s32 @!p2 $0xFFFFFF80;
	s10 =	simm.s32 @!p1 $0x0  }
0x10b: {  	[hbm4b:s8+s10] =	stream.linear.scatter @!p1 [tilespmem:s10], [sflag:$0xB], $0x80, $0x38;
	[tilespmem:$0x12C00] =	vst v63  }
0x10c: {  	p2 =	sne.s32 s6, $0x0;
	_ =	swait.ge @!p1 [sflag:s9], $0x80  }
0x10d: {  	s8 =	sadd.s32 @!p2 s18, s30;
	s6 =	spop (v2sf)  }
0x10e: {  	s10 =	simm.s32 @!p2 $0xB;
	s8 =	sadd.s32 @!p2 $0xE0, s8;
	[sflag:s9] =	ssyncset.done @!p1 $0x0  }
0x10f: {  	[sflag:s9] =	ssyncadd.s32 @!p1 $0xFFFFFF80;
	s9 =	simm.s32 @!p2 $0x0;
	p1 =	sne.s32 s6, $0x0  }
0x110: {  	[hbm4b:s8+s9] =	stream.linear.scatter @!p2 [tilespmem:s9], [sflag:$0xB], $0x80, $0x38;
	[tilespmem:$0x12C00] =	vst v63  }
0x111: {  	s6 =	sadd.s32 @!p1 s18, s30;
	_ =	swait.ge @!p2 [sflag:s10], $0x80  }
.Ltmp7:
0x112: {  	s18 =	simm.s32 @!p1 $0xA;
	[sflag:s10] =	ssyncset.done @!p2 $0x0;
	(pc) =	sbr.rel @p0 .LBB2_5-.Ltmp7, $4  }
0x113: {  	s8 =	simm.s32 @!p1 $0x0;
	s6 =	sadd.s32 @!p1 $0xF0, s6;
	[sflag:s10] =	ssyncadd.s32 @!p2 $0xFFFFFF80  }
0x114: {  	[hbm4b:s6+s8] =	stream.linear.scatter @!p1 [tilespmem:s8], [sflag:$0xA], $0x80, $0x38;
	[tilespmem:$0x12C00] =	vst v63  }
0x115: {  	_ =	swait.ge @!p1 [sflag:s18], $0x80  }
0x116: {  	[sflag:s18] =	ssyncset.done @!p1 $0x0  }
.Ltmp8:
0x117: {  	_ = 	snop;
	(pc) =	sbr.rel .LBB2_6-.Ltmp8, $1  }
0x118: {  	_ =	sdelay $0x3  }
.LBB2_9:
.Ltmp9:
0x119: {  	(pc) =	sbr.rel .LBB2_10-.Ltmp9, $2  }
0x11a: {  	_ =	sdelay $0x2  }
0x11b: {  	s23 =	simm.s32 $0x38;
	s24 =	simm.s32 $0x11F80;
	s25 =	smov.u32 s17  }
.LBB2_16:
0x11c: {  	s23 =	sadd.s32 $0x1, s23  }
0x11d: {  	p0 =	sne.s32 s23, $0x40  }
.Ltmp10:
0x11e: {  	_ = 	snop;
	(pc) =	sbr.rel @!p0 .LBB2_17-.Ltmp10, $2  }
0x11f: {  	_ =	sdelay $0x2  }
0x120: {  	s24 =	sadd.s32 $0x190, s24;
	s25 =	sadd.s32 $0x1900, s25  }
.LBB2_10:
.Ltmp11:
0x121: {  	s0 =	sand.u32 $0x7, s23;
	(pc) =	sbr.rel .LBB2_11-.Ltmp11, $4  }
0x122: {  	s0 =	sadd.s32 $0x1, s0  }
0x123: {  	s1 =	smul.u32 $0x190, s23;
	_ =	swait.ge [sflag:s0], $0xC800  }
0x124: {  	s26 =	simm.s32 $0x0;
	[sflag:s0] =	ssyncset.done $0x0  }
0x125: {  	s28 =	smov.u32 s25;
	s29 =	smov.u32 s24;
	v0 =	vmov s1;
	[sflag:s0] =	ssyncadd.s32 $0xFFFF3800  }
.LBB2_14:
0x126: {  	[sflag:s18] =	ssyncadd.s32 @!p1 $0xFFFFFF80  }
.LBB2_15:
0x127: {  	s26 =	sadd.s32 $0x1, s26  }
0x128: {  	p0 =	sne.s32 s26, $0x5  }
.Ltmp12:
0x129: {  	_ = 	snop;
	(pc) =	sbr.rel @!p0 .LBB2_16-.Ltmp12, $2  }
0x12a: {  	_ =	sdelay $0x2  }
0x12b: {  	s29 =	sadd.s32 $0x50, s29;
	s28 =	sadd.s32 $0x500, s28  }
.LBB2_11:
0x12c: {  	_ =	sdelay $0x1  }
0x12d: {  	s0 =	smul.u32 $0x50, s26;
	_ =	sdelay $0x1  }
0x12e: {  	v1 =	vld.idx.msk [tilespmem:v0+s0+$0xC800 ss:$0x1], $0xffff  }
0x12f: {  	v2 =	vld.idx.msk [tilespmem:v0+s0+$0xC810 ss:$0x1], $0xffff  }
0x130: {  	v3 =	vld.idx.msk [tilespmem:v0+s0+$0xC820 ss:$0x1], $0xffff  }
0x131: {  	v4 =	vld.idx.msk [tilespmem:v0+s0+$0xC830 ss:$0x1], $0xffff  }
0x132: {  	v5 =	vld.idx.msk [tilespmem:v0+s0+$0xC840 ss:$0x1], $0xffff;
	_ =	sdelay $0x1  }
0x133: {  	v1 =	vmin.u32 v1, v2  }
0x134: {  	v1 =	vmin.u32 v1, v3  }
0x135: {  	v1 =	vmin.u32 v1, v4  }
0x136: {  	v1 =	vmin.u32 v1, v5  }
0x137: {  	(v2sf) =	vpush v1, $0x0  }
0x138: {  	(v2sf) =	vpush v1, $0x1  }
0x139: {  	(v2sf) =	vpush v1, $0x2  }
0x13a: {  	(v2sf) =	vpush v1, $0x3  }
0x13b: {  	(v2sf) =	vpush v1, $0x4  }
0x13c: {  	(v2sf) =	vpush v1, $0x5  }
0x13d: {  	(v2sf) =	vpush v1, $0x6  }
0x13e: {  	(v2sf) =	vpush v1, $0x7  }
0x13f: {  	(v2sf) =	vpush v1, $0x8  }
0x140: {  	(v2sf) =	vpush v1, $0x9  }
0x141: {  	(v2sf) =	vpush v1, $0xA  }
0x142: {  	(v2sf) =	vpush v1, $0xB  }
0x143: {  	(v2sf) =	vpush v1, $0xC  }
0x144: {  	(v2sf) =	vpush v1, $0xD  }
0x145: {  	(v2sf) =	vpush v1, $0xE  }
0x146: {  	s31 =	spop (v2sf);
	(v2sf) =	vpush v1, $0xF  }
0x147: {  	s1 =	spop (v2sf)  }
0x148: {  	s0 =	smin.u32 s31, s1;
	s6 =	spop (v2sf)  }
0x149: {  	s0 =	smin.u32 s0, s6;
	s8 =	spop (v2sf)  }
0x14a: {  	s0 =	smin.u32 s0, s8;
	s9 =	spop (v2sf)  }
0x14b: {  	s0 =	smin.u32 s0, s9;
	s10 =	spop (v2sf)  }
0x14c: {  	s0 =	smin.u32 s0, s10;
	s18 =	spop (v2sf)  }
0x14d: {  	s0 =	smin.u32 s0, s18;
	s30 =	spop (v2sf)  }
0x14e: {  	s0 =	smin.u32 s0, s30;
	s31 =	spop (v2sf)  }
0x14f: {  	s0 =	smin.u32 s0, s31;
	s6 =	spop (v2sf)  }
0x150: {  	s0 =	smin.u32 s0, s6;
	s8 =	spop (v2sf)  }
0x151: {  	s0 =	smin.u32 s0, s8;
	s9 =	spop (v2sf)  }
0x152: {  	s0 =	smin.u32 s0, s9;
	s10 =	spop (v2sf)  }
0x153: {  	s0 =	smin.u32 s0, s10;
	s18 =	spop (v2sf)  }
0x154: {  	s0 =	smin.u32 s0, s18;
	s30 =	spop (v2sf)  }
0x155: {  	s0 =	smin.u32 s0, s30;
	s31 =	spop (v2sf)  }
0x156: {  	s0 =	smin.u32 s0, s31  }
0x157: {  	p0 =	sne.s32 s0, $0x0  }
.Ltmp13:
0x158: {  	_ = 	snop;
	(pc) =	sbr.rel @p0 .LBB2_15-.Ltmp13, $1  }
0x159: {  	_ =	sdelay $0x3  }
0x15a: {  	v1 =	vld [tilespmem:s29+$0x0];
	_ =	sdelay $0x4  }
0x15b: {  	(v2sf) =	vpush v1, $0x0;
	_ =	sdelay $0x1  }
0x15c: {  	(v2sf) =	vpush v1, $0x1;
	_ =	sdelay $0x3  }
0x15d: {  	(v2sf) =	vpush v1, $0x2;
	_ =	sdelay $0x3  }
0x15e: {  	(v2sf) =	vpush v1, $0x3;
	_ =	sdelay $0x3  }
0x15f: {  	(v2sf) =	vpush v1, $0x4  }
0x160: {  	s0 =	spop (v2sf)  }
0x161: {  	p1 =	sne.s32 s0, $0x0  }
0x162: {  	s9 =	spop (v2sf);
	s1 =	sadd.s32 @!p1 $0x0, s28  }
0x163: {  	(v2sf) =	vpush v1, $0x5;
	s6 =	simm.s32 @!p1 $0x0;
	s8 =	simm.s32 @!p1 $0xB;
	p0 =	sne.s32 s9, $0x0  }
0x164: {  	[hbm4b:s1+s6] =	stream.linear.scatter @!p1 [tilespmem:s6], [sflag:$0xB], $0x80, $0x38;
	[tilespmem:$0x12C00] =	vst v63  }
0x165: {  	s1 =	sadd.s32 @!p0 $0x0, s28;
	s6 =	simm.s32 @!p0 $0xB;
	_ =	swait.ge @!p1 [sflag:s8], $0x80  }
0x166: {  	s1 =	sadd.s32 @!p0 $0x10, s1;
	s10 =	spop (v2sf);
	[sflag:s8] =	ssyncset.done @!p1 $0x0  }
0x167: {  	(v2sf) =	vpush v1, $0x6;
	[sflag:s8] =	ssyncadd.s32 @!p1 $0xFFFFFF80;
	s8 =	simm.s32 @!p0 $0x0;
	p1 =	sne.s32 s10, $0x0  }
0x168: {  	[hbm4b:s1+s8] =	stream.linear.scatter @!p0 [tilespmem:s8], [sflag:$0xB], $0x80, $0x38;
	[tilespmem:$0x12C00] =	vst v63  }
0x169: {  	s1 =	sadd.s32 @!p1 $0x0, s28;
	s8 =	simm.s32 @!p1 $0xB;
	_ =	swait.ge @!p0 [sflag:s6], $0x80  }
0x16a: {  	s1 =	sadd.s32 @!p1 $0x20, s1;
	s18 =	spop (v2sf);
	[sflag:s6] =	ssyncset.done @!p0 $0x0  }
0x16b: {  	(v2sf) =	vpush v1, $0x7;
	[sflag:s6] =	ssyncadd.s32 @!p0 $0xFFFFFF80;
	s6 =	simm.s32 @!p1 $0x0;
	p0 =	sne.s32 s18, $0x0  }
0x16c: {  	[hbm4b:s1+s6] =	stream.linear.scatter @!p1 [tilespmem:s6], [sflag:$0xB], $0x80, $0x38;
	[tilespmem:$0x12C00] =	vst v63  }
0x16d: {  	s1 =	sadd.s32 @!p0 $0x0, s28;
	s6 =	simm.s32 @!p0 $0xB;
	_ =	swait.ge @!p1 [sflag:s8], $0x80  }
0x16e: {  	s1 =	sadd.s32 @!p0 $0x30, s1;
	s30 =	spop (v2sf);
	[sflag:s8] =	ssyncset.done @!p1 $0x0  }
0x16f: {  	(v2sf) =	vpush v1, $0x8;
	[sflag:s8] =	ssyncadd.s32 @!p1 $0xFFFFFF80;
	s8 =	simm.s32 @!p0 $0x0;
	p1 =	sne.s32 s30, $0x0  }
0x170: {  	[hbm4b:s1+s8] =	stream.linear.scatter @!p0 [tilespmem:s8], [sflag:$0xB], $0x80, $0x38;
	[tilespmem:$0x12C00] =	vst v63  }
0x171: {  	s1 =	sadd.s32 @!p1 $0x0, s28;
	s8 =	simm.s32 @!p1 $0xB;
	_ =	swait.ge @!p0 [sflag:s6], $0x80  }
0x172: {  	s1 =	sadd.s32 @!p1 $0x40, s1;
	s31 =	spop (v2sf);
	[sflag:s6] =	ssyncset.done @!p0 $0x0  }
0x173: {  	(v2sf) =	vpush v1, $0x9;
	[sflag:s6] =	ssyncadd.s32 @!p0 $0xFFFFFF80;
	s6 =	simm.s32 @!p1 $0x0;
	p0 =	sne.s32 s31, $0x0  }
0x174: {  	[hbm4b:s1+s6] =	stream.linear.scatter @!p1 [tilespmem:s6], [sflag:$0xB], $0x80, $0x38;
	[tilespmem:$0x12C00] =	vst v63  }
0x175: {  	s1 =	sadd.s32 @!p0 $0x0, s28;
	s6 =	simm.s32 @!p0 $0xB;
	_ =	swait.ge @!p1 [sflag:s8], $0x80  }
0x176: {  	s1 =	sadd.s32 @!p0 $0x50, s1;
	s9 =	spop (v2sf);
	[sflag:s8] =	ssyncset.done @!p1 $0x0  }
0x177: {  	(v2sf) =	vpush v1, $0xA;
	[sflag:s8] =	ssyncadd.s32 @!p1 $0xFFFFFF80;
	s8 =	simm.s32 @!p0 $0x0;
	p1 =	sne.s32 s9, $0x0  }
0x178: {  	[hbm4b:s1+s8] =	stream.linear.scatter @!p0 [tilespmem:s8], [sflag:$0xB], $0x80, $0x38;
	[tilespmem:$0x12C00] =	vst v63  }
0x179: {  	s1 =	sadd.s32 @!p1 $0x0, s28;
	s8 =	simm.s32 @!p1 $0xB;
	_ =	swait.ge @!p0 [sflag:s6], $0x80  }
0x17a: {  	s1 =	sadd.s32 @!p1 $0x60, s1;
	s10 =	spop (v2sf);
	[sflag:s6] =	ssyncset.done @!p0 $0x0  }
0x17b: {  	(v2sf) =	vpush v1, $0xB;
	[sflag:s6] =	ssyncadd.s32 @!p0 $0xFFFFFF80;
	s6 =	simm.s32 @!p1 $0x0;
	p0 =	sne.s32 s10, $0x0  }
0x17c: {  	[hbm4b:s1+s6] =	stream.linear.scatter @!p1 [tilespmem:s6], [sflag:$0xB], $0x80, $0x38;
	[tilespmem:$0x12C00] =	vst v63  }
0x17d: {  	s1 =	sadd.s32 @!p0 $0x0, s28;
	s6 =	simm.s32 @!p0 $0xB;
	_ =	swait.ge @!p1 [sflag:s8], $0x80  }
0x17e: {  	s1 =	sadd.s32 @!p0 $0x70, s1;
	s18 =	spop (v2sf);
	[sflag:s8] =	ssyncset.done @!p1 $0x0  }
0x17f: {  	(v2sf) =	vpush v1, $0xC;
	[sflag:s8] =	ssyncadd.s32 @!p1 $0xFFFFFF80;
	s8 =	simm.s32 @!p0 $0x0;
	p1 =	sne.s32 s18, $0x0  }
0x180: {  	[hbm4b:s1+s8] =	stream.linear.scatter @!p0 [tilespmem:s8], [sflag:$0xB], $0x80, $0x38;
	[tilespmem:$0x12C00] =	vst v63  }
0x181: {  	s1 =	sadd.s32 @!p1 $0x0, s28;
	s8 =	simm.s32 @!p1 $0xB;
	_ =	swait.ge @!p0 [sflag:s6], $0x80  }
0x182: {  	s1 =	sadd.s32 @!p1 $0x80, s1;
	s30 =	spop (v2sf);
	[sflag:s6] =	ssyncset.done @!p0 $0x0  }
0x183: {  	(v2sf) =	vpush v1, $0xD;
	[sflag:s6] =	ssyncadd.s32 @!p0 $0xFFFFFF80;
	s6 =	simm.s32 @!p1 $0x0;
	p0 =	sne.s32 s30, $0x0  }
0x184: {  	[hbm4b:s1+s6] =	stream.linear.scatter @!p1 [tilespmem:s6], [sflag:$0xB], $0x80, $0x38;
	[tilespmem:$0x12C00] =	vst v63  }
0x185: {  	s1 =	sadd.s32 @!p0 $0x0, s28;
	s6 =	simm.s32 @!p0 $0xB;
	_ =	swait.ge @!p1 [sflag:s8], $0x80  }
0x186: {  	s1 =	sadd.s32 @!p0 $0x90, s1;
	s31 =	spop (v2sf);
	[sflag:s8] =	ssyncset.done @!p1 $0x0  }
0x187: {  	(v2sf) =	vpush v1, $0xE;
	[sflag:s8] =	ssyncadd.s32 @!p1 $0xFFFFFF80;
	s8 =	simm.s32 @!p0 $0x0;
	p1 =	sne.s32 s31, $0x0  }
0x188: {  	[hbm4b:s1+s8] =	stream.linear.scatter @!p0 [tilespmem:s8], [sflag:$0xB], $0x80, $0x38;
	[tilespmem:$0x12C00] =	vst v63  }
0x189: {  	s1 =	sadd.s32 @!p1 $0x0, s28;
	s8 =	simm.s32 @!p1 $0xB;
	_ =	swait.ge @!p0 [sflag:s6], $0x80  }
0x18a: {  	s1 =	sadd.s32 @!p1 $0xA0, s1;
	s9 =	spop (v2sf);
	[sflag:s6] =	ssyncset.done @!p0 $0x0  }
0x18b: {  	[sflag:s6] =	ssyncadd.s32 @!p0 $0xFFFFFF80;
	s6 =	simm.s32 @!p1 $0x0;
	p0 =	sne.s32 s9, $0x0  }
0x18c: {  	(v2sf) =	vpush v1, $0xF;
	[hbm4b:s1+s6] =	stream.linear.scatter @!p1 [tilespmem:s6], [sflag:$0xB], $0x80, $0x38;
	[tilespmem:$0x12C00] =	vst v63  }
0x18d: {  	s1 =	sadd.s32 @!p0 $0x0, s28;
	s6 =	simm.s32 @!p0 $0xB;
	_ =	swait.ge @!p1 [sflag:s8], $0x80  }
0x18e: {  	s1 =	sadd.s32 @!p0 $0xB0, s1;
	s10 =	spop (v2sf);
	[sflag:s8] =	ssyncset.done @!p1 $0x0  }
0x18f: {  	[sflag:s8] =	ssyncadd.s32 @!p1 $0xFFFFFF80;
	s8 =	simm.s32 @!p0 $0x0;
	p1 =	sne.s32 s10, $0x0  }
0x190: {  	[hbm4b:s1+s8] =	stream.linear.scatter @!p0 [tilespmem:s8], [sflag:$0xB], $0x80, $0x38;
	[tilespmem:$0x12C00] =	vst v63  }
0x191: {  	s1 =	sadd.s32 @!p1 $0x0, s28;
	s8 =	simm.s32 @!p1 $0xB;
	_ =	swait.ge @!p0 [sflag:s6], $0x80  }
0x192: {  	s1 =	sadd.s32 @!p1 $0xC0, s1;
	s18 =	spop (v2sf);
	[sflag:s6] =	ssyncset.done @!p0 $0x0  }
0x193: {  	[sflag:s6] =	ssyncadd.s32 @!p0 $0xFFFFFF80;
	s6 =	simm.s32 @!p1 $0x0;
	p0 =	sne.s32 s18, $0x0  }
0x194: {  	[hbm4b:s1+s6] =	stream.linear.scatter @!p1 [tilespmem:s6], [sflag:$0xB], $0x80, $0x38;
	[tilespmem:$0x12C00] =	vst v63  }
0x195: {  	s1 =	sadd.s32 @!p0 $0x0, s28;
	s6 =	simm.s32 @!p0 $0xB;
	_ =	swait.ge @!p1 [sflag:s8], $0x80  }
0x196: {  	s1 =	sadd.s32 @!p0 $0xD0, s1;
	s30 =	spop (v2sf);
	[sflag:s8] =	ssyncset.done @!p1 $0x0  }
0x197: {  	[sflag:s8] =	ssyncadd.s32 @!p1 $0xFFFFFF80;
	s8 =	simm.s32 @!p0 $0x0;
	p2 =	sne.s32 s30, $0x0  }
0x198: {  	[hbm4b:s1+s8] =	stream.linear.scatter @!p0 [tilespmem:s8], [sflag:$0xB], $0x80, $0x38;
	[tilespmem:$0x12C00] =	vst v63  }
0x199: {  	s1 =	sadd.s32 @!p2 $0x0, s28;
	_ =	swait.ge @!p0 [sflag:s6], $0x80  }
0x19a: {  	s8 =	simm.s32 @!p2 $0xB;
	s1 =	sadd.s32 @!p2 $0xE0, s1;
	[sflag:s6] =	ssyncset.done @!p0 $0x0  }
0x19b: {  	s31 =	spop (v2sf);
	[sflag:s6] =	ssyncadd.s32 @!p0 $0xFFFFFF80;
	s6 =	simm.s32 @!p2 $0x0  }
0x19c: {  	[hbm4b:s1+s6] =	stream.linear.scatter @!p2 [tilespmem:s6], [sflag:$0xB], $0x80, $0x38;
	[tilespmem:$0x12C00] =	vst v63  }
0x19d: {  	p1 =	sne.s32 s31, $0x0;
	_ =	swait.ge @!p2 [sflag:s8], $0x80  }
0x19e: {  	s0 =	sadd.s32 @!p1 $0x0, s28;
	s18 =	simm.s32 @!p1 $0xA;
	[sflag:s8] =	ssyncset.done @!p2 $0x0  }
0x19f: {  	s1 =	simm.s32 @!p1 $0x0;
	s0 =	sadd.s32 @!p1 $0xF0, s0;
	[sflag:s8] =	ssyncadd.s32 @!p2 $0xFFFFFF80  }
0x1a0: {  	[hbm4b:s0+s1] =	stream.linear.scatter @!p1 [tilespmem:s1], [sflag:$0xA], $0x80, $0x38;
	[tilespmem:$0x12C00] =	vst v63  }
0x1a1: {  	_ =	swait.ge @!p1 [sflag:s18], $0x80  }
0x1a2: {  	s1 =	simm.s32 $0x100;
	s0 =	smov.u32 s29;
	[sflag:s18] =	ssyncset.done @!p1 $0x0  }
.LBB2_13:
0x1a3: {  	[sflag:s18] =	ssyncadd.s32 @!p1 $0xFFFFFF80  }
0x1a4: {  	s0 =	sadd.s32 $0x10, s0;
	s18 =	smov.u32 s1;
	s1 =	sadd.s32 $0x100, s1  }
0x1a5: {  	p0 =	sne.s32 s1, $0x500  }
0x1a6: {  	v1 =	vld [tilespmem:s0+$0x0];
	_ =	sdelay $0x4  }
0x1a7: {  	(v2sf) =	vpush v1, $0x0  }
0x1a8: {  	(v2sf) =	vpush v1, $0x1;
	_ =	sdelay $0x2  }
0x1a9: {  	(v2sf) =	vpush v1, $0x2;
	_ =	sdelay $0x3  }
0x1aa: {  	(v2sf) =	vpush v1, $0x3;
	_ =	sdelay $0x3  }
0x1ab: {  	(v2sf) =	vpush v1, $0x4;
	_ =	sdelay $0x2  }
0x1ac: {  	s6 =	spop (v2sf)  }
0x1ad: {  	p2 =	sne.s32 s6, $0x0;
	s6 =	spop (v2sf);
	(v2sf) =	vpush v1, $0x5  }
0x1ae: {  	s8 =	sadd.s32 @!p2 s18, s28;
	s9 =	simm.s32 @!p2 $0x0;
	s10 =	simm.s32 @!p2 $0xB  }
0x1af: {  	[hbm4b:s8+s9] =	stream.linear.scatter @!p2 [tilespmem:s9], [sflag:$0xB], $0x80, $0x38;
	[tilespmem:$0x12C00] =	vst v63  }
0x1b0: {  	_ =	swait.ge @!p2 [sflag:s10], $0x80  }
0x1b1: {  	p1 =	sne.s32 s6, $0x0;
	s6 =	spop (v2sf)  }
0x1b2: {  	s8 =	sadd.s32 @!p1 s18, s28;
	s9 =	simm.s32 @!p1 $0xB;
	[sflag:s10] =	ssyncset.done @!p2 $0x0;
	(v2sf) =	vpush v1, $0x6  }
0x1b3: {  	s8 =	sadd.s32 @!p1 $0x10, s8;
	[sflag:s10] =	ssyncadd.s32 @!p2 $0xFFFFFF80;
	s10 =	simm.s32 @!p1 $0x0  }
0x1b4: {  	[hbm4b:s8+s10] =	stream.linear.scatter @!p1 [tilespmem:s10], [sflag:$0xB], $0x80, $0x38;
	[tilespmem:$0x12C00] =	vst v63  }
0x1b5: {  	_ =	swait.ge @!p1 [sflag:s9], $0x80  }
0x1b6: {  	p2 =	sne.s32 s6, $0x0;
	s6 =	spop (v2sf)  }
0x1b7: {  	s8 =	sadd.s32 @!p2 s18, s28;
	s10 =	simm.s32 @!p2 $0xB;
	[sflag:s9] =	ssyncset.done @!p1 $0x0;
	(v2sf) =	vpush v1, $0x7  }
0x1b8: {  	s8 =	sadd.s32 @!p2 $0x20, s8;
	[sflag:s9] =	ssyncadd.s32 @!p1 $0xFFFFFF80;
	s9 =	simm.s32 @!p2 $0x0  }
0x1b9: {  	[hbm4b:s8+s9] =	stream.linear.scatter @!p2 [tilespmem:s9], [sflag:$0xB], $0x80, $0x38;
	[tilespmem:$0x12C00] =	vst v63  }
0x1ba: {  	_ =	swait.ge @!p2 [sflag:s10], $0x80  }
0x1bb: {  	p1 =	sne.s32 s6, $0x0;
	s6 =	spop (v2sf)  }
0x1bc: {  	s8 =	sadd.s32 @!p1 s18, s28;
	s9 =	simm.s32 @!p1 $0xB;
	[sflag:s10] =	ssyncset.done @!p2 $0x0;
	(v2sf) =	vpush v1, $0x8  }
0x1bd: {  	s8 =	sadd.s32 @!p1 $0x30, s8;
	[sflag:s10] =	ssyncadd.s32 @!p2 $0xFFFFFF80;
	s10 =	simm.s32 @!p1 $0x0  }
0x1be: {  	[hbm4b:s8+s10] =	stream.linear.scatter @!p1 [tilespmem:s10], [sflag:$0xB], $0x80, $0x38;
	[tilespmem:$0x12C00] =	vst v63  }
0x1bf: {  	_ =	swait.ge @!p1 [sflag:s9], $0x80  }
0x1c0: {  	p2 =	sne.s32 s6, $0x0;
	s6 =	spop (v2sf)  }
0x1c1: {  	s8 =	sadd.s32 @!p2 s18, s28;
	s10 =	simm.s32 @!p2 $0xB;
	[sflag:s9] =	ssyncset.done @!p1 $0x0;
	(v2sf) =	vpush v1, $0x9  }
0x1c2: {  	s8 =	sadd.s32 @!p2 $0x40, s8;
	[sflag:s9] =	ssyncadd.s32 @!p1 $0xFFFFFF80;
	s9 =	simm.s32 @!p2 $0x0  }
0x1c3: {  	[hbm4b:s8+s9] =	stream.linear.scatter @!p2 [tilespmem:s9], [sflag:$0xB], $0x80, $0x38;
	[tilespmem:$0x12C00] =	vst v63  }
0x1c4: {  	_ =	swait.ge @!p2 [sflag:s10], $0x80  }
0x1c5: {  	p1 =	sne.s32 s6, $0x0;
	s6 =	spop (v2sf)  }
0x1c6: {  	s8 =	sadd.s32 @!p1 s18, s28;
	s9 =	simm.s32 @!p1 $0xB;
	[sflag:s10] =	ssyncset.done @!p2 $0x0;
	(v2sf) =	vpush v1, $0xA  }
0x1c7: {  	s8 =	sadd.s32 @!p1 $0x50, s8;
	[sflag:s10] =	ssyncadd.s32 @!p2 $0xFFFFFF80;
	s10 =	simm.s32 @!p1 $0x0  }
0x1c8: {  	[hbm4b:s8+s10] =	stream.linear.scatter @!p1 [tilespmem:s10], [sflag:$0xB], $0x80, $0x38;
	[tilespmem:$0x12C00] =	vst v63  }
0x1c9: {  	_ =	swait.ge @!p1 [sflag:s9], $0x80  }
0x1ca: {  	p2 =	sne.s32 s6, $0x0;
	s6 =	spop (v2sf)  }
0x1cb: {  	s8 =	sadd.s32 @!p2 s18, s28;
	s10 =	simm.s32 @!p2 $0xB;
	[sflag:s9] =	ssyncset.done @!p1 $0x0;
	(v2sf) =	vpush v1, $0xB  }
0x1cc: {  	s8 =	sadd.s32 @!p2 $0x60, s8;
	[sflag:s9] =	ssyncadd.s32 @!p1 $0xFFFFFF80;
	s9 =	simm.s32 @!p2 $0x0  }
0x1cd: {  	[hbm4b:s8+s9] =	stream.linear.scatter @!p2 [tilespmem:s9], [sflag:$0xB], $0x80, $0x38;
	[tilespmem:$0x12C00] =	vst v63  }
0x1ce: {  	_ =	swait.ge @!p2 [sflag:s10], $0x80  }
0x1cf: {  	p1 =	sne.s32 s6, $0x0;
	s6 =	spop (v2sf)  }
0x1d0: {  	s8 =	sadd.s32 @!p1 s18, s28;
	s9 =	simm.s32 @!p1 $0xB;
	[sflag:s10] =	ssyncset.done @!p2 $0x0;
	(v2sf) =	vpush v1, $0xC  }
0x1d1: {  	s8 =	sadd.s32 @!p1 $0x70, s8;
	[sflag:s10] =	ssyncadd.s32 @!p2 $0xFFFFFF80;
	s10 =	simm.s32 @!p1 $0x0  }
0x1d2: {  	[hbm4b:s8+s10] =	stream.linear.scatter @!p1 [tilespmem:s10], [sflag:$0xB], $0x80, $0x38;
	[tilespmem:$0x12C00] =	vst v63  }
0x1d3: {  	_ =	swait.ge @!p1 [sflag:s9], $0x80  }
0x1d4: {  	p2 =	sne.s32 s6, $0x0;
	s6 =	spop (v2sf)  }
0x1d5: {  	s8 =	sadd.s32 @!p2 s18, s28;
	s10 =	simm.s32 @!p2 $0xB;
	[sflag:s9] =	ssyncset.done @!p1 $0x0;
	(v2sf) =	vpush v1, $0xD  }
0x1d6: {  	s8 =	sadd.s32 @!p2 $0x80, s8;
	[sflag:s9] =	ssyncadd.s32 @!p1 $0xFFFFFF80;
	s9 =	simm.s32 @!p2 $0x0  }
0x1d7: {  	[hbm4b:s8+s9] =	stream.linear.scatter @!p2 [tilespmem:s9], [sflag:$0xB], $0x80, $0x38;
	[tilespmem:$0x12C00] =	vst v63  }
0x1d8: {  	_ =	swait.ge @!p2 [sflag:s10], $0x80  }
0x1d9: {  	p1 =	sne.s32 s6, $0x0;
	s6 =	spop (v2sf)  }
0x1da: {  	s8 =	sadd.s32 @!p1 s18, s28;
	s9 =	simm.s32 @!p1 $0xB;
	[sflag:s10] =	ssyncset.done @!p2 $0x0;
	(v2sf) =	vpush v1, $0xE  }
0x1db: {  	s8 =	sadd.s32 @!p1 $0x90, s8;
	[sflag:s10] =	ssyncadd.s32 @!p2 $0xFFFFFF80;
	s10 =	simm.s32 @!p1 $0x0  }
0x1dc: {  	[hbm4b:s8+s10] =	stream.linear.scatter @!p1 [tilespmem:s10], [sflag:$0xB], $0x80, $0x38;
	[tilespmem:$0x12C00] =	vst v63  }
0x1dd: {  	_ =	swait.ge @!p1 [sflag:s9], $0x80  }
0x1de: {  	p2 =	sne.s32 s6, $0x0;
	s6 =	spop (v2sf)  }
0x1df: {  	s8 =	sadd.s32 @!p2 s18, s28;
	s10 =	simm.s32 @!p2 $0xB;
	[sflag:s9] =	ssyncset.done @!p1 $0x0;
	(v2sf) =	vpush v1, $0xF  }
0x1e0: {  	s8 =	sadd.s32 @!p2 $0xA0, s8;
	[sflag:s9] =	ssyncadd.s32 @!p1 $0xFFFFFF80;
	s9 =	simm.s32 @!p2 $0x0  }
0x1e1: {  	[hbm4b:s8+s9] =	stream.linear.scatter @!p2 [tilespmem:s9], [sflag:$0xB], $0x80, $0x38;
	[tilespmem:$0x12C00] =	vst v63  }
0x1e2: {  	_ =	swait.ge @!p2 [sflag:s10], $0x80  }
0x1e3: {  	p1 =	sne.s32 s6, $0x0;
	s6 =	spop (v2sf)  }
0x1e4: {  	s8 =	sadd.s32 @!p1 s18, s28;
	s9 =	simm.s32 @!p1 $0xB;
	[sflag:s10] =	ssyncset.done @!p2 $0x0  }
0x1e5: {  	s8 =	sadd.s32 @!p1 $0xB0, s8;
	[sflag:s10] =	ssyncadd.s32 @!p2 $0xFFFFFF80;
	s10 =	simm.s32 @!p1 $0x0  }
0x1e6: {  	[hbm4b:s8+s10] =	stream.linear.scatter @!p1 [tilespmem:s10], [sflag:$0xB], $0x80, $0x38;
	[tilespmem:$0x12C00] =	vst v63  }
0x1e7: {  	_ =	swait.ge @!p1 [sflag:s9], $0x80  }
0x1e8: {  	p2 =	sne.s32 s6, $0x0;
	s6 =	spop (v2sf)  }
0x1e9: {  	s8 =	sadd.s32 @!p2 s18, s28;
	s10 =	simm.s32 @!p2 $0xB;
	[sflag:s9] =	ssyncset.done @!p1 $0x0  }
0x1ea: {  	s8 =	sadd.s32 @!p2 $0xC0, s8;
	[sflag:s9] =	ssyncadd.s32 @!p1 $0xFFFFFF80;
	s9 =	simm.s32 @!p2 $0x0  }
0x1eb: {  	[hbm4b:s8+s9] =	stream.linear.scatter @!p2 [tilespmem:s9], [sflag:$0xB], $0x80, $0x38;
	[tilespmem:$0x12C00] =	vst v63  }
0x1ec: {  	_ =	swait.ge @!p2 [sflag:s10], $0x80  }
0x1ed: {  	p1 =	sne.s32 s6, $0x0;
	s6 =	spop (v2sf)  }
0x1ee: {  	s8 =	sadd.s32 @!p1 s18, s28;
	s9 =	simm.s32 @!p1 $0xB;
	[sflag:s10] =	ssyncset.done @!p2 $0x0  }
0x1ef: {  	s8 =	sadd.s32 @!p1 $0xD0, s8;
	[sflag:s10] =	ssyncadd.s32 @!p2 $0xFFFFFF80;
	s10 =	simm.s32 @!p1 $0x0  }
0x1f0: {  	[hbm4b:s8+s10] =	stream.linear.scatter @!p1 [tilespmem:s10], [sflag:$0xB], $0x80, $0x38;
	[tilespmem:$0x12C00] =	vst v63  }
0x1f1: {  	p2 =	sne.s32 s6, $0x0;
	_ =	swait.ge @!p1 [sflag:s9], $0x80  }
0x1f2: {  	s8 =	sadd.s32 @!p2 s18, s28;
	s6 =	spop (v2sf)  }
0x1f3: {  	s10 =	simm.s32 @!p2 $0xB;
	s8 =	sadd.s32 @!p2 $0xE0, s8;
	[sflag:s9] =	ssyncset.done @!p1 $0x0  }
0x1f4: {  	[sflag:s9] =	ssyncadd.s32 @!p1 $0xFFFFFF80;
	s9 =	simm.s32 @!p2 $0x0;
	p1 =	sne.s32 s6, $0x0  }
0x1f5: {  	[hbm4b:s8+s9] =	stream.linear.scatter @!p2 [tilespmem:s9], [sflag:$0xB], $0x80, $0x38;
	[tilespmem:$0x12C00] =	vst v63  }
0x1f6: {  	s6 =	sadd.s32 @!p1 s18, s28;
	_ =	swait.ge @!p2 [sflag:s10], $0x80  }
.Ltmp14:
0x1f7: {  	s18 =	simm.s32 @!p1 $0xA;
	[sflag:s10] =	ssyncset.done @!p2 $0x0;
	(pc) =	sbr.rel @p0 .LBB2_13-.Ltmp14, $4  }
0x1f8: {  	s8 =	simm.s32 @!p1 $0x0;
	s6 =	sadd.s32 @!p1 $0xF0, s6;
	[sflag:s10] =	ssyncadd.s32 @!p2 $0xFFFFFF80  }
0x1f9: {  	[hbm4b:s6+s8] =	stream.linear.scatter @!p1 [tilespmem:s8], [sflag:$0xA], $0x80, $0x38;
	[tilespmem:$0x12C00] =	vst v63  }
0x1fa: {  	_ =	swait.ge @!p1 [sflag:s18], $0x80  }
0x1fb: {  	[sflag:s18] =	ssyncset.done @!p1 $0x0  }
.Ltmp15:
0x1fc: {  	_ = 	snop;
	(pc) =	sbr.rel .LBB2_14-.Ltmp15, $1  }
0x1fd: {  	_ =	sdelay $0x3  }
.LBB2_18:
0x1fe: {  	_ =	sfence.sel $0x180000  }
0x1ff: {  	[bflag:$0x0] =	sbarrier.arrive $0xFFFF  }
0x200: {  	_ =	strace $0x90000047  }
0x201: {  	s0 =	stileid.u32;
	[bflag:$0x2] =	sbarrier.arrive $0xFFFF  }
0x202: {  	p0 =	sne.s32 s0, $0x0;
	s0 =	rddreg [dreg:$0x2]  }
0x203: {  	s0 =	sadd.s32 @!p0 $0x100000, s0  }
0x204: {  	[sflag:s0] =	ssyncadd.tile.s32 @!p0 $0x1;
	_ =	shalt  }
.Lfunc_end2:
_tile_overlayer_lowered:
.L_overlay_start_2:
0x205: {  	(tag) =	ssettag $0x2  }
0x206: {  	s0 =	rddreg [dreg:$0x0];
	s2 =	stileid.u32  }
0x207: {  	s1 =	rddreg [dreg:$0x1];
	p0 =	sne.s32 s2, $0x0  }
0x208: {  	s3 =	rddreg [dreg:$0x2];
	[bflag:$0x3] =	sbarrier.arrive $0xFFFF;
	s2 =	simm.s32 @!p0 $0x1C0A  }
0x209: {  	[timem:s3], [sflag:s2] =	dma.local @!p0 [hbm:s0], s1  }
0x20a: {  	s0 =	simm.s32 @!p0 $0xA  }
0x20b: {  	_ =	swait.ge @!p0 [sflag:s0], s1  }
0x20c: {  	s1 =	ssub.s32 @!p0 $0x0, s1;
	[sflag:s0] =	ssyncset.done @!p0 $0x0  }
0x20d: {  	[sflag:s0] =	ssyncadd.s32 @!p0 s1  }
0x20e: {  	[bflag:$0x3] =	sbarrier.arrive $0xFFFF  }
0x20f: {  	_ =	shalt  }

</sc_bundles>
